<compile_context>
chip_gen: v7x
topology: tpu7x:2x2x1
jax: 0.10.2.dev20260603
libtpu: 0.0.44.dev20260713+nightly
codegen_flags: <defaults>
</compile_context>

<pallas_src>
import functools

import jax
import jax.numpy as jnp
from jax import lax
from jax.experimental import pallas as pl
from jax.experimental.pallas import tpu as pltpu
from jax.experimental.pallas import tpu_sc as plsc

_NC, _NS = 2, 16
_NW = _NC * _NS
_EPS = 1e-12
_C = 4
_BB = 64


def _pick_gw(per_w):
    for gw in range(128, 0, -8):
        if per_w % gw == 0:
            return gw
    return 8


def _sc_gather_chunk(word_emb, flat_ids, chunk, nchunks):
    n = flat_ids.shape[0]
    h = word_emb.shape[1]
    nc = n // nchunks
    per_w = nc // _NW
    gw = _pick_gw(per_w)
    nch = per_w // gw
    chunk_off = chunk * nc
    mesh = plsc.VectorSubcoreMesh(core_axis_name="c", subcore_axis_name="s")

    @functools.partial(
        pl.kernel,
        out_type=jax.ShapeDtypeStruct((nc, h), jnp.float32),
        mesh=mesh,
        scratch_types=[
            pltpu.VMEM((per_w,), jnp.int32),
            pltpu.VMEM((gw, h), jnp.float32),
            pltpu.VMEM((gw, h), jnp.float32),
            pltpu.VMEM((gw, h), jnp.float32),
            pltpu.VMEM((gw, h), jnp.float32),
            pltpu.SemaphoreType.DMA,
            pltpu.SemaphoreType.DMA,
            pltpu.SemaphoreType.DMA,
            pltpu.SemaphoreType.DMA,
        ],
    )
    def gather_kernel(table_hbm, idx_hbm, out_hbm, idx_v,
                      buf0, buf1, buf2, buf3, sem0, sem1, sem2, sem3):
        wid = lax.axis_index("s") * _NC + lax.axis_index("c")
        base = wid * per_w
        bufs = (buf0, buf1, buf2, buf3)
        sems = (sem0, sem1, sem2, sem3)
        pltpu.sync_copy(idx_hbm.at[pl.ds(chunk_off + base, per_w)], idx_v)

        def start(c, j):
            return pltpu.async_copy(
                table_hbm.at[idx_v.at[pl.ds(c * gw, gw)]], bufs[j], sems[j])

        def wait(c, j):
            pltpu.make_async_copy(
                table_hbm.at[idx_v.at[pl.ds(c * gw, gw)]],
                bufs[j], sems[j]).wait()

        def writeout(c, j):
            pltpu.sync_copy(bufs[j], out_hbm.at[pl.ds(base + c * gw, gw)])

        for j in range(min(4, nch)):
            start(j, j)

        @pl.loop(0, nch, step=4)
        def _(c):
            for j in range(4):
                @pl.when(c + j < nch)
                def _(j=j):
                    wait(c + j, j)
                    writeout(c + j, j)

                    @pl.when(c + j + 4 < nch)
                    def _(j=j):
                        start(c + j + 4, j)

    return gather_kernel(word_emb, flat_ids)


def _tc_norm_chunk(big, gathered3c, token_type_ids, pos3, type_emb,
                   gm2, bt2, chunk, nchunks):
    b, l = token_type_ids.shape
    h = gathered3c.shape[2]
    bc = b // nchunks
    blk0 = chunk * (bc // _BB)

    def body(*refs):
        g_ref, tt_ref, pos_ref, te_ref, gm_ref, bt_ref, o_ref = refs[-7:]
        x = g_ref[...] + pos_ref[...]
        tt = tt_ref[...].astype(jnp.float32)[..., None]
        te0 = te_ref[0:1, :].reshape(1, 1, h)
        te1 = te_ref[1:2, :].reshape(1, 1, h)
        x = x + te0 + tt * (te1 - te0)
        x2 = x.reshape(_BB * l, h)
        xb = x2.astype(jnp.bfloat16)
        ones = jnp.ones((h, h), jnp.bfloat16)
        mm = lambda a: lax.dot_general(
            a, ones, (((1,), (0,)), ((), ())),
            preferred_element_type=jnp.float32)
        mean = mm(xb) * (1.0 / h)
        ex2 = mm(xb * xb) * (1.0 / h)
        var = ex2 - mean * mean
        y = (x2 - mean) * lax.rsqrt(var + _EPS)
        y = y * gm_ref[...].reshape(1, h) + bt_ref[...].reshape(1, h)
        o_ref[...] = y.reshape(_BB, l, h)

    in_specs = [
        pl.BlockSpec((_BB, l, h), lambda i: (i, 0, 0)),
        pl.BlockSpec((_BB, l), lambda i, _b0=blk0: (i + _b0, 0)),
        pl.BlockSpec((1, l, h), lambda i: (0, 0, 0)),
        pl.BlockSpec((2, h), lambda i: (0, 0)),
        pl.BlockSpec((1, h), lambda i: (0, 0)),
        pl.BlockSpec((1, h), lambda i: (0, 0)),
    ]
    args = [gathered3c, token_type_ids, pos3, type_emb, gm2, bt2]
    aliases = {}
    if big is not None:
        in_specs = [pl.BlockSpec(memory_space=pl.ANY)] + in_specs
        args = [big] + args
        aliases = {0: 0}

    return pl.pallas_call(
        body,
        grid=(bc // _BB,),
        in_specs=in_specs,
        out_specs=pl.BlockSpec((_BB, l, h),
                               lambda i, _b0=blk0: (i + _b0, 0, 0)),
        out_shape=jax.ShapeDtypeStruct((b, l, h), jnp.float32),
        input_output_aliases=aliases,
        compiler_params=pltpu.CompilerParams(
            dimension_semantics=("arbitrary",)),
    )(*args)


def kernel(input_ids, token_type_ids, word_emb, pos_emb, type_emb, gamma, beta):
    b, l = input_ids.shape
    h = word_emb.shape[1]
    flat_ids = input_ids.reshape(b * l)
    pos3 = pos_emb[:l].reshape(1, l, h)
    gm2 = gamma.reshape(1, h)
    bt2 = beta.reshape(1, h)
    gathered = [
        _sc_gather_chunk(word_emb, flat_ids, c, _C).reshape(b // _C, l, h)
        for c in range(_C)
    ]
    out = None
    for c in range(_C):
        out = _tc_norm_chunk(out, gathered[c], token_type_ids, pos3,
                             type_emb, gm2, bt2, c, _C)
    return out

# --- scband reference (transcript-rebuilt; emitter-appended) ---
"""Pipeline reference for scband-bert-embeddings-22600117912246 (READ-ONLY COPY).

The authoritative reference and input builder live on the scoring server;
editing this copy changes nothing except your own understanding.
"""

import jax, jax.numpy as jnp
import numpy as np

VOCAB = 100000
HID = 128
MAXPOS = 512
TYPES = 2
B = 1024
L = 200
EPS = 1e-12


def setup_inputs(seed: int = 0) -> dict:
    key = jax.random.key(seed)
    k0, k1, k2, k3, k4 = jax.random.split(key, 5)
    input_ids = jax.random.randint(k0, (B, L), 0, VOCAB, dtype=jnp.int32)
    token_type_ids = jax.random.randint(k1, (B, L), 0, TYPES, dtype=jnp.int32)
    word_emb = jax.random.normal(k2, (VOCAB, HID), dtype=jnp.float32) * 0.02
    # padding_idx=0 -> row 0 zeroed
    word_emb = word_emb.at[0].set(0.0)
    pos_emb = jax.random.normal(k3, (MAXPOS, HID), dtype=jnp.float32) * 0.02
    type_emb = jax.random.normal(k4, (TYPES, HID), dtype=jnp.float32) * 0.02
    gamma = jnp.ones((HID,), dtype=jnp.float32)
    beta = jnp.zeros((HID,), dtype=jnp.float32)
    return {
        "input_ids": input_ids,
        "token_type_ids": token_type_ids,
        "word_emb": word_emb,
        "pos_emb": pos_emb,
        "type_emb": type_emb,
        "gamma": gamma,
        "beta": beta,
    }


def reference(input_ids, token_type_ids, word_emb, pos_emb, type_emb, gamma, beta):
    seq_length = input_ids.shape[1]
    position_ids = jnp.arange(seq_length, dtype=jnp.int32)[None, :]
    position_ids = jnp.broadcast_to(position_ids, input_ids.shape)
    embeddings = jnp.take(word_emb, input_ids, axis=0)
    embeddings = embeddings + jnp.take(pos_emb, position_ids, axis=0)
    embeddings = embeddings + jnp.take(type_emb, token_type_ids, axis=0)
    mean = jnp.mean(embeddings, axis=-1, keepdims=True)
    var = jnp.mean(jnp.square(embeddings - mean), axis=-1, keepdims=True)
    normed = (embeddings - mean) / jnp.sqrt(var + EPS)
    out = normed * gamma + beta
    # dropout is identity in eval mode
    return out

if __name__ == "__main__":
    import jax
    _d = setup_inputs()
    print(jax.jit(kernel)(*tuple(_d.values())))

</pallas_src>

<mosaic_0001>
#map = affine_map<(d0, d1) -> (0, 0)>
#map1 = affine_map<(d0, d1) -> (0)>
module attributes {stable_mosaic.version = 14 : i64} {
  func.func @gather_kernel(%arg0: i32, %arg1: i32, %arg2: memref<100000x128xf32, #tpu.memory_space<hbm>>, %arg3: memref<204800xi32, #tpu.memory_space<hbm>>, %arg4: memref<51200x128xf32, #tpu.memory_space<hbm>>, %arg5: memref<1600xi32, #tpu.memory_space<vmem>>, %arg6: memref<80x128xf32, #tpu.memory_space<vmem>>, %arg7: memref<80x128xf32, #tpu.memory_space<vmem>>, %arg8: memref<80x128xf32, #tpu.memory_space<vmem>>, %arg9: memref<80x128xf32, #tpu.memory_space<vmem>>, %arg10: memref<!tpu.dma_semaphore, #tpu.memory_space<semaphore_mem>>, %arg11: memref<!tpu.dma_semaphore, #tpu.memory_space<semaphore_mem>>, %arg12: memref<!tpu.dma_semaphore, #tpu.memory_space<semaphore_mem>>, %arg13: memref<!tpu.dma_semaphore, #tpu.memory_space<semaphore_mem>>) attributes {dimension_semantics = [#tpu.dimension_semantics<core_parallel>, #tpu.dimension_semantics<subcore_parallel>], iteration_bounds = array<i64: 2, 16>, scalar_prefetch = 0 : i64, scratch_operands = 9 : i64, tpu.core_type = #tpu.core_type<sc_vector_subcore>, window_params = [{transform_indices = #map}, {transform_indices = #map1}, {transform_indices = #map}]} {
    %mul3A = arith.constant 2 : i32
    %mul3A_0 = arith.muli %arg1, %mul3A : i32
    %add3A = arith.addi %mul3A_0, %arg0 : i32
    %mul3A_1 = arith.constant 1600 : i32
    %mul3A_2 = arith.muli %add3A, %mul3A_1 : i32
    %add3A_3 = arith.constant 0 : i32
    %add3A_4 = arith.addi %add3A_3, %mul3A_2 : i32
    "tpu.region"() ({
      %run_scoped3A = tpu.sem_alloc : memref<!tpu.dma_semaphore, #tpu.memory_space<semaphore_mem>>
      %dma_start3A_28 = tpu.memref_slice %arg3[%add3A_4] : memref<204800xi32, #tpu.memory_space<hbm>> -> memref<1600xi32, #tpu.memory_space<hbm>>
      %dma_start3A_29 = tpu.memref_slice %arg3[%add3A_4] : memref<204800xi32, #tpu.memory_space<hbm>> -> memref<1600xi32, #tpu.memory_space<hbm>>
      tpu.enqueue_dma source(%dma_start3A_29 : memref<1600xi32, #tpu.memory_space<hbm>>) target(%arg5 : memref<1600xi32, #tpu.memory_space<vmem>>) target_semaphore(%run_scoped3A : memref<!tpu.dma_semaphore, #tpu.memory_space<semaphore_mem>>)
      %dma_wait3A = tpu.memref_slice %arg3[%add3A_4] : memref<204800xi32, #tpu.memory_space<hbm>> -> memref<1600xi32, #tpu.memory_space<hbm>>
      %dma_wait3A_30 = tpu.memref_slice %arg3[%add3A_4] : memref<204800xi32, #tpu.memory_space<hbm>> -> memref<1600xi32, #tpu.memory_space<hbm>>
      tpu.wait_dma2 semaphore(%run_scoped3A : memref<!tpu.dma_semaphore, #tpu.memory_space<semaphore_mem>>) src(%dma_wait3A_30 : memref<1600xi32, #tpu.memory_space<hbm>>) dst(%arg5 : memref<1600xi32, #tpu.memory_space<vmem>>)
      tpu.yield
    }) : () -> ()
    %dma_start3A = arith.constant 0 : i32
    %dma_start3A_5 = tpu.memref_slice %arg5[%dma_start3A] : memref<1600xi32, #tpu.memory_space<vmem>> -> memref<80xi32, #tpu.memory_space<vmem>>
    %dma_start3A_6 = arith.constant 0 : i32
    %dma_start3A_7 = arith.constant 0 : i32
    %dma_start3A_8 = tpu.memref_slice %arg2[%dma_start3A_6, %dma_start3A_7] : memref<100000x128xf32, #tpu.memory_space<hbm>> -> memref<100000x128xf32, #tpu.memory_space<hbm>>
    tpu.enqueue_indirect_dma source(%dma_start3A_8 : memref<100000x128xf32, #tpu.memory_space<hbm>>) target(%arg6 : memref<80x128xf32, #tpu.memory_space<vmem>>) offsets(%dma_start3A_5 : memref<80xi32, #tpu.memory_space<vmem>>) semaphore(%arg10 : memref<!tpu.dma_semaphore, #tpu.memory_space<semaphore_mem>>)
    %dma_start3A_9 = arith.constant 80 : i32
    %dma_start3A_10 = tpu.memref_slice %arg5[%dma_start3A_9] : memref<1600xi32, #tpu.memory_space<vmem>> -> memref<80xi32, #tpu.memory_space<vmem>>
    %dma_start3A_11 = arith.constant 0 : i32
    %dma_start3A_12 = arith.constant 0 : i32
    %dma_start3A_13 = tpu.memref_slice %arg2[%dma_start3A_11, %dma_start3A_12] : memref<100000x128xf32, #tpu.memory_space<hbm>> -> memref<100000x128xf32, #tpu.memory_space<hbm>>
    tpu.enqueue_indirect_dma source(%dma_start3A_13 : memref<100000x128xf32, #tpu.memory_space<hbm>>) target(%arg7 : memref<80x128xf32, #tpu.memory_space<vmem>>) offsets(%dma_start3A_10 : memref<80xi32, #tpu.memory_space<vmem>>) semaphore(%arg11 : memref<!tpu.dma_semaphore, #tpu.memory_space<semaphore_mem>>)
    %dma_start3A_14 = arith.constant 160 : i32
    %dma_start3A_15 = tpu.memref_slice %arg5[%dma_start3A_14] : memref<1600xi32, #tpu.memory_space<vmem>> -> memref<80xi32, #tpu.memory_space<vmem>>
    %dma_start3A_16 = arith.constant 0 : i32
    %dma_start3A_17 = arith.constant 0 : i32
    %dma_start3A_18 = tpu.memref_slice %arg2[%dma_start3A_16, %dma_start3A_17] : memref<100000x128xf32, #tpu.memory_space<hbm>> -> memref<100000x128xf32, #tpu.memory_space<hbm>>
    tpu.enqueue_indirect_dma source(%dma_start3A_18 : memref<100000x128xf32, #tpu.memory_space<hbm>>) target(%arg8 : memref<80x128xf32, #tpu.memory_space<vmem>>) offsets(%dma_start3A_15 : memref<80xi32, #tpu.memory_space<vmem>>) semaphore(%arg12 : memref<!tpu.dma_semaphore, #tpu.memory_space<semaphore_mem>>)
    %dma_start3A_19 = arith.constant 240 : i32
    %dma_start3A_20 = tpu.memref_slice %arg5[%dma_start3A_19] : memref<1600xi32, #tpu.memory_space<vmem>> -> memref<80xi32, #tpu.memory_space<vmem>>
    %dma_start3A_21 = arith.constant 0 : i32
    %dma_start3A_22 = arith.constant 0 : i32
    %dma_start3A_23 = tpu.memref_slice %arg2[%dma_start3A_21, %dma_start3A_22] : memref<100000x128xf32, #tpu.memory_space<hbm>> -> memref<100000x128xf32, #tpu.memory_space<hbm>>
    tpu.enqueue_indirect_dma source(%dma_start3A_23 : memref<100000x128xf32, #tpu.memory_space<hbm>>) target(%arg9 : memref<80x128xf32, #tpu.memory_space<vmem>>) offsets(%dma_start3A_20 : memref<80xi32, #tpu.memory_space<vmem>>) semaphore(%arg13 : memref<!tpu.dma_semaphore, #tpu.memory_space<semaphore_mem>>)
    %scan3A = arith.constant 0 : i32
    %scan3A_24 = arith.constant 5 : i32
    %scan3A_25 = arith.addi %scan3A, %scan3A_24 : i32
    %scan3A_26 = arith.constant 1 : i32
    scf.for %scan3A_28 = %scan3A to %scan3A_25 step %scan3A_26  : i32 {
      %mul3A_29 = arith.constant 4 : i32
      %mul3A_30 = arith.muli %scan3A_28, %mul3A_29 : i32
      %add3A_31 = arith.constant 0 : i32
      %add3A_32 = arith.addi %add3A_31, %mul3A_30 : i32
      %add3A_33 = arith.constant 0 : i32
      %add3A_34 = arith.addi %add3A_32, %add3A_33 : i32
      %lt3A = arith.constant 20 : i32
      %lt3A_35 = arith.cmpi slt, %add3A_34, %lt3A : i32
      %convert_element_type3A = arith.extui %lt3A_35 : i1 to i32
      %cond3A = arith.constant 0 : i32
      %cond3A_36 = arith.cmpi ne, %convert_element_type3A, %cond3A : i32
      scf.if %cond3A_36 {
        %add3A_58 = arith.constant 0 : i32
        %add3A_59 = arith.addi %add3A_32, %add3A_58 : i32
        %mul3A_60 = arith.constant 80 : i32
        %mul3A_61 = arith.muli %add3A_59, %mul3A_60 : i32
        %dma_wait3A = tpu.memref_slice %arg5[%mul3A_61] : memref<1600xi32, #tpu.memory_space<vmem>> -> memref<80xi32, #tpu.memory_space<vmem>>
        %dma_wait3A_62 = arith.constant 0 : i32
        %dma_wait3A_63 = arith.constant 0 : i32
        %dma_wait3A_64 = tpu.memref_slice %arg2[%dma_wait3A_62, %dma_wait3A_63] : memref<100000x128xf32, #tpu.memory_space<hbm>> -> memref<100000x128xf32, #tpu.memory_space<hbm>>
        tpu.wait_indirect_dma semaphore(%arg10 : memref<!tpu.dma_semaphore, #tpu.memory_space<semaphore_mem>>) src(%dma_wait3A_64 : memref<100000x128xf32, #tpu.memory_space<hbm>>) dst(%arg6 : memref<80x128xf32, #tpu.memory_space<vmem>>)
        %add3A_65 = arith.constant 0 : i32
        %add3A_66 = arith.addi %add3A_32, %add3A_65 : i32
        %mul3A_67 = arith.constant 80 : i32
        %mul3A_68 = arith.muli %add3A_66, %mul3A_67 : i32
        %add3A_69 = arith.addi %mul3A_2, %mul3A_68 : i32
        "tpu.region"() ({
          %run_scoped3A = tpu.sem_alloc : memref<!tpu.dma_semaphore, #tpu.memory_space<semaphore_mem>>
          %dma_start3A_79 = arith.constant 0 : i32
          %dma_start3A_80 = tpu.memref_slice %arg4[%add3A_69, %dma_start3A_79] : memref<51200x128xf32, #tpu.memory_space<hbm>> -> memref<80x128xf32, #tpu.memory_space<hbm>>
          %dma_start3A_81 = arith.constant 0 : i32
          %dma_start3A_82 = tpu.memref_slice %arg4[%add3A_69, %dma_start3A_81] : memref<51200x128xf32, #tpu.memory_space<hbm>> -> memref<80x128xf32, #tpu.memory_space<hbm>>
          tpu.enqueue_dma source(%arg6 : memref<80x128xf32, #tpu.memory_space<vmem>>) target(%dma_start3A_82 : memref<80x128xf32, #tpu.memory_space<hbm>>) target_semaphore(%run_scoped3A : memref<!tpu.dma_semaphore, #tpu.memory_space<semaphore_mem>>)
          %dma_wait3A_83 = arith.constant 0 : i32
          %dma_wait3A_84 = tpu.memref_slice %arg4[%add3A_69, %dma_wait3A_83] : memref<51200x128xf32, #tpu.memory_space<hbm>> -> memref<80x128xf32, #tpu.memory_space<hbm>>
          %dma_wait3A_85 = arith.constant 0 : i32
          %dma_wait3A_86 = tpu.memref_slice %arg4[%add3A_69, %dma_wait3A_85] : memref<51200x128xf32, #tpu.memory_space<hbm>> -> memref<80x128xf32, #tpu.memory_space<hbm>>
          tpu.wait_dma2 semaphore(%run_scoped3A : memref<!tpu.dma_semaphore, #tpu.memory_space<semaphore_mem>>) src(%arg6 : memref<80x128xf32, #tpu.memory_space<vmem>>) dst(%dma_wait3A_86 : memref<80x128xf32, #tpu.memory_space<hbm>>)
          tpu.yield
        }) : () -> ()
        %add3A_70 = arith.constant 0 : i32
        %add3A_71 = arith.addi %add3A_32, %add3A_70 : i32
        %add3A_72 = arith.constant 4 : i32
        %add3A_73 = arith.addi %add3A_71, %add3A_72 : i32
        %lt3A_74 = arith.constant 20 : i32
        %lt3A_75 = arith.cmpi slt, %add3A_73, %lt3A_74 : i32
        %convert_element_type3A_76 = arith.extui %lt3A_75 : i1 to i32
        %cond3A_77 = arith.constant 0 : i32
        %cond3A_78 = arith.cmpi ne, %convert_element_type3A_76, %cond3A_77 : i32
        scf.if %cond3A_78 {
          %add3A_79 = arith.constant 0 : i32
          %add3A_80 = arith.addi %add3A_32, %add3A_79 : i32
          %add3A_81 = arith.constant 4 : i32
          %add3A_82 = arith.addi %add3A_80, %add3A_81 : i32
          %mul3A_83 = arith.constant 80 : i32
          %mul3A_84 = arith.muli %add3A_82, %mul3A_83 : i32
          %dma_start3A_85 = tpu.memref_slice %arg5[%mul3A_84] : memref<1600xi32, #tpu.memory_space<vmem>> -> memref<80xi32, #tpu.memory_space<vmem>>
          %dma_start3A_86 = arith.constant 0 : i32
          %dma_start3A_87 = arith.constant 0 : i32
          %dma_start3A_88 = tpu.memref_slice %arg2[%dma_start3A_86, %dma_start3A_87] : memref<100000x128xf32, #tpu.memory_space<hbm>> -> memref<100000x128xf32, #tpu.memory_space<hbm>>
          tpu.enqueue_indirect_dma source(%dma_start3A_88 : memref<100000x128xf32, #tpu.memory_space<hbm>>) target(%arg6 : memref<80x128xf32, #tpu.memory_space<vmem>>) offsets(%dma_start3A_85 : memref<80xi32, #tpu.memory_space<vmem>>) semaphore(%arg10 : memref<!tpu.dma_semaphore, #tpu.memory_space<semaphore_mem>>)
        } else {
        }
      } else {
      }
      %add3A_37 = arith.constant 1 : i32
      %add3A_38 = arith.addi %add3A_32, %add3A_37 : i32
      %lt3A_39 = arith.constant 20 : i32
      %lt3A_40 = arith.cmpi slt, %add3A_38, %lt3A_39 : i32
      %convert_element_type3A_41 = arith.extui %lt3A_40 : i1 to i32
      %cond3A_42 = arith.constant 0 : i32
      %cond3A_43 = arith.cmpi ne, %convert_element_type3A_41, %cond3A_42 : i32
      scf.if %cond3A_43 {
        %add3A_58 = arith.constant 1 : i32
        %add3A_59 = arith.addi %add3A_32, %add3A_58 : i32
        %mul3A_60 = arith.constant 80 : i32
        %mul3A_61 = arith.muli %add3A_59, %mul3A_60 : i32
        %dma_wait3A = tpu.memref_slice %arg5[%mul3A_61] : memref<1600xi32, #tpu.memory_space<vmem>> -> memref<80xi32, #tpu.memory_space<vmem>>
        %dma_wait3A_62 = arith.constant 0 : i32
        %dma_wait3A_63 = arith.constant 0 : i32
        %dma_wait3A_64 = tpu.memref_slice %arg2[%dma_wait3A_62, %dma_wait3A_63] : memref<100000x128xf32, #tpu.memory_space<hbm>> -> memref<100000x128xf32, #tpu.memory_space<hbm>>
        tpu.wait_indirect_dma semaphore(%arg11 : memref<!tpu.dma_semaphore, #tpu.memory_space<semaphore_mem>>) src(%dma_wait3A_64 : memref<100000x128xf32, #tpu.memory_space<hbm>>) dst(%arg7 : memref<80x128xf32, #tpu.memory_space<vmem>>)
        %add3A_65 = arith.constant 1 : i32
        %add3A_66 = arith.addi %add3A_32, %add3A_65 : i32
        %mul3A_67 = arith.constant 80 : i32
        %mul3A_68 = arith.muli %add3A_66, %mul3A_67 : i32
        %add3A_69 = arith.addi %mul3A_2, %mul3A_68 : i32
        "tpu.region"() ({
          %run_scoped3A = tpu.sem_alloc : memref<!tpu.dma_semaphore, #tpu.memory_space<semaphore_mem>>
          %dma_start3A_79 = arith.constant 0 : i32
          %dma_start3A_80 = tpu.memref_slice %arg4[%add3A_69, %dma_start3A_79] : memref<51200x128xf32, #tpu.memory_space<hbm>> -> memref<80x128xf32, #tpu.memory_space<hbm>>
          %dma_start3A_81 = arith.constant 0 : i32
          %dma_start3A_82 = tpu.memref_slice %arg4[%add3A_69, %dma_start3A_81] : memref<51200x128xf32, #tpu.memory_space<hbm>> -> memref<80x128xf32, #tpu.memory_space<hbm>>
          tpu.enqueue_dma source(%arg7 : memref<80x128xf32, #tpu.memory_space<vmem>>) target(%dma_start3A_82 : memref<80x128xf32, #tpu.memory_space<hbm>>) target_semaphore(%run_scoped3A : memref<!tpu.dma_semaphore, #tpu.memory_space<semaphore_mem>>)
          %dma_wait3A_83 = arith.constant 0 : i32
          %dma_wait3A_84 = tpu.memref_slice %arg4[%add3A_69, %dma_wait3A_83] : memref<51200x128xf32, #tpu.memory_space<hbm>> -> memref<80x128xf32, #tpu.memory_space<hbm>>
          %dma_wait3A_85 = arith.constant 0 : i32
          %dma_wait3A_86 = tpu.memref_slice %arg4[%add3A_69, %dma_wait3A_85] : memref<51200x128xf32, #tpu.memory_space<hbm>> -> memref<80x128xf32, #tpu.memory_space<hbm>>
          tpu.wait_dma2 semaphore(%run_scoped3A : memref<!tpu.dma_semaphore, #tpu.memory_space<semaphore_mem>>) src(%arg7 : memref<80x128xf32, #tpu.memory_space<vmem>>) dst(%dma_wait3A_86 : memref<80x128xf32, #tpu.memory_space<hbm>>)
          tpu.yield
        }) : () -> ()
        %add3A_70 = arith.constant 1 : i32
        %add3A_71 = arith.addi %add3A_32, %add3A_70 : i32
        %add3A_72 = arith.constant 4 : i32
        %add3A_73 = arith.addi %add3A_71, %add3A_72 : i32
        %lt3A_74 = arith.constant 20 : i32
        %lt3A_75 = arith.cmpi slt, %add3A_73, %lt3A_74 : i32
        %convert_element_type3A_76 = arith.extui %lt3A_75 : i1 to i32
        %cond3A_77 = arith.constant 0 : i32
        %cond3A_78 = arith.cmpi ne, %convert_element_type3A_76, %cond3A_77 : i32
        scf.if %cond3A_78 {
          %add3A_79 = arith.constant 1 : i32
          %add3A_80 = arith.addi %add3A_32, %add3A_79 : i32
          %add3A_81 = arith.constant 4 : i32
          %add3A_82 = arith.addi %add3A_80, %add3A_81 : i32
          %mul3A_83 = arith.constant 80 : i32
          %mul3A_84 = arith.muli %add3A_82, %mul3A_83 : i32
          %dma_start3A_85 = tpu.memref_slice %arg5[%mul3A_84] : memref<1600xi32, #tpu.memory_space<vmem>> -> memref<80xi32, #tpu.memory_space<vmem>>
          %dma_start3A_86 = arith.constant 0 : i32
          %dma_start3A_87 = arith.constant 0 : i32
          %dma_start3A_88 = tpu.memref_slice %arg2[%dma_start3A_86, %dma_start3A_87] : memref<100000x128xf32, #tpu.memory_space<hbm>> -> memref<100000x128xf32, #tpu.memory_space<hbm>>
          tpu.enqueue_indirect_dma source(%dma_start3A_88 : memref<100000x128xf32, #tpu.memory_space<hbm>>) target(%arg7 : memref<80x128xf32, #tpu.memory_space<vmem>>) offsets(%dma_start3A_85 : memref<80xi32, #tpu.memory_space<vmem>>) semaphore(%arg11 : memref<!tpu.dma_semaphore, #tpu.memory_space<semaphore_mem>>)
        } else {
        }
      } else {
      }
      %add3A_44 = arith.constant 2 : i32
      %add3A_45 = arith.addi %add3A_32, %add3A_44 : i32
      %lt3A_46 = arith.constant 20 : i32
      %lt3A_47 = arith.cmpi slt, %add3A_45, %lt3A_46 : i32
      %convert_element_type3A_48 = arith.extui %lt3A_47 : i1 to i32
      %cond3A_49 = arith.constant 0 : i32
      %cond3A_50 = arith.cmpi ne, %convert_element_type3A_48, %cond3A_49 : i32
      scf.if %cond3A_50 {
        %add3A_58 = arith.constant 2 : i32
        %add3A_59 = arith.addi %add3A_32, %add3A_58 : i32
        %mul3A_60 = arith.constant 80 : i32
        %mul3A_61 = arith.muli %add3A_59, %mul3A_60 : i32
        %dma_wait3A = tpu.memref_slice %arg5[%mul3A_61] : memref<1600xi32, #tpu.memory_space<vmem>> -> memref<80xi32, #tpu.memory_space<vmem>>
        %dma_wait3A_62 = arith.constant 0 : i32
        %dma_wait3A_63 = arith.constant 0 : i32
        %dma_wait3A_64 = tpu.memref_slice %arg2[%dma_wait3A_62, %dma_wait3A_63] : memref<100000x128xf32, #tpu.memory_space<hbm>> -> memref<100000x128xf32, #tpu.memory_space<hbm>>
        tpu.wait_indirect_dma semaphore(%arg12 : memref<!tpu.dma_semaphore, #tpu.memory_space<semaphore_mem>>) src(%dma_wait3A_64 : memref<100000x128xf32, #tpu.memory_space<hbm>>) dst(%arg8 : memref<80x128xf32, #tpu.memory_space<vmem>>)
        %add3A_65 = arith.constant 2 : i32
        %add3A_66 = arith.addi %add3A_32, %add3A_65 : i32
        %mul3A_67 = arith.constant 80 : i32
        %mul3A_68 = arith.muli %add3A_66, %mul3A_67 : i32
        %add3A_69 = arith.addi %mul3A_2, %mul3A_68 : i32
        "tpu.region"() ({
          %run_scoped3A = tpu.sem_alloc : memref<!tpu.dma_semaphore, #tpu.memory_space<semaphore_mem>>
          %dma_start3A_79 = arith.constant 0 : i32
          %dma_start3A_80 = tpu.memref_slice %arg4[%add3A_69, %dma_start3A_79] : memref<51200x128xf32, #tpu.memory_space<hbm>> -> memref<80x128xf32, #tpu.memory_space<hbm>>
          %dma_start3A_81 = arith.constant 0 : i32
          %dma_start3A_82 = tpu.memref_slice %arg4[%add3A_69, %dma_start3A_81] : memref<51200x128xf32, #tpu.memory_space<hbm>> -> memref<80x128xf32, #tpu.memory_space<hbm>>
          tpu.enqueue_dma source(%arg8 : memref<80x128xf32, #tpu.memory_space<vmem>>) target(%dma_start3A_82 : memref<80x128xf32, #tpu.memory_space<hbm>>) target_semaphore(%run_scoped3A : memref<!tpu.dma_semaphore, #tpu.memory_space<semaphore_mem>>)
          %dma_wait3A_83 = arith.constant 0 : i32
          %dma_wait3A_84 = tpu.memref_slice %arg4[%add3A_69, %dma_wait3A_83] : memref<51200x128xf32, #tpu.memory_space<hbm>> -> memref<80x128xf32, #tpu.memory_space<hbm>>
          %dma_wait3A_85 = arith.constant 0 : i32
          %dma_wait3A_86 = tpu.memref_slice %arg4[%add3A_69, %dma_wait3A_85] : memref<51200x128xf32, #tpu.memory_space<hbm>> -> memref<80x128xf32, #tpu.memory_space<hbm>>
          tpu.wait_dma2 semaphore(%run_scoped3A : memref<!tpu.dma_semaphore, #tpu.memory_space<semaphore_mem>>) src(%arg8 : memref<80x128xf32, #tpu.memory_space<vmem>>) dst(%dma_wait3A_86 : memref<80x128xf32, #tpu.memory_space<hbm>>)
          tpu.yield
        }) : () -> ()
        %add3A_70 = arith.constant 2 : i32
        %add3A_71 = arith.addi %add3A_32, %add3A_70 : i32
        %add3A_72 = arith.constant 4 : i32
        %add3A_73 = arith.addi %add3A_71, %add3A_72 : i32
        %lt3A_74 = arith.constant 20 : i32
        %lt3A_75 = arith.cmpi slt, %add3A_73, %lt3A_74 : i32
        %convert_element_type3A_76 = arith.extui %lt3A_75 : i1 to i32
        %cond3A_77 = arith.constant 0 : i32
        %cond3A_78 = arith.cmpi ne, %convert_element_type3A_76, %cond3A_77 : i32
        scf.if %cond3A_78 {
          %add3A_79 = arith.constant 2 : i32
          %add3A_80 = arith.addi %add3A_32, %add3A_79 : i32
          %add3A_81 = arith.constant 4 : i32
          %add3A_82 = arith.addi %add3A_80, %add3A_81 : i32
          %mul3A_83 = arith.constant 80 : i32
          %mul3A_84 = arith.muli %add3A_82, %mul3A_83 : i32
          %dma_start3A_85 = tpu.memref_slice %arg5[%mul3A_84] : memref<1600xi32, #tpu.memory_space<vmem>> -> memref<80xi32, #tpu.memory_space<vmem>>
          %dma_start3A_86 = arith.constant 0 : i32
          %dma_start3A_87 = arith.constant 0 : i32
          %dma_start3A_88 = tpu.memref_slice %arg2[%dma_start3A_86, %dma_start3A_87] : memref<100000x128xf32, #tpu.memory_space<hbm>> -> memref<100000x128xf32, #tpu.memory_space<hbm>>
          tpu.enqueue_indirect_dma source(%dma_start3A_88 : memref<100000x128xf32, #tpu.memory_space<hbm>>) target(%arg8 : memref<80x128xf32, #tpu.memory_space<vmem>>) offsets(%dma_start3A_85 : memref<80xi32, #tpu.memory_space<vmem>>) semaphore(%arg12 : memref<!tpu.dma_semaphore, #tpu.memory_space<semaphore_mem>>)
        } else {
        }
      } else {
      }
      %add3A_51 = arith.constant 3 : i32
      %add3A_52 = arith.addi %add3A_32, %add3A_51 : i32
      %lt3A_53 = arith.constant 20 : i32
      %lt3A_54 = arith.cmpi slt, %add3A_52, %lt3A_53 : i32
      %convert_element_type3A_55 = arith.extui %lt3A_54 : i1 to i32
      %cond3A_56 = arith.constant 0 : i32
      %cond3A_57 = arith.cmpi ne, %convert_element_type3A_55, %cond3A_56 : i32
      scf.if %cond3A_57 {
        %add3A_58 = arith.constant 3 : i32
        %add3A_59 = arith.addi %add3A_32, %add3A_58 : i32
        %mul3A_60 = arith.constant 80 : i32
        %mul3A_61 = arith.muli %add3A_59, %mul3A_60 : i32
        %dma_wait3A = tpu.memref_slice %arg5[%mul3A_61] : memref<1600xi32, #tpu.memory_space<vmem>> -> memref<80xi32, #tpu.memory_space<vmem>>
        %dma_wait3A_62 = arith.constant 0 : i32
        %dma_wait3A_63 = arith.constant 0 : i32
        %dma_wait3A_64 = tpu.memref_slice %arg2[%dma_wait3A_62, %dma_wait3A_63] : memref<100000x128xf32, #tpu.memory_space<hbm>> -> memref<100000x128xf32, #tpu.memory_space<hbm>>
        tpu.wait_indirect_dma semaphore(%arg13 : memref<!tpu.dma_semaphore, #tpu.memory_space<semaphore_mem>>) src(%dma_wait3A_64 : memref<100000x128xf32, #tpu.memory_space<hbm>>) dst(%arg9 : memref<80x128xf32, #tpu.memory_space<vmem>>)
        %add3A_65 = arith.constant 3 : i32
        %add3A_66 = arith.addi %add3A_32, %add3A_65 : i32
        %mul3A_67 = arith.constant 80 : i32
        %mul3A_68 = arith.muli %add3A_66, %mul3A_67 : i32
        %add3A_69 = arith.addi %mul3A_2, %mul3A_68 : i32
        "tpu.region"() ({
          %run_scoped3A = tpu.sem_alloc : memref<!tpu.dma_semaphore, #tpu.memory_space<semaphore_mem>>
          %dma_start3A_79 = arith.constant 0 : i32
          %dma_start3A_80 = tpu.memref_slice %arg4[%add3A_69, %dma_start3A_79] : memref<51200x128xf32, #tpu.memory_space<hbm>> -> memref<80x128xf32, #tpu.memory_space<hbm>>
          %dma_start3A_81 = arith.constant 0 : i32
          %dma_start3A_82 = tpu.memref_slice %arg4[%add3A_69, %dma_start3A_81] : memref<51200x128xf32, #tpu.memory_space<hbm>> -> memref<80x128xf32, #tpu.memory_space<hbm>>
          tpu.enqueue_dma source(%arg9 : memref<80x128xf32, #tpu.memory_space<vmem>>) target(%dma_start3A_82 : memref<80x128xf32, #tpu.memory_space<hbm>>) target_semaphore(%run_scoped3A : memref<!tpu.dma_semaphore, #tpu.memory_space<semaphore_mem>>)
          %dma_wait3A_83 = arith.constant 0 : i32
          %dma_wait3A_84 = tpu.memref_slice %arg4[%add3A_69, %dma_wait3A_83] : memref<51200x128xf32, #tpu.memory_space<hbm>> -> memref<80x128xf32, #tpu.memory_space<hbm>>
          %dma_wait3A_85 = arith.constant 0 : i32
          %dma_wait3A_86 = tpu.memref_slice %arg4[%add3A_69, %dma_wait3A_85] : memref<51200x128xf32, #tpu.memory_space<hbm>> -> memref<80x128xf32, #tpu.memory_space<hbm>>
          tpu.wait_dma2 semaphore(%run_scoped3A : memref<!tpu.dma_semaphore, #tpu.memory_space<semaphore_mem>>) src(%arg9 : memref<80x128xf32, #tpu.memory_space<vmem>>) dst(%dma_wait3A_86 : memref<80x128xf32, #tpu.memory_space<hbm>>)
          tpu.yield
        }) : () -> ()
        %add3A_70 = arith.constant 3 : i32
        %add3A_71 = arith.addi %add3A_32, %add3A_70 : i32
        %add3A_72 = arith.constant 4 : i32
        %add3A_73 = arith.addi %add3A_71, %add3A_72 : i32
        %lt3A_74 = arith.constant 20 : i32
        %lt3A_75 = arith.cmpi slt, %add3A_73, %lt3A_74 : i32
        %convert_element_type3A_76 = arith.extui %lt3A_75 : i1 to i32
        %cond3A_77 = arith.constant 0 : i32
        %cond3A_78 = arith.cmpi ne, %convert_element_type3A_76, %cond3A_77 : i32
        scf.if %cond3A_78 {
          %add3A_79 = arith.constant 3 : i32
          %add3A_80 = arith.addi %add3A_32, %add3A_79 : i32
          %add3A_81 = arith.constant 4 : i32
          %add3A_82 = arith.addi %add3A_80, %add3A_81 : i32
          %mul3A_83 = arith.constant 80 : i32
          %mul3A_84 = arith.muli %add3A_82, %mul3A_83 : i32
          %dma_start3A_85 = tpu.memref_slice %arg5[%mul3A_84] : memref<1600xi32, #tpu.memory_space<vmem>> -> memref<80xi32, #tpu.memory_space<vmem>>
          %dma_start3A_86 = arith.constant 0 : i32
          %dma_start3A_87 = arith.constant 0 : i32
          %dma_start3A_88 = tpu.memref_slice %arg2[%dma_start3A_86, %dma_start3A_87] : memref<100000x128xf32, #tpu.memory_space<hbm>> -> memref<100000x128xf32, #tpu.memory_space<hbm>>
          tpu.enqueue_indirect_dma source(%dma_start3A_88 : memref<100000x128xf32, #tpu.memory_space<hbm>>) target(%arg9 : memref<80x128xf32, #tpu.memory_space<vmem>>) offsets(%dma_start3A_85 : memref<80xi32, #tpu.memory_space<vmem>>) semaphore(%arg13 : memref<!tpu.dma_semaphore, #tpu.memory_space<semaphore_mem>>)
        } else {
        }
      } else {
      }
    }
    %scan3A_27 = arith.constant 5 : i32
    return
  }
}

#map = affine_map<(d0, d1) -> (0, 0)>
#map1 = affine_map<(d0, d1) -> (0)>
module attributes {stable_mosaic.version = 14 : i64} {
  func.func @gather_kernel(%arg0: i32, %arg1: i32, %arg2: memref<100000x128xf32, #tpu.memory_space<hbm>>, %arg3: memref<204800xi32, #tpu.memory_space<hbm>>, %arg4: memref<51200x128xf32, #tpu.memory_space<hbm>>, %arg5: memref<1600xi32, #tpu.memory_space<vmem>>, %arg6: memref<80x128xf32, #tpu.memory_space<vmem>>, %arg7: memref<80x128xf32, #tpu.memory_space<vmem>>, %arg8: memref<80x128xf32, #tpu.memory_space<vmem>>, %arg9: memref<80x128xf32, #tpu.memory_space<vmem>>, %arg10: memref<!tpu.dma_semaphore, #tpu.memory_space<semaphore_mem>>, %arg11: memref<!tpu.dma_semaphore, #tpu.memory_space<semaphore_mem>>, %arg12: memref<!tpu.dma_semaphore, #tpu.memory_space<semaphore_mem>>, %arg13: memref<!tpu.dma_semaphore, #tpu.memory_space<semaphore_mem>>) attributes {dimension_semantics = [#tpu.dimension_semantics<core_parallel>, #tpu.dimension_semantics<subcore_parallel>], iteration_bounds = array<i64: 2, 16>, scalar_prefetch = 0 : i64, scratch_operands = 9 : i64, tpu.core_type = #tpu.core_type<sc_vector_subcore>, window_params = [{transform_indices = #map}, {transform_indices = #map1}, {transform_indices = #map}]} {
    %mul3A = arith.constant 2 : i32
    %mul3A_0 = arith.muli %arg1, %mul3A : i32
    %add3A = arith.addi %mul3A_0, %arg0 : i32
    %mul3A_1 = arith.constant 1600 : i32
    %mul3A_2 = arith.muli %add3A, %mul3A_1 : i32
    %add3A_3 = arith.constant 102400 : i32
    %add3A_4 = arith.addi %add3A_3, %mul3A_2 : i32
    "tpu.region"() ({
      %run_scoped3A = tpu.sem_alloc : memref<!tpu.dma_semaphore, #tpu.memory_space<semaphore_mem>>
      %dma_start3A_28 = tpu.memref_slice %arg3[%add3A_4] : memref<204800xi32, #tpu.memory_space<hbm>> -> memref<1600xi32, #tpu.memory_space<hbm>>
      %dma_start3A_29 = tpu.memref_slice %arg3[%add3A_4] : memref<204800xi32, #tpu.memory_space<hbm>> -> memref<1600xi32, #tpu.memory_space<hbm>>
      tpu.enqueue_dma source(%dma_start3A_29 : memref<1600xi32, #tpu.memory_space<hbm>>) target(%arg5 : memref<1600xi32, #tpu.memory_space<vmem>>) target_semaphore(%run_scoped3A : memref<!tpu.dma_semaphore, #tpu.memory_space<semaphore_mem>>)
      %dma_wait3A = tpu.memref_slice %arg3[%add3A_4] : memref<204800xi32, #tpu.memory_space<hbm>> -> memref<1600xi32, #tpu.memory_space<hbm>>
      %dma_wait3A_30 = tpu.memref_slice %arg3[%add3A_4] : memref<204800xi32, #tpu.memory_space<hbm>> -> memref<1600xi32, #tpu.memory_space<hbm>>
      tpu.wait_dma2 semaphore(%run_scoped3A : memref<!tpu.dma_semaphore, #tpu.memory_space<semaphore_mem>>) src(%dma_wait3A_30 : memref<1600xi32, #tpu.memory_space<hbm>>) dst(%arg5 : memref<1600xi32, #tpu.memory_space<vmem>>)
      tpu.yield
    }) : () -> ()
    %dma_start3A = arith.constant 0 : i32
    %dma_start3A_5 = tpu.memref_slice %arg5[%dma_start3A] : memref<1600xi32, #tpu.memory_space<vmem>> -> memref<80xi32, #tpu.memory_space<vmem>>
    %dma_start3A_6 = arith.constant 0 : i32
    %dma_start3A_7 = arith.constant 0 : i32
    %dma_start3A_8 = tpu.memref_slice %arg2[%dma_start3A_6, %dma_start3A_7] : memref<100000x128xf32, #tpu.memory_space<hbm>> -> memref<100000x128xf32, #tpu.memory_space<hbm>>
    tpu.enqueue_indirect_dma source(%dma_start3A_8 : memref<100000x128xf32, #tpu.memory_space<hbm>>) target(%arg6 : memref<80x128xf32, #tpu.memory_space<vmem>>) offsets(%dma_start3A_5 : memref<80xi32, #tpu.memory_space<vmem>>) semaphore(%arg10 : memref<!tpu.dma_semaphore, #tpu.memory_space<semaphore_mem>>)
    %dma_start3A_9 = arith.constant 80 : i32
    %dma_start3A_10 = tpu.memref_slice %arg5[%dma_start3A_9] : memref<1600xi32, #tpu.memory_space<vmem>> -> memref<80xi32, #tpu.memory_space<vmem>>
    %dma_start3A_11 = arith.constant 0 : i32
    %dma_start3A_12 = arith.constant 0 : i32
    %dma_start3A_13 = tpu.memref_slice %arg2[%dma_start3A_11, %dma_start3A_12] : memref<100000x128xf32, #tpu.memory_space<hbm>> -> memref<100000x128xf32, #tpu.memory_space<hbm>>
    tpu.enqueue_indirect_dma source(%dma_start3A_13 : memref<100000x128xf32, #tpu.memory_space<hbm>>) target(%arg7 : memref<80x128xf32, #tpu.memory_space<vmem>>) offsets(%dma_start3A_10 : memref<80xi32, #tpu.memory_space<vmem>>) semaphore(%arg11 : memref<!tpu.dma_semaphore, #tpu.memory_space<semaphore_mem>>)
    %dma_start3A_14 = arith.constant 160 : i32
    %dma_start3A_15 = tpu.memref_slice %arg5[%dma_start3A_14] : memref<1600xi32, #tpu.memory_space<vmem>> -> memref<80xi32, #tpu.memory_space<vmem>>
    %dma_start3A_16 = arith.constant 0 : i32
    %dma_start3A_17 = arith.constant 0 : i32
    %dma_start3A_18 = tpu.memref_slice %arg2[%dma_start3A_16, %dma_start3A_17] : memref<100000x128xf32, #tpu.memory_space<hbm>> -> memref<100000x128xf32, #tpu.memory_space<hbm>>
    tpu.enqueue_indirect_dma source(%dma_start3A_18 : memref<100000x128xf32, #tpu.memory_space<hbm>>) target(%arg8 : memref<80x128xf32, #tpu.memory_space<vmem>>) offsets(%dma_start3A_15 : memref<80xi32, #tpu.memory_space<vmem>>) semaphore(%arg12 : memref<!tpu.dma_semaphore, #tpu.memory_space<semaphore_mem>>)
    %dma_start3A_19 = arith.constant 240 : i32
    %dma_start3A_20 = tpu.memref_slice %arg5[%dma_start3A_19] : memref<1600xi32, #tpu.memory_space<vmem>> -> memref<80xi32, #tpu.memory_space<vmem>>
    %dma_start3A_21 = arith.constant 0 : i32
    %dma_start3A_22 = arith.constant 0 : i32
    %dma_start3A_23 = tpu.memref_slice %arg2[%dma_start3A_21, %dma_start3A_22] : memref<100000x128xf32, #tpu.memory_space<hbm>> -> memref<100000x128xf32, #tpu.memory_space<hbm>>
    tpu.enqueue_indirect_dma source(%dma_start3A_23 : memref<100000x128xf32, #tpu.memory_space<hbm>>) target(%arg9 : memref<80x128xf32, #tpu.memory_space<vmem>>) offsets(%dma_start3A_20 : memref<80xi32, #tpu.memory_space<vmem>>) semaphore(%arg13 : memref<!tpu.dma_semaphore, #tpu.memory_space<semaphore_mem>>)
    %scan3A = arith.constant 0 : i32
    %scan3A_24 = arith.constant 5 : i32
    %scan3A_25 = arith.addi %scan3A, %scan3A_24 : i32
    %scan3A_26 = arith.constant 1 : i32
    scf.for %scan3A_28 = %scan3A to %scan3A_25 step %scan3A_26  : i32 {
      %mul3A_29 = arith.constant 4 : i32
      %mul3A_30 = arith.muli %scan3A_28, %mul3A_29 : i32
      %add3A_31 = arith.constant 0 : i32
      %add3A_32 = arith.addi %add3A_31, %mul3A_30 : i32
      %add3A_33 = arith.constant 0 : i32
      %add3A_34 = arith.addi %add3A_32, %add3A_33 : i32
      %lt3A = arith.constant 20 : i32
      %lt3A_35 = arith.cmpi slt, %add3A_34, %lt3A : i32
      %convert_element_type3A = arith.extui %lt3A_35 : i1 to i32
      %cond3A = arith.constant 0 : i32
      %cond3A_36 = arith.cmpi ne, %convert_element_type3A, %cond3A : i32
      scf.if %cond3A_36 {
        %add3A_58 = arith.constant 0 : i32
        %add3A_59 = arith.addi %add3A_32, %add3A_58 : i32
        %mul3A_60 = arith.constant 80 : i32
        %mul3A_61 = arith.muli %add3A_59, %mul3A_60 : i32
        %dma_wait3A = tpu.memref_slice %arg5[%mul3A_61] : memref<1600xi32, #tpu.memory_space<vmem>> -> memref<80xi32, #tpu.memory_space<vmem>>
        %dma_wait3A_62 = arith.constant 0 : i32
        %dma_wait3A_63 = arith.constant 0 : i32
        %dma_wait3A_64 = tpu.memref_slice %arg2[%dma_wait3A_62, %dma_wait3A_63] : memref<100000x128xf32, #tpu.memory_space<hbm>> -> memref<100000x128xf32, #tpu.memory_space<hbm>>
        tpu.wait_indirect_dma semaphore(%arg10 : memref<!tpu.dma_semaphore, #tpu.memory_space<semaphore_mem>>) src(%dma_wait3A_64 : memref<100000x128xf32, #tpu.memory_space<hbm>>) dst(%arg6 : memref<80x128xf32, #tpu.memory_space<vmem>>)
        %add3A_65 = arith.constant 0 : i32
        %add3A_66 = arith.addi %add3A_32, %add3A_65 : i32
        %mul3A_67 = arith.constant 80 : i32
        %mul3A_68 = arith.muli %add3A_66, %mul3A_67 : i32
        %add3A_69 = arith.addi %mul3A_2, %mul3A_68 : i32
        "tpu.region"() ({
          %run_scoped3A = tpu.sem_alloc : memref<!tpu.dma_semaphore, #tpu.memory_space<semaphore_mem>>
          %dma_start3A_79 = arith.constant 0 : i32
          %dma_start3A_80 = tpu.memref_slice %arg4[%add3A_69, %dma_start3A_79] : memref<51200x128xf32, #tpu.memory_space<hbm>> -> memref<80x128xf32, #tpu.memory_space<hbm>>
          %dma_start3A_81 = arith.constant 0 : i32
          %dma_start3A_82 = tpu.memref_slice %arg4[%add3A_69, %dma_start3A_81] : memref<51200x128xf32, #tpu.memory_space<hbm>> -> memref<80x128xf32, #tpu.memory_space<hbm>>
          tpu.enqueue_dma source(%arg6 : memref<80x128xf32, #tpu.memory_space<vmem>>) target(%dma_start3A_82 : memref<80x128xf32, #tpu.memory_space<hbm>>) target_semaphore(%run_scoped3A : memref<!tpu.dma_semaphore, #tpu.memory_space<semaphore_mem>>)
          %dma_wait3A_83 = arith.constant 0 : i32
          %dma_wait3A_84 = tpu.memref_slice %arg4[%add3A_69, %dma_wait3A_83] : memref<51200x128xf32, #tpu.memory_space<hbm>> -> memref<80x128xf32, #tpu.memory_space<hbm>>
          %dma_wait3A_85 = arith.constant 0 : i32
          %dma_wait3A_86 = tpu.memref_slice %arg4[%add3A_69, %dma_wait3A_85] : memref<51200x128xf32, #tpu.memory_space<hbm>> -> memref<80x128xf32, #tpu.memory_space<hbm>>
          tpu.wait_dma2 semaphore(%run_scoped3A : memref<!tpu.dma_semaphore, #tpu.memory_space<semaphore_mem>>) src(%arg6 : memref<80x128xf32, #tpu.memory_space<vmem>>) dst(%dma_wait3A_86 : memref<80x128xf32, #tpu.memory_space<hbm>>)
          tpu.yield
        }) : () -> ()
        %add3A_70 = arith.constant 0 : i32
        %add3A_71 = arith.addi %add3A_32, %add3A_70 : i32
        %add3A_72 = arith.constant 4 : i32
        %add3A_73 = arith.addi %add3A_71, %add3A_72 : i32
        %lt3A_74 = arith.constant 20 : i32
        %lt3A_75 = arith.cmpi slt, %add3A_73, %lt3A_74 : i32
        %convert_element_type3A_76 = arith.extui %lt3A_75 : i1 to i32
        %cond3A_77 = arith.constant 0 : i32
        %cond3A_78 = arith.cmpi ne, %convert_element_type3A_76, %cond3A_77 : i32
        scf.if %cond3A_78 {
          %add3A_79 = arith.constant 0 : i32
          %add3A_80 = arith.addi %add3A_32, %add3A_79 : i32
          %add3A_81 = arith.constant 4 : i32
          %add3A_82 = arith.addi %add3A_80, %add3A_81 : i32
          %mul3A_83 = arith.constant 80 : i32
          %mul3A_84 = arith.muli %add3A_82, %mul3A_83 : i32
          %dma_start3A_85 = tpu.memref_slice %arg5[%mul3A_84] : memref<1600xi32, #tpu.memory_space<vmem>> -> memref<80xi32, #tpu.memory_space<vmem>>
          %dma_start3A_86 = arith.constant 0 : i32
          %dma_start3A_87 = arith.constant 0 : i32
          %dma_start3A_88 = tpu.memref_slice %arg2[%dma_start3A_86, %dma_start3A_87] : memref<100000x128xf32, #tpu.memory_space<hbm>> -> memref<100000x128xf32, #tpu.memory_space<hbm>>
          tpu.enqueue_indirect_dma source(%dma_start3A_88 : memref<100000x128xf32, #tpu.memory_space<hbm>>) target(%arg6 : memref<80x128xf32, #tpu.memory_space<vmem>>) offsets(%dma_start3A_85 : memref<80xi32, #tpu.memory_space<vmem>>) semaphore(%arg10 : memref<!tpu.dma_semaphore, #tpu.memory_space<semaphore_mem>>)
        } else {
        }
      } else {
      }
      %add3A_37 = arith.constant 1 : i32
      %add3A_38 = arith.addi %add3A_32, %add3A_37 : i32
      %lt3A_39 = arith.constant 20 : i32
      %lt3A_40 = arith.cmpi slt, %add3A_38, %lt3A_39 : i32
      %convert_element_type3A_41 = arith.extui %lt3A_40 : i1 to i32
      %cond3A_42 = arith.constant 0 : i32
      %cond3A_43 = arith.cmpi ne, %convert_element_type3A_41, %cond3A_42 : i32
      scf.if %cond3A_43 {
        %add3A_58 = arith.constant 1 : i32
        %add3A_59 = arith.addi %add3A_32, %add3A_58 : i32
        %mul3A_60 = arith.constant 80 : i32
        %mul3A_61 = arith.muli %add3A_59, %mul3A_60 : i32
        %dma_wait3A = tpu.memref_slice %arg5[%mul3A_61] : memref<1600xi32, #tpu.memory_space<vmem>> -> memref<80xi32, #tpu.memory_space<vmem>>
        %dma_wait3A_62 = arith.constant 0 : i32
        %dma_wait3A_63 = arith.constant 0 : i32
        %dma_wait3A_64 = tpu.memref_slice %arg2[%dma_wait3A_62, %dma_wait3A_63] : memref<100000x128xf32, #tpu.memory_space<hbm>> -> memref<100000x128xf32, #tpu.memory_space<hbm>>
        tpu.wait_indirect_dma semaphore(%arg11 : memref<!tpu.dma_semaphore, #tpu.memory_space<semaphore_mem>>) src(%dma_wait3A_64 : memref<100000x128xf32, #tpu.memory_space<hbm>>) dst(%arg7 : memref<80x128xf32, #tpu.memory_space<vmem>>)
        %add3A_65 = arith.constant 1 : i32
        %add3A_66 = arith.addi %add3A_32, %add3A_65 : i32
        %mul3A_67 = arith.constant 80 : i32
        %mul3A_68 = arith.muli %add3A_66, %mul3A_67 : i32
        %add3A_69 = arith.addi %mul3A_2, %mul3A_68 : i32
        "tpu.region"() ({
          %run_scoped3A = tpu.sem_alloc : memref<!tpu.dma_semaphore, #tpu.memory_space<semaphore_mem>>
          %dma_start3A_79 = arith.constant 0 : i32
          %dma_start3A_80 = tpu.memref_slice %arg4[%add3A_69, %dma_start3A_79] : memref<51200x128xf32, #tpu.memory_space<hbm>> -> memref<80x128xf32, #tpu.memory_space<hbm>>
          %dma_start3A_81 = arith.constant 0 : i32
          %dma_start3A_82 = tpu.memref_slice %arg4[%add3A_69, %dma_start3A_81] : memref<51200x128xf32, #tpu.memory_space<hbm>> -> memref<80x128xf32, #tpu.memory_space<hbm>>
          tpu.enqueue_dma source(%arg7 : memref<80x128xf32, #tpu.memory_space<vmem>>) target(%dma_start3A_82 : memref<80x128xf32, #tpu.memory_space<hbm>>) target_semaphore(%run_scoped3A : memref<!tpu.dma_semaphore, #tpu.memory_space<semaphore_mem>>)
          %dma_wait3A_83 = arith.constant 0 : i32
          %dma_wait3A_84 = tpu.memref_slice %arg4[%add3A_69, %dma_wait3A_83] : memref<51200x128xf32, #tpu.memory_space<hbm>> -> memref<80x128xf32, #tpu.memory_space<hbm>>
          %dma_wait3A_85 = arith.constant 0 : i32
          %dma_wait3A_86 = tpu.memref_slice %arg4[%add3A_69, %dma_wait3A_85] : memref<51200x128xf32, #tpu.memory_space<hbm>> -> memref<80x128xf32, #tpu.memory_space<hbm>>
          tpu.wait_dma2 semaphore(%run_scoped3A : memref<!tpu.dma_semaphore, #tpu.memory_space<semaphore_mem>>) src(%arg7 : memref<80x128xf32, #tpu.memory_space<vmem>>) dst(%dma_wait3A_86 : memref<80x128xf32, #tpu.memory_space<hbm>>)
          tpu.yield
        }) : () -> ()
        %add3A_70 = arith.constant 1 : i32
        %add3A_71 = arith.addi %add3A_32, %add3A_70 : i32
        %add3A_72 = arith.constant 4 : i32
        %add3A_73 = arith.addi %add3A_71, %add3A_72 : i32
        %lt3A_74 = arith.constant 20 : i32
        %lt3A_75 = arith.cmpi slt, %add3A_73, %lt3A_74 : i32
        %convert_element_type3A_76 = arith.extui %lt3A_75 : i1 to i32
        %cond3A_77 = arith.constant 0 : i32
        %cond3A_78 = arith.cmpi ne, %convert_element_type3A_76, %cond3A_77 : i32
        scf.if %cond3A_78 {
          %add3A_79 = arith.constant 1 : i32
          %add3A_80 = arith.addi %add3A_32, %add3A_79 : i32
          %add3A_81 = arith.constant 4 : i32
          %add3A_82 = arith.addi %add3A_80, %add3A_81 : i32
          %mul3A_83 = arith.constant 80 : i32
          %mul3A_84 = arith.muli %add3A_82, %mul3A_83 : i32
          %dma_start3A_85 = tpu.memref_slice %arg5[%mul3A_84] : memref<1600xi32, #tpu.memory_space<vmem>> -> memref<80xi32, #tpu.memory_space<vmem>>
          %dma_start3A_86 = arith.constant 0 : i32
          %dma_start3A_87 = arith.constant 0 : i32
          %dma_start3A_88 = tpu.memref_slice %arg2[%dma_start3A_86, %dma_start3A_87] : memref<100000x128xf32, #tpu.memory_space<hbm>> -> memref<100000x128xf32, #tpu.memory_space<hbm>>
          tpu.enqueue_indirect_dma source(%dma_start3A_88 : memref<100000x128xf32, #tpu.memory_space<hbm>>) target(%arg7 : memref<80x128xf32, #tpu.memory_space<vmem>>) offsets(%dma_start3A_85 : memref<80xi32, #tpu.memory_space<vmem>>) semaphore(%arg11 : memref<!tpu.dma_semaphore, #tpu.memory_space<semaphore_mem>>)
        } else {
        }
      } else {
      }
      %add3A_44 = arith.constant 2 : i32
      %add3A_45 = arith.addi %add3A_32, %add3A_44 : i32
      %lt3A_46 = arith.constant 20 : i32
      %lt3A_47 = arith.cmpi slt, %add3A_45, %lt3A_46 : i32
      %convert_element_type3A_48 = arith.extui %lt3A_47 : i1 to i32
      %cond3A_49 = arith.constant 0 : i32
      %cond3A_50 = arith.cmpi ne, %convert_element_type3A_48, %cond3A_49 : i32
      scf.if %cond3A_50 {
        %add3A_58 = arith.constant 2 : i32
        %add3A_59 = arith.addi %add3A_32, %add3A_58 : i32
        %mul3A_60 = arith.constant 80 : i32
        %mul3A_61 = arith.muli %add3A_59, %mul3A_60 : i32
        %dma_wait3A = tpu.memref_slice %arg5[%mul3A_61] : memref<1600xi32, #tpu.memory_space<vmem>> -> memref<80xi32, #tpu.memory_space<vmem>>
        %dma_wait3A_62 = arith.constant 0 : i32
        %dma_wait3A_63 = arith.constant 0 : i32
        %dma_wait3A_64 = tpu.memref_slice %arg2[%dma_wait3A_62, %dma_wait3A_63] : memref<100000x128xf32, #tpu.memory_space<hbm>> -> memref<100000x128xf32, #tpu.memory_space<hbm>>
        tpu.wait_indirect_dma semaphore(%arg12 : memref<!tpu.dma_semaphore, #tpu.memory_space<semaphore_mem>>) src(%dma_wait3A_64 : memref<100000x128xf32, #tpu.memory_space<hbm>>) dst(%arg8 : memref<80x128xf32, #tpu.memory_space<vmem>>)
        %add3A_65 = arith.constant 2 : i32
        %add3A_66 = arith.addi %add3A_32, %add3A_65 : i32
        %mul3A_67 = arith.constant 80 : i32
        %mul3A_68 = arith.muli %add3A_66, %mul3A_67 : i32
        %add3A_69 = arith.addi %mul3A_2, %mul3A_68 : i32
        "tpu.region"() ({
          %run_scoped3A = tpu.sem_alloc : memref<!tpu.dma_semaphore, #tpu.memory_space<semaphore_mem>>
          %dma_start3A_79 = arith.constant 0 : i32
          %dma_start3A_80 = tpu.memref_slice %arg4[%add3A_69, %dma_start3A_79] : memref<51200x128xf32, #tpu.memory_space<hbm>> -> memref<80x128xf32, #tpu.memory_space<hbm>>
          %dma_start3A_81 = arith.constant 0 : i32
          %dma_start3A_82 = tpu.memref_slice %arg4[%add3A_69, %dma_start3A_81] : memref<51200x128xf32, #tpu.memory_space<hbm>> -> memref<80x128xf32, #tpu.memory_space<hbm>>
          tpu.enqueue_dma source(%arg8 : memref<80x128xf32, #tpu.memory_space<vmem>>) target(%dma_start3A_82 : memref<80x128xf32, #tpu.memory_space<hbm>>) target_semaphore(%run_scoped3A : memref<!tpu.dma_semaphore, #tpu.memory_space<semaphore_mem>>)
          %dma_wait3A_83 = arith.constant 0 : i32
          %dma_wait3A_84 = tpu.memref_slice %arg4[%add3A_69, %dma_wait3A_83] : memref<51200x128xf32, #tpu.memory_space<hbm>> -> memref<80x128xf32, #tpu.memory_space<hbm>>
          %dma_wait3A_85 = arith.constant 0 : i32
          %dma_wait3A_86 = tpu.memref_slice %arg4[%add3A_69, %dma_wait3A_85] : memref<51200x128xf32, #tpu.memory_space<hbm>> -> memref<80x128xf32, #tpu.memory_space<hbm>>
          tpu.wait_dma2 semaphore(%run_scoped3A : memref<!tpu.dma_semaphore, #tpu.memory_space<semaphore_mem>>) src(%arg8 : memref<80x128xf32, #tpu.memory_space<vmem>>) dst(%dma_wait3A_86 : memref<80x128xf32, #tpu.memory_space<hbm>>)
          tpu.yield
        }) : () -> ()
        %add3A_70 = arith.constant 2 : i32
        %add3A_71 = arith.addi %add3A_32, %add3A_70 : i32
        %add3A_72 = arith.constant 4 : i32
        %add3A_73 = arith.addi %add3A_71, %add3A_72 : i32
        %lt3A_74 = arith.constant 20 : i32
        %lt3A_75 = arith.cmpi slt, %add3A_73, %lt3A_74 : i32
        %convert_element_type3A_76 = arith.extui %lt3A_75 : i1 to i32
        %cond3A_77 = arith.constant 0 : i32
        %cond3A_78 = arith.cmpi ne, %convert_element_type3A_76, %cond3A_77 : i32
        scf.if %cond3A_78 {
          %add3A_79 = arith.constant 2 : i32
          %add3A_80 = arith.addi %add3A_32, %add3A_79 : i32
          %add3A_81 = arith.constant 4 : i32
          %add3A_82 = arith.addi %add3A_80, %add3A_81 : i32
          %mul3A_83 = arith.constant 80 : i32
          %mul3A_84 = arith.muli %add3A_82, %mul3A_83 : i32
          %dma_start3A_85 = tpu.memref_slice %arg5[%mul3A_84] : memref<1600xi32, #tpu.memory_space<vmem>> -> memref<80xi32, #tpu.memory_space<vmem>>
          %dma_start3A_86 = arith.constant 0 : i32
          %dma_start3A_87 = arith.constant 0 : i32
          %dma_start3A_88 = tpu.memref_slice %arg2[%dma_start3A_86, %dma_start3A_87] : memref<100000x128xf32, #tpu.memory_space<hbm>> -> memref<100000x128xf32, #tpu.memory_space<hbm>>
          tpu.enqueue_indirect_dma source(%dma_start3A_88 : memref<100000x128xf32, #tpu.memory_space<hbm>>) target(%arg8 : memref<80x128xf32, #tpu.memory_space<vmem>>) offsets(%dma_start3A_85 : memref<80xi32, #tpu.memory_space<vmem>>) semaphore(%arg12 : memref<!tpu.dma_semaphore, #tpu.memory_space<semaphore_mem>>)
        } else {
        }
      } else {
      }
      %add3A_51 = arith.constant 3 : i32
      %add3A_52 = arith.addi %add3A_32, %add3A_51 : i32
      %lt3A_53 = arith.constant 20 : i32
      %lt3A_54 = arith.cmpi slt, %add3A_52, %lt3A_53 : i32
      %convert_element_type3A_55 = arith.extui %lt3A_54 : i1 to i32
      %cond3A_56 = arith.constant 0 : i32
      %cond3A_57 = arith.cmpi ne, %convert_element_type3A_55, %cond3A_56 : i32
      scf.if %cond3A_57 {
        %add3A_58 = arith.constant 3 : i32
        %add3A_59 = arith.addi %add3A_32, %add3A_58 : i32
        %mul3A_60 = arith.constant 80 : i32
        %mul3A_61 = arith.muli %add3A_59, %mul3A_60 : i32
        %dma_wait3A = tpu.memref_slice %arg5[%mul3A_61] : memref<1600xi32, #tpu.memory_space<vmem>> -> memref<80xi32, #tpu.memory_space<vmem>>
        %dma_wait3A_62 = arith.constant 0 : i32
        %dma_wait3A_63 = arith.constant 0 : i32
        %dma_wait3A_64 = tpu.memref_slice %arg2[%dma_wait3A_62, %dma_wait3A_63] : memref<100000x128xf32, #tpu.memory_space<hbm>> -> memref<100000x128xf32, #tpu.memory_space<hbm>>
        tpu.wait_indirect_dma semaphore(%arg13 : memref<!tpu.dma_semaphore, #tpu.memory_space<semaphore_mem>>) src(%dma_wait3A_64 : memref<100000x128xf32, #tpu.memory_space<hbm>>) dst(%arg9 : memref<80x128xf32, #tpu.memory_space<vmem>>)
        %add3A_65 = arith.constant 3 : i32
        %add3A_66 = arith.addi %add3A_32, %add3A_65 : i32
        %mul3A_67 = arith.constant 80 : i32
        %mul3A_68 = arith.muli %add3A_66, %mul3A_67 : i32
        %add3A_69 = arith.addi %mul3A_2, %mul3A_68 : i32
        "tpu.region"() ({
          %run_scoped3A = tpu.sem_alloc : memref<!tpu.dma_semaphore, #tpu.memory_space<semaphore_mem>>
          %dma_start3A_79 = arith.constant 0 : i32
          %dma_start3A_80 = tpu.memref_slice %arg4[%add3A_69, %dma_start3A_79] : memref<51200x128xf32, #tpu.memory_space<hbm>> -> memref<80x128xf32, #tpu.memory_space<hbm>>
          %dma_start3A_81 = arith.constant 0 : i32
          %dma_start3A_82 = tpu.memref_slice %arg4[%add3A_69, %dma_start3A_81] : memref<51200x128xf32, #tpu.memory_space<hbm>> -> memref<80x128xf32, #tpu.memory_space<hbm>>
          tpu.enqueue_dma source(%arg9 : memref<80x128xf32, #tpu.memory_space<vmem>>) target(%dma_start3A_82 : memref<80x128xf32, #tpu.memory_space<hbm>>) target_semaphore(%run_scoped3A : memref<!tpu.dma_semaphore, #tpu.memory_space<semaphore_mem>>)
          %dma_wait3A_83 = arith.constant 0 : i32
          %dma_wait3A_84 = tpu.memref_slice %arg4[%add3A_69, %dma_wait3A_83] : memref<51200x128xf32, #tpu.memory_space<hbm>> -> memref<80x128xf32, #tpu.memory_space<hbm>>
          %dma_wait3A_85 = arith.constant 0 : i32
          %dma_wait3A_86 = tpu.memref_slice %arg4[%add3A_69, %dma_wait3A_85] : memref<51200x128xf32, #tpu.memory_space<hbm>> -> memref<80x128xf32, #tpu.memory_space<hbm>>
          tpu.wait_dma2 semaphore(%run_scoped3A : memref<!tpu.dma_semaphore, #tpu.memory_space<semaphore_mem>>) src(%arg9 : memref<80x128xf32, #tpu.memory_space<vmem>>) dst(%dma_wait3A_86 : memref<80x128xf32, #tpu.memory_space<hbm>>)
          tpu.yield
        }) : () -> ()
        %add3A_70 = arith.constant 3 : i32
        %add3A_71 = arith.addi %add3A_32, %add3A_70 : i32
        %add3A_72 = arith.constant 4 : i32
        %add3A_73 = arith.addi %add3A_71, %add3A_72 : i32
        %lt3A_74 = arith.constant 20 : i32
        %lt3A_75 = arith.cmpi slt, %add3A_73, %lt3A_74 : i32
        %convert_element_type3A_76 = arith.extui %lt3A_75 : i1 to i32
        %cond3A_77 = arith.constant 0 : i32
        %cond3A_78 = arith.cmpi ne, %convert_element_type3A_76, %cond3A_77 : i32
        scf.if %cond3A_78 {
          %add3A_79 = arith.constant 3 : i32
          %add3A_80 = arith.addi %add3A_32, %add3A_79 : i32
          %add3A_81 = arith.constant 4 : i32
          %add3A_82 = arith.addi %add3A_80, %add3A_81 : i32
          %mul3A_83 = arith.constant 80 : i32
          %mul3A_84 = arith.muli %add3A_82, %mul3A_83 : i32
          %dma_start3A_85 = tpu.memref_slice %arg5[%mul3A_84] : memref<1600xi32, #tpu.memory_space<vmem>> -> memref<80xi32, #tpu.memory_space<vmem>>
          %dma_start3A_86 = arith.constant 0 : i32
          %dma_start3A_87 = arith.constant 0 : i32
          %dma_start3A_88 = tpu.memref_slice %arg2[%dma_start3A_86, %dma_start3A_87] : memref<100000x128xf32, #tpu.memory_space<hbm>> -> memref<100000x128xf32, #tpu.memory_space<hbm>>
          tpu.enqueue_indirect_dma source(%dma_start3A_88 : memref<100000x128xf32, #tpu.memory_space<hbm>>) target(%arg9 : memref<80x128xf32, #tpu.memory_space<vmem>>) offsets(%dma_start3A_85 : memref<80xi32, #tpu.memory_space<vmem>>) semaphore(%arg13 : memref<!tpu.dma_semaphore, #tpu.memory_space<semaphore_mem>>)
        } else {
        }
      } else {
      }
    }
    %scan3A_27 = arith.constant 5 : i32
    return
  }
}

#map = affine_map<(d0, d1) -> (0, 0)>
#map1 = affine_map<(d0, d1) -> (0)>
module attributes {stable_mosaic.version = 14 : i64} {
  func.func @gather_kernel(%arg0: i32, %arg1: i32, %arg2: memref<100000x128xf32, #tpu.memory_space<hbm>>, %arg3: memref<204800xi32, #tpu.memory_space<hbm>>, %arg4: memref<51200x128xf32, #tpu.memory_space<hbm>>, %arg5: memref<1600xi32, #tpu.memory_space<vmem>>, %arg6: memref<80x128xf32, #tpu.memory_space<vmem>>, %arg7: memref<80x128xf32, #tpu.memory_space<vmem>>, %arg8: memref<80x128xf32, #tpu.memory_space<vmem>>, %arg9: memref<80x128xf32, #tpu.memory_space<vmem>>, %arg10: memref<!tpu.dma_semaphore, #tpu.memory_space<semaphore_mem>>, %arg11: memref<!tpu.dma_semaphore, #tpu.memory_space<semaphore_mem>>, %arg12: memref<!tpu.dma_semaphore, #tpu.memory_space<semaphore_mem>>, %arg13: memref<!tpu.dma_semaphore, #tpu.memory_space<semaphore_mem>>) attributes {dimension_semantics = [#tpu.dimension_semantics<core_parallel>, #tpu.dimension_semantics<subcore_parallel>], iteration_bounds = array<i64: 2, 16>, scalar_prefetch = 0 : i64, scratch_operands = 9 : i64, tpu.core_type = #tpu.core_type<sc_vector_subcore>, window_params = [{transform_indices = #map}, {transform_indices = #map1}, {transform_indices = #map}]} {
    %mul3A = arith.constant 2 : i32
    %mul3A_0 = arith.muli %arg1, %mul3A : i32
    %add3A = arith.addi %mul3A_0, %arg0 : i32
    %mul3A_1 = arith.constant 1600 : i32
    %mul3A_2 = arith.muli %add3A, %mul3A_1 : i32
    %add3A_3 = arith.constant 153600 : i32
    %add3A_4 = arith.addi %add3A_3, %mul3A_2 : i32
    "tpu.region"() ({
      %run_scoped3A = tpu.sem_alloc : memref<!tpu.dma_semaphore, #tpu.memory_space<semaphore_mem>>
      %dma_start3A_28 = tpu.memref_slice %arg3[%add3A_4] : memref<204800xi32, #tpu.memory_space<hbm>> -> memref<1600xi32, #tpu.memory_space<hbm>>
      %dma_start3A_29 = tpu.memref_slice %arg3[%add3A_4] : memref<204800xi32, #tpu.memory_space<hbm>> -> memref<1600xi32, #tpu.memory_space<hbm>>
      tpu.enqueue_dma source(%dma_start3A_29 : memref<1600xi32, #tpu.memory_space<hbm>>) target(%arg5 : memref<1600xi32, #tpu.memory_space<vmem>>) target_semaphore(%run_scoped3A : memref<!tpu.dma_semaphore, #tpu.memory_space<semaphore_mem>>)
      %dma_wait3A = tpu.memref_slice %arg3[%add3A_4] : memref<204800xi32, #tpu.memory_space<hbm>> -> memref<1600xi32, #tpu.memory_space<hbm>>
      %dma_wait3A_30 = tpu.memref_slice %arg3[%add3A_4] : memref<204800xi32, #tpu.memory_space<hbm>> -> memref<1600xi32, #tpu.memory_space<hbm>>
      tpu.wait_dma2 semaphore(%run_scoped3A : memref<!tpu.dma_semaphore, #tpu.memory_space<semaphore_mem>>) src(%dma_wait3A_30 : memref<1600xi32, #tpu.memory_space<hbm>>) dst(%arg5 : memref<1600xi32, #tpu.memory_space<vmem>>)
      tpu.yield
    }) : () -> ()
    %dma_start3A = arith.constant 0 : i32
    %dma_start3A_5 = tpu.memref_slice %arg5[%dma_start3A] : memref<1600xi32, #tpu.memory_space<vmem>> -> memref<80xi32, #tpu.memory_space<vmem>>
    %dma_start3A_6 = arith.constant 0 : i32
    %dma_start3A_7 = arith.constant 0 : i32
    %dma_start3A_8 = tpu.memref_slice %arg2[%dma_start3A_6, %dma_start3A_7] : memref<100000x128xf32, #tpu.memory_space<hbm>> -> memref<100000x128xf32, #tpu.memory_space<hbm>>
    tpu.enqueue_indirect_dma source(%dma_start3A_8 : memref<100000x128xf32, #tpu.memory_space<hbm>>) target(%arg6 : memref<80x128xf32, #tpu.memory_space<vmem>>) offsets(%dma_start3A_5 : memref<80xi32, #tpu.memory_space<vmem>>) semaphore(%arg10 : memref<!tpu.dma_semaphore, #tpu.memory_space<semaphore_mem>>)
    %dma_start3A_9 = arith.constant 80 : i32
    %dma_start3A_10 = tpu.memref_slice %arg5[%dma_start3A_9] : memref<1600xi32, #tpu.memory_space<vmem>> -> memref<80xi32, #tpu.memory_space<vmem>>
    %dma_start3A_11 = arith.constant 0 : i32
    %dma_start3A_12 = arith.constant 0 : i32
    %dma_start3A_13 = tpu.memref_slice %arg2[%dma_start3A_11, %dma_start3A_12] : memref<100000x128xf32, #tpu.memory_space<hbm>> -> memref<100000x128xf32, #tpu.memory_space<hbm>>
    tpu.enqueue_indirect_dma source(%dma_start3A_13 : memref<100000x128xf32, #tpu.memory_space<hbm>>) target(%arg7 : memref<80x128xf32, #tpu.memory_space<vmem>>) offsets(%dma_start3A_10 : memref<80xi32, #tpu.memory_space<vmem>>) semaphore(%arg11 : memref<!tpu.dma_semaphore, #tpu.memory_space<semaphore_mem>>)
    %dma_start3A_14 = arith.constant 160 : i32
    %dma_start3A_15 = tpu.memref_slice %arg5[%dma_start3A_14] : memref<1600xi32, #tpu.memory_space<vmem>> -> memref<80xi32, #tpu.memory_space<vmem>>
    %dma_start3A_16 = arith.constant 0 : i32
    %dma_start3A_17 = arith.constant 0 : i32
    %dma_start3A_18 = tpu.memref_slice %arg2[%dma_start3A_16, %dma_start3A_17] : memref<100000x128xf32, #tpu.memory_space<hbm>> -> memref<100000x128xf32, #tpu.memory_space<hbm>>
    tpu.enqueue_indirect_dma source(%dma_start3A_18 : memref<100000x128xf32, #tpu.memory_space<hbm>>) target(%arg8 : memref<80x128xf32, #tpu.memory_space<vmem>>) offsets(%dma_start3A_15 : memref<80xi32, #tpu.memory_space<vmem>>) semaphore(%arg12 : memref<!tpu.dma_semaphore, #tpu.memory_space<semaphore_mem>>)
    %dma_start3A_19 = arith.constant 240 : i32
    %dma_start3A_20 = tpu.memref_slice %arg5[%dma_start3A_19] : memref<1600xi32, #tpu.memory_space<vmem>> -> memref<80xi32, #tpu.memory_space<vmem>>
    %dma_start3A_21 = arith.constant 0 : i32
    %dma_start3A_22 = arith.constant 0 : i32
    %dma_start3A_23 = tpu.memref_slice %arg2[%dma_start3A_21, %dma_start3A_22] : memref<100000x128xf32, #tpu.memory_space<hbm>> -> memref<100000x128xf32, #tpu.memory_space<hbm>>
    tpu.enqueue_indirect_dma source(%dma_start3A_23 : memref<100000x128xf32, #tpu.memory_space<hbm>>) target(%arg9 : memref<80x128xf32, #tpu.memory_space<vmem>>) offsets(%dma_start3A_20 : memref<80xi32, #tpu.memory_space<vmem>>) semaphore(%arg13 : memref<!tpu.dma_semaphore, #tpu.memory_space<semaphore_mem>>)
    %scan3A = arith.constant 0 : i32
    %scan3A_24 = arith.constant 5 : i32
    %scan3A_25 = arith.addi %scan3A, %scan3A_24 : i32
    %scan3A_26 = arith.constant 1 : i32
    scf.for %scan3A_28 = %scan3A to %scan3A_25 step %scan3A_26  : i32 {
      %mul3A_29 = arith.constant 4 : i32
      %mul3A_30 = arith.muli %scan3A_28, %mul3A_29 : i32
      %add3A_31 = arith.constant 0 : i32
      %add3A_32 = arith.addi %add3A_31, %mul3A_30 : i32
      %add3A_33 = arith.constant 0 : i32
      %add3A_34 = arith.addi %add3A_32, %add3A_33 : i32
      %lt3A = arith.constant 20 : i32
      %lt3A_35 = arith.cmpi slt, %add3A_34, %lt3A : i32
      %convert_element_type3A = arith.extui %lt3A_35 : i1 to i32
      %cond3A = arith.constant 0 : i32
      %cond3A_36 = arith.cmpi ne, %convert_element_type3A, %cond3A : i32
      scf.if %cond3A_36 {
        %add3A_58 = arith.constant 0 : i32
        %add3A_59 = arith.addi %add3A_32, %add3A_58 : i32
        %mul3A_60 = arith.constant 80 : i32
        %mul3A_61 = arith.muli %add3A_59, %mul3A_60 : i32
        %dma_wait3A = tpu.memref_slice %arg5[%mul3A_61] : memref<1600xi32, #tpu.memory_space<vmem>> -> memref<80xi32, #tpu.memory_space<vmem>>
        %dma_wait3A_62 = arith.constant 0 : i32
        %dma_wait3A_63 = arith.constant 0 : i32
        %dma_wait3A_64 = tpu.memref_slice %arg2[%dma_wait3A_62, %dma_wait3A_63] : memref<100000x128xf32, #tpu.memory_space<hbm>> -> memref<100000x128xf32, #tpu.memory_space<hbm>>
        tpu.wait_indirect_dma semaphore(%arg10 : memref<!tpu.dma_semaphore, #tpu.memory_space<semaphore_mem>>) src(%dma_wait3A_64 : memref<100000x128xf32, #tpu.memory_space<hbm>>) dst(%arg6 : memref<80x128xf32, #tpu.memory_space<vmem>>)
        %add3A_65 = arith.constant 0 : i32
        %add3A_66 = arith.addi %add3A_32, %add3A_65 : i32
        %mul3A_67 = arith.constant 80 : i32
        %mul3A_68 = arith.muli %add3A_66, %mul3A_67 : i32
        %add3A_69 = arith.addi %mul3A_2, %mul3A_68 : i32
        "tpu.region"() ({
          %run_scoped3A = tpu.sem_alloc : memref<!tpu.dma_semaphore, #tpu.memory_space<semaphore_mem>>
          %dma_start3A_79 = arith.constant 0 : i32
          %dma_start3A_80 = tpu.memref_slice %arg4[%add3A_69, %dma_start3A_79] : memref<51200x128xf32, #tpu.memory_space<hbm>> -> memref<80x128xf32, #tpu.memory_space<hbm>>
          %dma_start3A_81 = arith.constant 0 : i32
          %dma_start3A_82 = tpu.memref_slice %arg4[%add3A_69, %dma_start3A_81] : memref<51200x128xf32, #tpu.memory_space<hbm>> -> memref<80x128xf32, #tpu.memory_space<hbm>>
          tpu.enqueue_dma source(%arg6 : memref<80x128xf32, #tpu.memory_space<vmem>>) target(%dma_start3A_82 : memref<80x128xf32, #tpu.memory_space<hbm>>) target_semaphore(%run_scoped3A : memref<!tpu.dma_semaphore, #tpu.memory_space<semaphore_mem>>)
          %dma_wait3A_83 = arith.constant 0 : i32
          %dma_wait3A_84 = tpu.memref_slice %arg4[%add3A_69, %dma_wait3A_83] : memref<51200x128xf32, #tpu.memory_space<hbm>> -> memref<80x128xf32, #tpu.memory_space<hbm>>
          %dma_wait3A_85 = arith.constant 0 : i32
          %dma_wait3A_86 = tpu.memref_slice %arg4[%add3A_69, %dma_wait3A_85] : memref<51200x128xf32, #tpu.memory_space<hbm>> -> memref<80x128xf32, #tpu.memory_space<hbm>>
          tpu.wait_dma2 semaphore(%run_scoped3A : memref<!tpu.dma_semaphore, #tpu.memory_space<semaphore_mem>>) src(%arg6 : memref<80x128xf32, #tpu.memory_space<vmem>>) dst(%dma_wait3A_86 : memref<80x128xf32, #tpu.memory_space<hbm>>)
          tpu.yield
        }) : () -> ()
        %add3A_70 = arith.constant 0 : i32
        %add3A_71 = arith.addi %add3A_32, %add3A_70 : i32
        %add3A_72 = arith.constant 4 : i32
        %add3A_73 = arith.addi %add3A_71, %add3A_72 : i32
        %lt3A_74 = arith.constant 20 : i32
        %lt3A_75 = arith.cmpi slt, %add3A_73, %lt3A_74 : i32
        %convert_element_type3A_76 = arith.extui %lt3A_75 : i1 to i32
        %cond3A_77 = arith.constant 0 : i32
        %cond3A_78 = arith.cmpi ne, %convert_element_type3A_76, %cond3A_77 : i32
        scf.if %cond3A_78 {
          %add3A_79 = arith.constant 0 : i32
          %add3A_80 = arith.addi %add3A_32, %add3A_79 : i32
          %add3A_81 = arith.constant 4 : i32
          %add3A_82 = arith.addi %add3A_80, %add3A_81 : i32
          %mul3A_83 = arith.constant 80 : i32
          %mul3A_84 = arith.muli %add3A_82, %mul3A_83 : i32
          %dma_start3A_85 = tpu.memref_slice %arg5[%mul3A_84] : memref<1600xi32, #tpu.memory_space<vmem>> -> memref<80xi32, #tpu.memory_space<vmem>>
          %dma_start3A_86 = arith.constant 0 : i32
          %dma_start3A_87 = arith.constant 0 : i32
          %dma_start3A_88 = tpu.memref_slice %arg2[%dma_start3A_86, %dma_start3A_87] : memref<100000x128xf32, #tpu.memory_space<hbm>> -> memref<100000x128xf32, #tpu.memory_space<hbm>>
          tpu.enqueue_indirect_dma source(%dma_start3A_88 : memref<100000x128xf32, #tpu.memory_space<hbm>>) target(%arg6 : memref<80x128xf32, #tpu.memory_space<vmem>>) offsets(%dma_start3A_85 : memref<80xi32, #tpu.memory_space<vmem>>) semaphore(%arg10 : memref<!tpu.dma_semaphore, #tpu.memory_space<semaphore_mem>>)
        } else {
        }
      } else {
      }
      %add3A_37 = arith.constant 1 : i32
      %add3A_38 = arith.addi %add3A_32, %add3A_37 : i32
      %lt3A_39 = arith.constant 20 : i32
      %lt3A_40 = arith.cmpi slt, %add3A_38, %lt3A_39 : i32
      %convert_element_type3A_41 = arith.extui %lt3A_40 : i1 to i32
      %cond3A_42 = arith.constant 0 : i32
      %cond3A_43 = arith.cmpi ne, %convert_element_type3A_41, %cond3A_42 : i32
      scf.if %cond3A_43 {
        %add3A_58 = arith.constant 1 : i32
        %add3A_59 = arith.addi %add3A_32, %add3A_58 : i32
        %mul3A_60 = arith.constant 80 : i32
        %mul3A_61 = arith.muli %add3A_59, %mul3A_60 : i32
        %dma_wait3A = tpu.memref_slice %arg5[%mul3A_61] : memref<1600xi32, #tpu.memory_space<vmem>> -> memref<80xi32, #tpu.memory_space<vmem>>
        %dma_wait3A_62 = arith.constant 0 : i32
        %dma_wait3A_63 = arith.constant 0 : i32
        %dma_wait3A_64 = tpu.memref_slice %arg2[%dma_wait3A_62, %dma_wait3A_63] : memref<100000x128xf32, #tpu.memory_space<hbm>> -> memref<100000x128xf32, #tpu.memory_space<hbm>>
        tpu.wait_indirect_dma semaphore(%arg11 : memref<!tpu.dma_semaphore, #tpu.memory_space<semaphore_mem>>) src(%dma_wait3A_64 : memref<100000x128xf32, #tpu.memory_space<hbm>>) dst(%arg7 : memref<80x128xf32, #tpu.memory_space<vmem>>)
        %add3A_65 = arith.constant 1 : i32
        %add3A_66 = arith.addi %add3A_32, %add3A_65 : i32
        %mul3A_67 = arith.constant 80 : i32
        %mul3A_68 = arith.muli %add3A_66, %mul3A_67 : i32
        %add3A_69 = arith.addi %mul3A_2, %mul3A_68 : i32
        "tpu.region"() ({
          %run_scoped3A = tpu.sem_alloc : memref<!tpu.dma_semaphore, #tpu.memory_space<semaphore_mem>>
          %dma_start3A_79 = arith.constant 0 : i32
          %dma_start3A_80 = tpu.memref_slice %arg4[%add3A_69, %dma_start3A_79] : memref<51200x128xf32, #tpu.memory_space<hbm>> -> memref<80x128xf32, #tpu.memory_space<hbm>>
          %dma_start3A_81 = arith.constant 0 : i32
          %dma_start3A_82 = tpu.memref_slice %arg4[%add3A_69, %dma_start3A_81] : memref<51200x128xf32, #tpu.memory_space<hbm>> -> memref<80x128xf32, #tpu.memory_space<hbm>>
          tpu.enqueue_dma source(%arg7 : memref<80x128xf32, #tpu.memory_space<vmem>>) target(%dma_start3A_82 : memref<80x128xf32, #tpu.memory_space<hbm>>) target_semaphore(%run_scoped3A : memref<!tpu.dma_semaphore, #tpu.memory_space<semaphore_mem>>)
          %dma_wait3A_83 = arith.constant 0 : i32
          %dma_wait3A_84 = tpu.memref_slice %arg4[%add3A_69, %dma_wait3A_83] : memref<51200x128xf32, #tpu.memory_space<hbm>> -> memref<80x128xf32, #tpu.memory_space<hbm>>
          %dma_wait3A_85 = arith.constant 0 : i32
          %dma_wait3A_86 = tpu.memref_slice %arg4[%add3A_69, %dma_wait3A_85] : memref<51200x128xf32, #tpu.memory_space<hbm>> -> memref<80x128xf32, #tpu.memory_space<hbm>>
          tpu.wait_dma2 semaphore(%run_scoped3A : memref<!tpu.dma_semaphore, #tpu.memory_space<semaphore_mem>>) src(%arg7 : memref<80x128xf32, #tpu.memory_space<vmem>>) dst(%dma_wait3A_86 : memref<80x128xf32, #tpu.memory_space<hbm>>)
          tpu.yield
        }) : () -> ()
        %add3A_70 = arith.constant 1 : i32
        %add3A_71 = arith.addi %add3A_32, %add3A_70 : i32
        %add3A_72 = arith.constant 4 : i32
        %add3A_73 = arith.addi %add3A_71, %add3A_72 : i32
        %lt3A_74 = arith.constant 20 : i32
        %lt3A_75 = arith.cmpi slt, %add3A_73, %lt3A_74 : i32
        %convert_element_type3A_76 = arith.extui %lt3A_75 : i1 to i32
        %cond3A_77 = arith.constant 0 : i32
        %cond3A_78 = arith.cmpi ne, %convert_element_type3A_76, %cond3A_77 : i32
        scf.if %cond3A_78 {
          %add3A_79 = arith.constant 1 : i32
          %add3A_80 = arith.addi %add3A_32, %add3A_79 : i32
          %add3A_81 = arith.constant 4 : i32
          %add3A_82 = arith.addi %add3A_80, %add3A_81 : i32
          %mul3A_83 = arith.constant 80 : i32
          %mul3A_84 = arith.muli %add3A_82, %mul3A_83 : i32
          %dma_start3A_85 = tpu.memref_slice %arg5[%mul3A_84] : memref<1600xi32, #tpu.memory_space<vmem>> -> memref<80xi32, #tpu.memory_space<vmem>>
          %dma_start3A_86 = arith.constant 0 : i32
          %dma_start3A_87 = arith.constant 0 : i32
          %dma_start3A_88 = tpu.memref_slice %arg2[%dma_start3A_86, %dma_start3A_87] : memref<100000x128xf32, #tpu.memory_space<hbm>> -> memref<100000x128xf32, #tpu.memory_space<hbm>>
          tpu.enqueue_indirect_dma source(%dma_start3A_88 : memref<100000x128xf32, #tpu.memory_space<hbm>>) target(%arg7 : memref<80x128xf32, #tpu.memory_space<vmem>>) offsets(%dma_start3A_85 : memref<80xi32, #tpu.memory_space<vmem>>) semaphore(%arg11 : memref<!tpu.dma_semaphore, #tpu.memory_space<semaphore_mem>>)
        } else {
        }
      } else {
      }
      %add3A_44 = arith.constant 2 : i32
      %add3A_45 = arith.addi %add3A_32, %add3A_44 : i32
      %lt3A_46 = arith.constant 20 : i32
      %lt3A_47 = arith.cmpi slt, %add3A_45, %lt3A_46 : i32
      %convert_element_type3A_48 = arith.extui %lt3A_47 : i1 to i32
      %cond3A_49 = arith.constant 0 : i32
      %cond3A_50 = arith.cmpi ne, %convert_element_type3A_48, %cond3A_49 : i32
      scf.if %cond3A_50 {
        %add3A_58 = arith.constant 2 : i32
        %add3A_59 = arith.addi %add3A_32, %add3A_58 : i32
        %mul3A_60 = arith.constant 80 : i32
        %mul3A_61 = arith.muli %add3A_59, %mul3A_60 : i32
        %dma_wait3A = tpu.memref_slice %arg5[%mul3A_61] : memref<1600xi32, #tpu.memory_space<vmem>> -> memref<80xi32, #tpu.memory_space<vmem>>
        %dma_wait3A_62 = arith.constant 0 : i32
        %dma_wait3A_63 = arith.constant 0 : i32
        %dma_wait3A_64 = tpu.memref_slice %arg2[%dma_wait3A_62, %dma_wait3A_63] : memref<100000x128xf32, #tpu.memory_space<hbm>> -> memref<100000x128xf32, #tpu.memory_space<hbm>>
        tpu.wait_indirect_dma semaphore(%arg12 : memref<!tpu.dma_semaphore, #tpu.memory_space<semaphore_mem>>) src(%dma_wait3A_64 : memref<100000x128xf32, #tpu.memory_space<hbm>>) dst(%arg8 : memref<80x128xf32, #tpu.memory_space<vmem>>)
        %add3A_65 = arith.constant 2 : i32
        %add3A_66 = arith.addi %add3A_32, %add3A_65 : i32
        %mul3A_67 = arith.constant 80 : i32
        %mul3A_68 = arith.muli %add3A_66, %mul3A_67 : i32
        %add3A_69 = arith.addi %mul3A_2, %mul3A_68 : i32
        "tpu.region"() ({
          %run_scoped3A = tpu.sem_alloc : memref<!tpu.dma_semaphore, #tpu.memory_space<semaphore_mem>>
          %dma_start3A_79 = arith.constant 0 : i32
          %dma_start3A_80 = tpu.memref_slice %arg4[%add3A_69, %dma_start3A_79] : memref<51200x128xf32, #tpu.memory_space<hbm>> -> memref<80x128xf32, #tpu.memory_space<hbm>>
          %dma_start3A_81 = arith.constant 0 : i32
          %dma_start3A_82 = tpu.memref_slice %arg4[%add3A_69, %dma_start3A_81] : memref<51200x128xf32, #tpu.memory_space<hbm>> -> memref<80x128xf32, #tpu.memory_space<hbm>>
          tpu.enqueue_dma source(%arg8 : memref<80x128xf32, #tpu.memory_space<vmem>>) target(%dma_start3A_82 : memref<80x128xf32, #tpu.memory_space<hbm>>) target_semaphore(%run_scoped3A : memref<!tpu.dma_semaphore, #tpu.memory_space<semaphore_mem>>)
          %dma_wait3A_83 = arith.constant 0 : i32
          %dma_wait3A_84 = tpu.memref_slice %arg4[%add3A_69, %dma_wait3A_83] : memref<51200x128xf32, #tpu.memory_space<hbm>> -> memref<80x128xf32, #tpu.memory_space<hbm>>
          %dma_wait3A_85 = arith.constant 0 : i32
          %dma_wait3A_86 = tpu.memref_slice %arg4[%add3A_69, %dma_wait3A_85] : memref<51200x128xf32, #tpu.memory_space<hbm>> -> memref<80x128xf32, #tpu.memory_space<hbm>>
          tpu.wait_dma2 semaphore(%run_scoped3A : memref<!tpu.dma_semaphore, #tpu.memory_space<semaphore_mem>>) src(%arg8 : memref<80x128xf32, #tpu.memory_space<vmem>>) dst(%dma_wait3A_86 : memref<80x128xf32, #tpu.memory_space<hbm>>)
          tpu.yield
        }) : () -> ()
        %add3A_70 = arith.constant 2 : i32
        %add3A_71 = arith.addi %add3A_32, %add3A_70 : i32
        %add3A_72 = arith.constant 4 : i32
        %add3A_73 = arith.addi %add3A_71, %add3A_72 : i32
        %lt3A_74 = arith.constant 20 : i32
        %lt3A_75 = arith.cmpi slt, %add3A_73, %lt3A_74 : i32
        %convert_element_type3A_76 = arith.extui %lt3A_75 : i1 to i32
        %cond3A_77 = arith.constant 0 : i32
        %cond3A_78 = arith.cmpi ne, %convert_element_type3A_76, %cond3A_77 : i32
        scf.if %cond3A_78 {
          %add3A_79 = arith.constant 2 : i32
          %add3A_80 = arith.addi %add3A_32, %add3A_79 : i32
          %add3A_81 = arith.constant 4 : i32
          %add3A_82 = arith.addi %add3A_80, %add3A_81 : i32
          %mul3A_83 = arith.constant 80 : i32
          %mul3A_84 = arith.muli %add3A_82, %mul3A_83 : i32
          %dma_start3A_85 = tpu.memref_slice %arg5[%mul3A_84] : memref<1600xi32, #tpu.memory_space<vmem>> -> memref<80xi32, #tpu.memory_space<vmem>>
          %dma_start3A_86 = arith.constant 0 : i32
          %dma_start3A_87 = arith.constant 0 : i32
          %dma_start3A_88 = tpu.memref_slice %arg2[%dma_start3A_86, %dma_start3A_87] : memref<100000x128xf32, #tpu.memory_space<hbm>> -> memref<100000x128xf32, #tpu.memory_space<hbm>>
          tpu.enqueue_indirect_dma source(%dma_start3A_88 : memref<100000x128xf32, #tpu.memory_space<hbm>>) target(%arg8 : memref<80x128xf32, #tpu.memory_space<vmem>>) offsets(%dma_start3A_85 : memref<80xi32, #tpu.memory_space<vmem>>) semaphore(%arg12 : memref<!tpu.dma_semaphore, #tpu.memory_space<semaphore_mem>>)
        } else {
        }
      } else {
      }
      %add3A_51 = arith.constant 3 : i32
      %add3A_52 = arith.addi %add3A_32, %add3A_51 : i32
      %lt3A_53 = arith.constant 20 : i32
      %lt3A_54 = arith.cmpi slt, %add3A_52, %lt3A_53 : i32
      %convert_element_type3A_55 = arith.extui %lt3A_54 : i1 to i32
      %cond3A_56 = arith.constant 0 : i32
      %cond3A_57 = arith.cmpi ne, %convert_element_type3A_55, %cond3A_56 : i32
      scf.if %cond3A_57 {
        %add3A_58 = arith.constant 3 : i32
        %add3A_59 = arith.addi %add3A_32, %add3A_58 : i32
        %mul3A_60 = arith.constant 80 : i32
        %mul3A_61 = arith.muli %add3A_59, %mul3A_60 : i32
        %dma_wait3A = tpu.memref_slice %arg5[%mul3A_61] : memref<1600xi32, #tpu.memory_space<vmem>> -> memref<80xi32, #tpu.memory_space<vmem>>
        %dma_wait3A_62 = arith.constant 0 : i32
        %dma_wait3A_63 = arith.constant 0 : i32
        %dma_wait3A_64 = tpu.memref_slice %arg2[%dma_wait3A_62, %dma_wait3A_63] : memref<100000x128xf32, #tpu.memory_space<hbm>> -> memref<100000x128xf32, #tpu.memory_space<hbm>>
        tpu.wait_indirect_dma semaphore(%arg13 : memref<!tpu.dma_semaphore, #tpu.memory_space<semaphore_mem>>) src(%dma_wait3A_64 : memref<100000x128xf32, #tpu.memory_space<hbm>>) dst(%arg9 : memref<80x128xf32, #tpu.memory_space<vmem>>)
        %add3A_65 = arith.constant 3 : i32
        %add3A_66 = arith.addi %add3A_32, %add3A_65 : i32
        %mul3A_67 = arith.constant 80 : i32
        %mul3A_68 = arith.muli %add3A_66, %mul3A_67 : i32
        %add3A_69 = arith.addi %mul3A_2, %mul3A_68 : i32
        "tpu.region"() ({
          %run_scoped3A = tpu.sem_alloc : memref<!tpu.dma_semaphore, #tpu.memory_space<semaphore_mem>>
          %dma_start3A_79 = arith.constant 0 : i32
          %dma_start3A_80 = tpu.memref_slice %arg4[%add3A_69, %dma_start3A_79] : memref<51200x128xf32, #tpu.memory_space<hbm>> -> memref<80x128xf32, #tpu.memory_space<hbm>>
          %dma_start3A_81 = arith.constant 0 : i32
          %dma_start3A_82 = tpu.memref_slice %arg4[%add3A_69, %dma_start3A_81] : memref<51200x128xf32, #tpu.memory_space<hbm>> -> memref<80x128xf32, #tpu.memory_space<hbm>>
          tpu.enqueue_dma source(%arg9 : memref<80x128xf32, #tpu.memory_space<vmem>>) target(%dma_start3A_82 : memref<80x128xf32, #tpu.memory_space<hbm>>) target_semaphore(%run_scoped3A : memref<!tpu.dma_semaphore, #tpu.memory_space<semaphore_mem>>)
          %dma_wait3A_83 = arith.constant 0 : i32
          %dma_wait3A_84 = tpu.memref_slice %arg4[%add3A_69, %dma_wait3A_83] : memref<51200x128xf32, #tpu.memory_space<hbm>> -> memref<80x128xf32, #tpu.memory_space<hbm>>
          %dma_wait3A_85 = arith.constant 0 : i32
          %dma_wait3A_86 = tpu.memref_slice %arg4[%add3A_69, %dma_wait3A_85] : memref<51200x128xf32, #tpu.memory_space<hbm>> -> memref<80x128xf32, #tpu.memory_space<hbm>>
          tpu.wait_dma2 semaphore(%run_scoped3A : memref<!tpu.dma_semaphore, #tpu.memory_space<semaphore_mem>>) src(%arg9 : memref<80x128xf32, #tpu.memory_space<vmem>>) dst(%dma_wait3A_86 : memref<80x128xf32, #tpu.memory_space<hbm>>)
          tpu.yield
        }) : () -> ()
        %add3A_70 = arith.constant 3 : i32
        %add3A_71 = arith.addi %add3A_32, %add3A_70 : i32
        %add3A_72 = arith.constant 4 : i32
        %add3A_73 = arith.addi %add3A_71, %add3A_72 : i32
        %lt3A_74 = arith.constant 20 : i32
        %lt3A_75 = arith.cmpi slt, %add3A_73, %lt3A_74 : i32
        %convert_element_type3A_76 = arith.extui %lt3A_75 : i1 to i32
        %cond3A_77 = arith.constant 0 : i32
        %cond3A_78 = arith.cmpi ne, %convert_element_type3A_76, %cond3A_77 : i32
        scf.if %cond3A_78 {
          %add3A_79 = arith.constant 3 : i32
          %add3A_80 = arith.addi %add3A_32, %add3A_79 : i32
          %add3A_81 = arith.constant 4 : i32
          %add3A_82 = arith.addi %add3A_80, %add3A_81 : i32
          %mul3A_83 = arith.constant 80 : i32
          %mul3A_84 = arith.muli %add3A_82, %mul3A_83 : i32
          %dma_start3A_85 = tpu.memref_slice %arg5[%mul3A_84] : memref<1600xi32, #tpu.memory_space<vmem>> -> memref<80xi32, #tpu.memory_space<vmem>>
          %dma_start3A_86 = arith.constant 0 : i32
          %dma_start3A_87 = arith.constant 0 : i32
          %dma_start3A_88 = tpu.memref_slice %arg2[%dma_start3A_86, %dma_start3A_87] : memref<100000x128xf32, #tpu.memory_space<hbm>> -> memref<100000x128xf32, #tpu.memory_space<hbm>>
          tpu.enqueue_indirect_dma source(%dma_start3A_88 : memref<100000x128xf32, #tpu.memory_space<hbm>>) target(%arg9 : memref<80x128xf32, #tpu.memory_space<vmem>>) offsets(%dma_start3A_85 : memref<80xi32, #tpu.memory_space<vmem>>) semaphore(%arg13 : memref<!tpu.dma_semaphore, #tpu.memory_space<semaphore_mem>>)
        } else {
        }
      } else {
      }
    }
    %scan3A_27 = arith.constant 5 : i32
    return
  }
}

#map = affine_map<(d0, d1) -> (0, 0)>
#map1 = affine_map<(d0, d1) -> (0)>
module attributes {stable_mosaic.version = 14 : i64} {
  func.func @gather_kernel(%arg0: i32, %arg1: i32, %arg2: memref<100000x128xf32, #tpu.memory_space<hbm>>, %arg3: memref<204800xi32, #tpu.memory_space<hbm>>, %arg4: memref<51200x128xf32, #tpu.memory_space<hbm>>, %arg5: memref<1600xi32, #tpu.memory_space<vmem>>, %arg6: memref<80x128xf32, #tpu.memory_space<vmem>>, %arg7: memref<80x128xf32, #tpu.memory_space<vmem>>, %arg8: memref<80x128xf32, #tpu.memory_space<vmem>>, %arg9: memref<80x128xf32, #tpu.memory_space<vmem>>, %arg10: memref<!tpu.dma_semaphore, #tpu.memory_space<semaphore_mem>>, %arg11: memref<!tpu.dma_semaphore, #tpu.memory_space<semaphore_mem>>, %arg12: memref<!tpu.dma_semaphore, #tpu.memory_space<semaphore_mem>>, %arg13: memref<!tpu.dma_semaphore, #tpu.memory_space<semaphore_mem>>) attributes {dimension_semantics = [#tpu.dimension_semantics<core_parallel>, #tpu.dimension_semantics<subcore_parallel>], iteration_bounds = array<i64: 2, 16>, scalar_prefetch = 0 : i64, scratch_operands = 9 : i64, tpu.core_type = #tpu.core_type<sc_vector_subcore>, window_params = [{transform_indices = #map}, {transform_indices = #map1}, {transform_indices = #map}]} {
    %mul3A = arith.constant 2 : i32
    %mul3A_0 = arith.muli %arg1, %mul3A : i32
    %add3A = arith.addi %mul3A_0, %arg0 : i32
    %mul3A_1 = arith.constant 1600 : i32
    %mul3A_2 = arith.muli %add3A, %mul3A_1 : i32
    %add3A_3 = arith.constant 51200 : i32
    %add3A_4 = arith.addi %add3A_3, %mul3A_2 : i32
    "tpu.region"() ({
      %run_scoped3A = tpu.sem_alloc : memref<!tpu.dma_semaphore, #tpu.memory_space<semaphore_mem>>
      %dma_start3A_28 = tpu.memref_slice %arg3[%add3A_4] : memref<204800xi32, #tpu.memory_space<hbm>> -> memref<1600xi32, #tpu.memory_space<hbm>>
      %dma_start3A_29 = tpu.memref_slice %arg3[%add3A_4] : memref<204800xi32, #tpu.memory_space<hbm>> -> memref<1600xi32, #tpu.memory_space<hbm>>
      tpu.enqueue_dma source(%dma_start3A_29 : memref<1600xi32, #tpu.memory_space<hbm>>) target(%arg5 : memref<1600xi32, #tpu.memory_space<vmem>>) target_semaphore(%run_scoped3A : memref<!tpu.dma_semaphore, #tpu.memory_space<semaphore_mem>>)
      %dma_wait3A = tpu.memref_slice %arg3[%add3A_4] : memref<204800xi32, #tpu.memory_space<hbm>> -> memref<1600xi32, #tpu.memory_space<hbm>>
      %dma_wait3A_30 = tpu.memref_slice %arg3[%add3A_4] : memref<204800xi32, #tpu.memory_space<hbm>> -> memref<1600xi32, #tpu.memory_space<hbm>>
      tpu.wait_dma2 semaphore(%run_scoped3A : memref<!tpu.dma_semaphore, #tpu.memory_space<semaphore_mem>>) src(%dma_wait3A_30 : memref<1600xi32, #tpu.memory_space<hbm>>) dst(%arg5 : memref<1600xi32, #tpu.memory_space<vmem>>)
      tpu.yield
    }) : () -> ()
    %dma_start3A = arith.constant 0 : i32
    %dma_start3A_5 = tpu.memref_slice %arg5[%dma_start3A] : memref<1600xi32, #tpu.memory_space<vmem>> -> memref<80xi32, #tpu.memory_space<vmem>>
    %dma_start3A_6 = arith.constant 0 : i32
    %dma_start3A_7 = arith.constant 0 : i32
    %dma_start3A_8 = tpu.memref_slice %arg2[%dma_start3A_6, %dma_start3A_7] : memref<100000x128xf32, #tpu.memory_space<hbm>> -> memref<100000x128xf32, #tpu.memory_space<hbm>>
    tpu.enqueue_indirect_dma source(%dma_start3A_8 : memref<100000x128xf32, #tpu.memory_space<hbm>>) target(%arg6 : memref<80x128xf32, #tpu.memory_space<vmem>>) offsets(%dma_start3A_5 : memref<80xi32, #tpu.memory_space<vmem>>) semaphore(%arg10 : memref<!tpu.dma_semaphore, #tpu.memory_space<semaphore_mem>>)
    %dma_start3A_9 = arith.constant 80 : i32
    %dma_start3A_10 = tpu.memref_slice %arg5[%dma_start3A_9] : memref<1600xi32, #tpu.memory_space<vmem>> -> memref<80xi32, #tpu.memory_space<vmem>>
    %dma_start3A_11 = arith.constant 0 : i32
    %dma_start3A_12 = arith.constant 0 : i32
    %dma_start3A_13 = tpu.memref_slice %arg2[%dma_start3A_11, %dma_start3A_12] : memref<100000x128xf32, #tpu.memory_space<hbm>> -> memref<100000x128xf32, #tpu.memory_space<hbm>>
    tpu.enqueue_indirect_dma source(%dma_start3A_13 : memref<100000x128xf32, #tpu.memory_space<hbm>>) target(%arg7 : memref<80x128xf32, #tpu.memory_space<vmem>>) offsets(%dma_start3A_10 : memref<80xi32, #tpu.memory_space<vmem>>) semaphore(%arg11 : memref<!tpu.dma_semaphore, #tpu.memory_space<semaphore_mem>>)
    %dma_start3A_14 = arith.constant 160 : i32
    %dma_start3A_15 = tpu.memref_slice %arg5[%dma_start3A_14] : memref<1600xi32, #tpu.memory_space<vmem>> -> memref<80xi32, #tpu.memory_space<vmem>>
    %dma_start3A_16 = arith.constant 0 : i32
    %dma_start3A_17 = arith.constant 0 : i32
    %dma_start3A_18 = tpu.memref_slice %arg2[%dma_start3A_16, %dma_start3A_17] : memref<100000x128xf32, #tpu.memory_space<hbm>> -> memref<100000x128xf32, #tpu.memory_space<hbm>>
    tpu.enqueue_indirect_dma source(%dma_start3A_18 : memref<100000x128xf32, #tpu.memory_space<hbm>>) target(%arg8 : memref<80x128xf32, #tpu.memory_space<vmem>>) offsets(%dma_start3A_15 : memref<80xi32, #tpu.memory_space<vmem>>) semaphore(%arg12 : memref<!tpu.dma_semaphore, #tpu.memory_space<semaphore_mem>>)
    %dma_start3A_19 = arith.constant 240 : i32
    %dma_start3A_20 = tpu.memref_slice %arg5[%dma_start3A_19] : memref<1600xi32, #tpu.memory_space<vmem>> -> memref<80xi32, #tpu.memory_space<vmem>>
    %dma_start3A_21 = arith.constant 0 : i32
    %dma_start3A_22 = arith.constant 0 : i32
    %dma_start3A_23 = tpu.memref_slice %arg2[%dma_start3A_21, %dma_start3A_22] : memref<100000x128xf32, #tpu.memory_space<hbm>> -> memref<100000x128xf32, #tpu.memory_space<hbm>>
    tpu.enqueue_indirect_dma source(%dma_start3A_23 : memref<100000x128xf32, #tpu.memory_space<hbm>>) target(%arg9 : memref<80x128xf32, #tpu.memory_space<vmem>>) offsets(%dma_start3A_20 : memref<80xi32, #tpu.memory_space<vmem>>) semaphore(%arg13 : memref<!tpu.dma_semaphore, #tpu.memory_space<semaphore_mem>>)
    %scan3A = arith.constant 0 : i32
    %scan3A_24 = arith.constant 5 : i32
    %scan3A_25 = arith.addi %scan3A, %scan3A_24 : i32
    %scan3A_26 = arith.constant 1 : i32
    scf.for %scan3A_28 = %scan3A to %scan3A_25 step %scan3A_26  : i32 {
      %mul3A_29 = arith.constant 4 : i32
      %mul3A_30 = arith.muli %scan3A_28, %mul3A_29 : i32
      %add3A_31 = arith.constant 0 : i32
      %add3A_32 = arith.addi %add3A_31, %mul3A_30 : i32
      %add3A_33 = arith.constant 0 : i32
      %add3A_34 = arith.addi %add3A_32, %add3A_33 : i32
      %lt3A = arith.constant 20 : i32
      %lt3A_35 = arith.cmpi slt, %add3A_34, %lt3A : i32
      %convert_element_type3A = arith.extui %lt3A_35 : i1 to i32
      %cond3A = arith.constant 0 : i32
      %cond3A_36 = arith.cmpi ne, %convert_element_type3A, %cond3A : i32
      scf.if %cond3A_36 {
        %add3A_58 = arith.constant 0 : i32
        %add3A_59 = arith.addi %add3A_32, %add3A_58 : i32
        %mul3A_60 = arith.constant 80 : i32
        %mul3A_61 = arith.muli %add3A_59, %mul3A_60 : i32
        %dma_wait3A = tpu.memref_slice %arg5[%mul3A_61] : memref<1600xi32, #tpu.memory_space<vmem>> -> memref<80xi32, #tpu.memory_space<vmem>>
        %dma_wait3A_62 = arith.constant 0 : i32
        %dma_wait3A_63 = arith.constant 0 : i32
        %dma_wait3A_64 = tpu.memref_slice %arg2[%dma_wait3A_62, %dma_wait3A_63] : memref<100000x128xf32, #tpu.memory_space<hbm>> -> memref<100000x128xf32, #tpu.memory_space<hbm>>
        tpu.wait_indirect_dma semaphore(%arg10 : memref<!tpu.dma_semaphore, #tpu.memory_space<semaphore_mem>>) src(%dma_wait3A_64 : memref<100000x128xf32, #tpu.memory_space<hbm>>) dst(%arg6 : memref<80x128xf32, #tpu.memory_space<vmem>>)
        %add3A_65 = arith.constant 0 : i32
        %add3A_66 = arith.addi %add3A_32, %add3A_65 : i32
        %mul3A_67 = arith.constant 80 : i32
        %mul3A_68 = arith.muli %add3A_66, %mul3A_67 : i32
        %add3A_69 = arith.addi %mul3A_2, %mul3A_68 : i32
        "tpu.region"() ({
          %run_scoped3A = tpu.sem_alloc : memref<!tpu.dma_semaphore, #tpu.memory_space<semaphore_mem>>
          %dma_start3A_79 = arith.constant 0 : i32
          %dma_start3A_80 = tpu.memref_slice %arg4[%add3A_69, %dma_start3A_79] : memref<51200x128xf32, #tpu.memory_space<hbm>> -> memref<80x128xf32, #tpu.memory_space<hbm>>
          %dma_start3A_81 = arith.constant 0 : i32
          %dma_start3A_82 = tpu.memref_slice %arg4[%add3A_69, %dma_start3A_81] : memref<51200x128xf32, #tpu.memory_space<hbm>> -> memref<80x128xf32, #tpu.memory_space<hbm>>
          tpu.enqueue_dma source(%arg6 : memref<80x128xf32, #tpu.memory_space<vmem>>) target(%dma_start3A_82 : memref<80x128xf32, #tpu.memory_space<hbm>>) target_semaphore(%run_scoped3A : memref<!tpu.dma_semaphore, #tpu.memory_space<semaphore_mem>>)
          %dma_wait3A_83 = arith.constant 0 : i32
          %dma_wait3A_84 = tpu.memref_slice %arg4[%add3A_69, %dma_wait3A_83] : memref<51200x128xf32, #tpu.memory_space<hbm>> -> memref<80x128xf32, #tpu.memory_space<hbm>>
          %dma_wait3A_85 = arith.constant 0 : i32
          %dma_wait3A_86 = tpu.memref_slice %arg4[%add3A_69, %dma_wait3A_85] : memref<51200x128xf32, #tpu.memory_space<hbm>> -> memref<80x128xf32, #tpu.memory_space<hbm>>
          tpu.wait_dma2 semaphore(%run_scoped3A : memref<!tpu.dma_semaphore, #tpu.memory_space<semaphore_mem>>) src(%arg6 : memref<80x128xf32, #tpu.memory_space<vmem>>) dst(%dma_wait3A_86 : memref<80x128xf32, #tpu.memory_space<hbm>>)
          tpu.yield
        }) : () -> ()
        %add3A_70 = arith.constant 0 : i32
        %add3A_71 = arith.addi %add3A_32, %add3A_70 : i32
        %add3A_72 = arith.constant 4 : i32
        %add3A_73 = arith.addi %add3A_71, %add3A_72 : i32
        %lt3A_74 = arith.constant 20 : i32
        %lt3A_75 = arith.cmpi slt, %add3A_73, %lt3A_74 : i32
        %convert_element_type3A_76 = arith.extui %lt3A_75 : i1 to i32
        %cond3A_77 = arith.constant 0 : i32
        %cond3A_78 = arith.cmpi ne, %convert_element_type3A_76, %cond3A_77 : i32
        scf.if %cond3A_78 {
          %add3A_79 = arith.constant 0 : i32
          %add3A_80 = arith.addi %add3A_32, %add3A_79 : i32
          %add3A_81 = arith.constant 4 : i32
          %add3A_82 = arith.addi %add3A_80, %add3A_81 : i32
          %mul3A_83 = arith.constant 80 : i32
          %mul3A_84 = arith.muli %add3A_82, %mul3A_83 : i32
          %dma_start3A_85 = tpu.memref_slice %arg5[%mul3A_84] : memref<1600xi32, #tpu.memory_space<vmem>> -> memref<80xi32, #tpu.memory_space<vmem>>
          %dma_start3A_86 = arith.constant 0 : i32
          %dma_start3A_87 = arith.constant 0 : i32
          %dma_start3A_88 = tpu.memref_slice %arg2[%dma_start3A_86, %dma_start3A_87] : memref<100000x128xf32, #tpu.memory_space<hbm>> -> memref<100000x128xf32, #tpu.memory_space<hbm>>
          tpu.enqueue_indirect_dma source(%dma_start3A_88 : memref<100000x128xf32, #tpu.memory_space<hbm>>) target(%arg6 : memref<80x128xf32, #tpu.memory_space<vmem>>) offsets(%dma_start3A_85 : memref<80xi32, #tpu.memory_space<vmem>>) semaphore(%arg10 : memref<!tpu.dma_semaphore, #tpu.memory_space<semaphore_mem>>)
        } else {
        }
      } else {
      }
      %add3A_37 = arith.constant 1 : i32
      %add3A_38 = arith.addi %add3A_32, %add3A_37 : i32
      %lt3A_39 = arith.constant 20 : i32
      %lt3A_40 = arith.cmpi slt, %add3A_38, %lt3A_39 : i32
      %convert_element_type3A_41 = arith.extui %lt3A_40 : i1 to i32
      %cond3A_42 = arith.constant 0 : i32
      %cond3A_43 = arith.cmpi ne, %convert_element_type3A_41, %cond3A_42 : i32
      scf.if %cond3A_43 {
        %add3A_58 = arith.constant 1 : i32
        %add3A_59 = arith.addi %add3A_32, %add3A_58 : i32
        %mul3A_60 = arith.constant 80 : i32
        %mul3A_61 = arith.muli %add3A_59, %mul3A_60 : i32
        %dma_wait3A = tpu.memref_slice %arg5[%mul3A_61] : memref<1600xi32, #tpu.memory_space<vmem>> -> memref<80xi32, #tpu.memory_space<vmem>>
        %dma_wait3A_62 = arith.constant 0 : i32
        %dma_wait3A_63 = arith.constant 0 : i32
        %dma_wait3A_64 = tpu.memref_slice %arg2[%dma_wait3A_62, %dma_wait3A_63] : memref<100000x128xf32, #tpu.memory_space<hbm>> -> memref<100000x128xf32, #tpu.memory_space<hbm>>
        tpu.wait_indirect_dma semaphore(%arg11 : memref<!tpu.dma_semaphore, #tpu.memory_space<semaphore_mem>>) src(%dma_wait3A_64 : memref<100000x128xf32, #tpu.memory_space<hbm>>) dst(%arg7 : memref<80x128xf32, #tpu.memory_space<vmem>>)
        %add3A_65 = arith.constant 1 : i32
        %add3A_66 = arith.addi %add3A_32, %add3A_65 : i32
        %mul3A_67 = arith.constant 80 : i32
        %mul3A_68 = arith.muli %add3A_66, %mul3A_67 : i32
        %add3A_69 = arith.addi %mul3A_2, %mul3A_68 : i32
        "tpu.region"() ({
          %run_scoped3A = tpu.sem_alloc : memref<!tpu.dma_semaphore, #tpu.memory_space<semaphore_mem>>
          %dma_start3A_79 = arith.constant 0 : i32
          %dma_start3A_80 = tpu.memref_slice %arg4[%add3A_69, %dma_start3A_79] : memref<51200x128xf32, #tpu.memory_space<hbm>> -> memref<80x128xf32, #tpu.memory_space<hbm>>
          %dma_start3A_81 = arith.constant 0 : i32
          %dma_start3A_82 = tpu.memref_slice %arg4[%add3A_69, %dma_start3A_81] : memref<51200x128xf32, #tpu.memory_space<hbm>> -> memref<80x128xf32, #tpu.memory_space<hbm>>
          tpu.enqueue_dma source(%arg7 : memref<80x128xf32, #tpu.memory_space<vmem>>) target(%dma_start3A_82 : memref<80x128xf32, #tpu.memory_space<hbm>>) target_semaphore(%run_scoped3A : memref<!tpu.dma_semaphore, #tpu.memory_space<semaphore_mem>>)
          %dma_wait3A_83 = arith.constant 0 : i32
          %dma_wait3A_84 = tpu.memref_slice %arg4[%add3A_69, %dma_wait3A_83] : memref<51200x128xf32, #tpu.memory_space<hbm>> -> memref<80x128xf32, #tpu.memory_space<hbm>>
          %dma_wait3A_85 = arith.constant 0 : i32
          %dma_wait3A_86 = tpu.memref_slice %arg4[%add3A_69, %dma_wait3A_85] : memref<51200x128xf32, #tpu.memory_space<hbm>> -> memref<80x128xf32, #tpu.memory_space<hbm>>
          tpu.wait_dma2 semaphore(%run_scoped3A : memref<!tpu.dma_semaphore, #tpu.memory_space<semaphore_mem>>) src(%arg7 : memref<80x128xf32, #tpu.memory_space<vmem>>) dst(%dma_wait3A_86 : memref<80x128xf32, #tpu.memory_space<hbm>>)
          tpu.yield
        }) : () -> ()
        %add3A_70 = arith.constant 1 : i32
        %add3A_71 = arith.addi %add3A_32, %add3A_70 : i32
        %add3A_72 = arith.constant 4 : i32
        %add3A_73 = arith.addi %add3A_71, %add3A_72 : i32
        %lt3A_74 = arith.constant 20 : i32
        %lt3A_75 = arith.cmpi slt, %add3A_73, %lt3A_74 : i32
        %convert_element_type3A_76 = arith.extui %lt3A_75 : i1 to i32
        %cond3A_77 = arith.constant 0 : i32
        %cond3A_78 = arith.cmpi ne, %convert_element_type3A_76, %cond3A_77 : i32
        scf.if %cond3A_78 {
          %add3A_79 = arith.constant 1 : i32
          %add3A_80 = arith.addi %add3A_32, %add3A_79 : i32
          %add3A_81 = arith.constant 4 : i32
          %add3A_82 = arith.addi %add3A_80, %add3A_81 : i32
          %mul3A_83 = arith.constant 80 : i32
          %mul3A_84 = arith.muli %add3A_82, %mul3A_83 : i32
          %dma_start3A_85 = tpu.memref_slice %arg5[%mul3A_84] : memref<1600xi32, #tpu.memory_space<vmem>> -> memref<80xi32, #tpu.memory_space<vmem>>
          %dma_start3A_86 = arith.constant 0 : i32
          %dma_start3A_87 = arith.constant 0 : i32
          %dma_start3A_88 = tpu.memref_slice %arg2[%dma_start3A_86, %dma_start3A_87] : memref<100000x128xf32, #tpu.memory_space<hbm>> -> memref<100000x128xf32, #tpu.memory_space<hbm>>
          tpu.enqueue_indirect_dma source(%dma_start3A_88 : memref<100000x128xf32, #tpu.memory_space<hbm>>) target(%arg7 : memref<80x128xf32, #tpu.memory_space<vmem>>) offsets(%dma_start3A_85 : memref<80xi32, #tpu.memory_space<vmem>>) semaphore(%arg11 : memref<!tpu.dma_semaphore, #tpu.memory_space<semaphore_mem>>)
        } else {
        }
      } else {
      }
      %add3A_44 = arith.constant 2 : i32
      %add3A_45 = arith.addi %add3A_32, %add3A_44 : i32
      %lt3A_46 = arith.constant 20 : i32
      %lt3A_47 = arith.cmpi slt, %add3A_45, %lt3A_46 : i32
      %convert_element_type3A_48 = arith.extui %lt3A_47 : i1 to i32
      %cond3A_49 = arith.constant 0 : i32
      %cond3A_50 = arith.cmpi ne, %convert_element_type3A_48, %cond3A_49 : i32
      scf.if %cond3A_50 {
        %add3A_58 = arith.constant 2 : i32
        %add3A_59 = arith.addi %add3A_32, %add3A_58 : i32
        %mul3A_60 = arith.constant 80 : i32
        %mul3A_61 = arith.muli %add3A_59, %mul3A_60 : i32
        %dma_wait3A = tpu.memref_slice %arg5[%mul3A_61] : memref<1600xi32, #tpu.memory_space<vmem>> -> memref<80xi32, #tpu.memory_space<vmem>>
        %dma_wait3A_62 = arith.constant 0 : i32
        %dma_wait3A_63 = arith.constant 0 : i32
        %dma_wait3A_64 = tpu.memref_slice %arg2[%dma_wait3A_62, %dma_wait3A_63] : memref<100000x128xf32, #tpu.memory_space<hbm>> -> memref<100000x128xf32, #tpu.memory_space<hbm>>
        tpu.wait_indirect_dma semaphore(%arg12 : memref<!tpu.dma_semaphore, #tpu.memory_space<semaphore_mem>>) src(%dma_wait3A_64 : memref<100000x128xf32, #tpu.memory_space<hbm>>) dst(%arg8 : memref<80x128xf32, #tpu.memory_space<vmem>>)
        %add3A_65 = arith.constant 2 : i32
        %add3A_66 = arith.addi %add3A_32, %add3A_65 : i32
        %mul3A_67 = arith.constant 80 : i32
        %mul3A_68 = arith.muli %add3A_66, %mul3A_67 : i32
        %add3A_69 = arith.addi %mul3A_2, %mul3A_68 : i32
        "tpu.region"() ({
          %run_scoped3A = tpu.sem_alloc : memref<!tpu.dma_semaphore, #tpu.memory_space<semaphore_mem>>
          %dma_start3A_79 = arith.constant 0 : i32
          %dma_start3A_80 = tpu.memref_slice %arg4[%add3A_69, %dma_start3A_79] : memref<51200x128xf32, #tpu.memory_space<hbm>> -> memref<80x128xf32, #tpu.memory_space<hbm>>
          %dma_start3A_81 = arith.constant 0 : i32
          %dma_start3A_82 = tpu.memref_slice %arg4[%add3A_69, %dma_start3A_81] : memref<51200x128xf32, #tpu.memory_space<hbm>> -> memref<80x128xf32, #tpu.memory_space<hbm>>
          tpu.enqueue_dma source(%arg8 : memref<80x128xf32, #tpu.memory_space<vmem>>) target(%dma_start3A_82 : memref<80x128xf32, #tpu.memory_space<hbm>>) target_semaphore(%run_scoped3A : memref<!tpu.dma_semaphore, #tpu.memory_space<semaphore_mem>>)
          %dma_wait3A_83 = arith.constant 0 : i32
          %dma_wait3A_84 = tpu.memref_slice %arg4[%add3A_69, %dma_wait3A_83] : memref<51200x128xf32, #tpu.memory_space<hbm>> -> memref<80x128xf32, #tpu.memory_space<hbm>>
          %dma_wait3A_85 = arith.constant 0 : i32
          %dma_wait3A_86 = tpu.memref_slice %arg4[%add3A_69, %dma_wait3A_85] : memref<51200x128xf32, #tpu.memory_space<hbm>> -> memref<80x128xf32, #tpu.memory_space<hbm>>
          tpu.wait_dma2 semaphore(%run_scoped3A : memref<!tpu.dma_semaphore, #tpu.memory_space<semaphore_mem>>) src(%arg8 : memref<80x128xf32, #tpu.memory_space<vmem>>) dst(%dma_wait3A_86 : memref<80x128xf32, #tpu.memory_space<hbm>>)
          tpu.yield
        }) : () -> ()
        %add3A_70 = arith.constant 2 : i32
        %add3A_71 = arith.addi %add3A_32, %add3A_70 : i32
        %add3A_72 = arith.constant 4 : i32
        %add3A_73 = arith.addi %add3A_71, %add3A_72 : i32
        %lt3A_74 = arith.constant 20 : i32
        %lt3A_75 = arith.cmpi slt, %add3A_73, %lt3A_74 : i32
        %convert_element_type3A_76 = arith.extui %lt3A_75 : i1 to i32
        %cond3A_77 = arith.constant 0 : i32
        %cond3A_78 = arith.cmpi ne, %convert_element_type3A_76, %cond3A_77 : i32
        scf.if %cond3A_78 {
          %add3A_79 = arith.constant 2 : i32
          %add3A_80 = arith.addi %add3A_32, %add3A_79 : i32
          %add3A_81 = arith.constant 4 : i32
          %add3A_82 = arith.addi %add3A_80, %add3A_81 : i32
          %mul3A_83 = arith.constant 80 : i32
          %mul3A_84 = arith.muli %add3A_82, %mul3A_83 : i32
          %dma_start3A_85 = tpu.memref_slice %arg5[%mul3A_84] : memref<1600xi32, #tpu.memory_space<vmem>> -> memref<80xi32, #tpu.memory_space<vmem>>
          %dma_start3A_86 = arith.constant 0 : i32
          %dma_start3A_87 = arith.constant 0 : i32
          %dma_start3A_88 = tpu.memref_slice %arg2[%dma_start3A_86, %dma_start3A_87] : memref<100000x128xf32, #tpu.memory_space<hbm>> -> memref<100000x128xf32, #tpu.memory_space<hbm>>
          tpu.enqueue_indirect_dma source(%dma_start3A_88 : memref<100000x128xf32, #tpu.memory_space<hbm>>) target(%arg8 : memref<80x128xf32, #tpu.memory_space<vmem>>) offsets(%dma_start3A_85 : memref<80xi32, #tpu.memory_space<vmem>>) semaphore(%arg12 : memref<!tpu.dma_semaphore, #tpu.memory_space<semaphore_mem>>)
        } else {
        }
      } else {
      }
      %add3A_51 = arith.constant 3 : i32
      %add3A_52 = arith.addi %add3A_32, %add3A_51 : i32
      %lt3A_53 = arith.constant 20 : i32
      %lt3A_54 = arith.cmpi slt, %add3A_52, %lt3A_53 : i32
      %convert_element_type3A_55 = arith.extui %lt3A_54 : i1 to i32
      %cond3A_56 = arith.constant 0 : i32
      %cond3A_57 = arith.cmpi ne, %convert_element_type3A_55, %cond3A_56 : i32
      scf.if %cond3A_57 {
        %add3A_58 = arith.constant 3 : i32
        %add3A_59 = arith.addi %add3A_32, %add3A_58 : i32
        %mul3A_60 = arith.constant 80 : i32
        %mul3A_61 = arith.muli %add3A_59, %mul3A_60 : i32
        %dma_wait3A = tpu.memref_slice %arg5[%mul3A_61] : memref<1600xi32, #tpu.memory_space<vmem>> -> memref<80xi32, #tpu.memory_space<vmem>>
        %dma_wait3A_62 = arith.constant 0 : i32
        %dma_wait3A_63 = arith.constant 0 : i32
        %dma_wait3A_64 = tpu.memref_slice %arg2[%dma_wait3A_62, %dma_wait3A_63] : memref<100000x128xf32, #tpu.memory_space<hbm>> -> memref<100000x128xf32, #tpu.memory_space<hbm>>
        tpu.wait_indirect_dma semaphore(%arg13 : memref<!tpu.dma_semaphore, #tpu.memory_space<semaphore_mem>>) src(%dma_wait3A_64 : memref<100000x128xf32, #tpu.memory_space<hbm>>) dst(%arg9 : memref<80x128xf32, #tpu.memory_space<vmem>>)
        %add3A_65 = arith.constant 3 : i32
        %add3A_66 = arith.addi %add3A_32, %add3A_65 : i32
        %mul3A_67 = arith.constant 80 : i32
        %mul3A_68 = arith.muli %add3A_66, %mul3A_67 : i32
        %add3A_69 = arith.addi %mul3A_2, %mul3A_68 : i32
        "tpu.region"() ({
          %run_scoped3A = tpu.sem_alloc : memref<!tpu.dma_semaphore, #tpu.memory_space<semaphore_mem>>
          %dma_start3A_79 = arith.constant 0 : i32
          %dma_start3A_80 = tpu.memref_slice %arg4[%add3A_69, %dma_start3A_79] : memref<51200x128xf32, #tpu.memory_space<hbm>> -> memref<80x128xf32, #tpu.memory_space<hbm>>
          %dma_start3A_81 = arith.constant 0 : i32
          %dma_start3A_82 = tpu.memref_slice %arg4[%add3A_69, %dma_start3A_81] : memref<51200x128xf32, #tpu.memory_space<hbm>> -> memref<80x128xf32, #tpu.memory_space<hbm>>
          tpu.enqueue_dma source(%arg9 : memref<80x128xf32, #tpu.memory_space<vmem>>) target(%dma_start3A_82 : memref<80x128xf32, #tpu.memory_space<hbm>>) target_semaphore(%run_scoped3A : memref<!tpu.dma_semaphore, #tpu.memory_space<semaphore_mem>>)
          %dma_wait3A_83 = arith.constant 0 : i32
          %dma_wait3A_84 = tpu.memref_slice %arg4[%add3A_69, %dma_wait3A_83] : memref<51200x128xf32, #tpu.memory_space<hbm>> -> memref<80x128xf32, #tpu.memory_space<hbm>>
          %dma_wait3A_85 = arith.constant 0 : i32
          %dma_wait3A_86 = tpu.memref_slice %arg4[%add3A_69, %dma_wait3A_85] : memref<51200x128xf32, #tpu.memory_space<hbm>> -> memref<80x128xf32, #tpu.memory_space<hbm>>
          tpu.wait_dma2 semaphore(%run_scoped3A : memref<!tpu.dma_semaphore, #tpu.memory_space<semaphore_mem>>) src(%arg9 : memref<80x128xf32, #tpu.memory_space<vmem>>) dst(%dma_wait3A_86 : memref<80x128xf32, #tpu.memory_space<hbm>>)
          tpu.yield
        }) : () -> ()
        %add3A_70 = arith.constant 3 : i32
        %add3A_71 = arith.addi %add3A_32, %add3A_70 : i32
        %add3A_72 = arith.constant 4 : i32
        %add3A_73 = arith.addi %add3A_71, %add3A_72 : i32
        %lt3A_74 = arith.constant 20 : i32
        %lt3A_75 = arith.cmpi slt, %add3A_73, %lt3A_74 : i32
        %convert_element_type3A_76 = arith.extui %lt3A_75 : i1 to i32
        %cond3A_77 = arith.constant 0 : i32
        %cond3A_78 = arith.cmpi ne, %convert_element_type3A_76, %cond3A_77 : i32
        scf.if %cond3A_78 {
          %add3A_79 = arith.constant 3 : i32
          %add3A_80 = arith.addi %add3A_32, %add3A_79 : i32
          %add3A_81 = arith.constant 4 : i32
          %add3A_82 = arith.addi %add3A_80, %add3A_81 : i32
          %mul3A_83 = arith.constant 80 : i32
          %mul3A_84 = arith.muli %add3A_82, %mul3A_83 : i32
          %dma_start3A_85 = tpu.memref_slice %arg5[%mul3A_84] : memref<1600xi32, #tpu.memory_space<vmem>> -> memref<80xi32, #tpu.memory_space<vmem>>
          %dma_start3A_86 = arith.constant 0 : i32
          %dma_start3A_87 = arith.constant 0 : i32
          %dma_start3A_88 = tpu.memref_slice %arg2[%dma_start3A_86, %dma_start3A_87] : memref<100000x128xf32, #tpu.memory_space<hbm>> -> memref<100000x128xf32, #tpu.memory_space<hbm>>
          tpu.enqueue_indirect_dma source(%dma_start3A_88 : memref<100000x128xf32, #tpu.memory_space<hbm>>) target(%arg9 : memref<80x128xf32, #tpu.memory_space<vmem>>) offsets(%dma_start3A_85 : memref<80xi32, #tpu.memory_space<vmem>>) semaphore(%arg13 : memref<!tpu.dma_semaphore, #tpu.memory_space<semaphore_mem>>)
        } else {
        }
      } else {
      }
    }
    %scan3A_27 = arith.constant 5 : i32
    return
  }
}

module attributes {stable_mosaic.version = 14 : i64} {
  func.func @body(%arg0: i32, %arg1: memref<64x200x128xf32, #tpu.memory_space<vmem>>, %arg2: memref<64x200xi32, #tpu.memory_space<vmem>>, %arg3: memref<1x200x128xf32, #tpu.memory_space<vmem>>, %arg4: memref<2x128xf32, #tpu.memory_space<vmem>>, %arg5: memref<1x128xf32, #tpu.memory_space<vmem>>, %arg6: memref<1x128xf32, #tpu.memory_space<vmem>>, %arg7: memref<64x200x128xf32, #tpu.memory_space<vmem>>) attributes {dimension_semantics = [#tpu.dimension_semantics<arbitrary>], iteration_bounds = array<i64: 4>, scalar_prefetch = 0 : i64, scratch_operands = 0 : i64, tpu.core_type = #tpu.core_type<tc>, window_params = [{transform_indices = @transform_0, window_bounds = array<i64: 64, 200, 128>}, {transform_indices = @transform_1, window_bounds = array<i64: 64, 200>}, {pipeline_mode = #tpu.pipeline_mode<synchronous>, transform_indices = @transform_2, window_bounds = array<i64: 1, 200, 128>}, {pipeline_mode = #tpu.pipeline_mode<synchronous>, transform_indices = @transform_3, window_bounds = array<i64: 2, 128>}, {pipeline_mode = #tpu.pipeline_mode<synchronous>, transform_indices = @transform_4, window_bounds = array<i64: 1, 128>}, {pipeline_mode = #tpu.pipeline_mode<synchronous>, transform_indices = @transform_5, window_bounds = array<i64: 1, 128>}, {transform_indices = @transform_6, window_bounds = array<i64: 64, 200, 128>}]} {
    %get3A = arith.constant 0 : index
    %get3A_0 = arith.constant 0 : index
    %get3A_1 = arith.constant 0 : index
    %get3A_2 = vector.load %arg1[%get3A, %get3A_0, %get3A_1] : memref<64x200x128xf32, #tpu.memory_space<vmem>>, vector<64x200x128xf32>
    %get3A_3 = arith.constant 0 : index
    %get3A_4 = arith.constant 0 : index
    %get3A_5 = arith.constant 0 : index
    %get3A_6 = vector.load %arg3[%get3A_3, %get3A_4, %get3A_5] : memref<1x200x128xf32, #tpu.memory_space<vmem>>, vector<1x200x128xf32>
    %add3A = vector.broadcast %get3A_6 : vector<1x200x128xf32> to vector<64x200x128xf32>
    %add3A_7 = arith.addf %get3A_2, %add3A : vector<64x200x128xf32>
    %get3A_8 = arith.constant 0 : index
    %get3A_9 = arith.constant 0 : index
    %get3A_10 = vector.load %arg2[%get3A_8, %get3A_9] : memref<64x200xi32, #tpu.memory_space<vmem>>, vector<64x200xi32>
    %convert_element_type3A = arith.sitofp %get3A_10 : vector<64x200xi32> to vector<64x200xf32>
    %broadcast_in_dim3A = vector.shape_cast %convert_element_type3A : vector<64x200xf32> to vector<64x200x1xf32>
    %get3A_11 = arith.constant 0 : index
    %get3A_12 = arith.constant 0 : index
    %get3A_13 = vector.load %arg4[%get3A_11, %get3A_12] : memref<2x128xf32, #tpu.memory_space<vmem>>, vector<1x128xf32>
    %reshape3A = vector.shape_cast %get3A_13 : vector<1x128xf32> to vector<1x1x128xf32>
    %get3A_14 = arith.constant 1 : index
    %get3A_15 = arith.constant 0 : index
    %get3A_16 = vector.load %arg4[%get3A_14, %get3A_15] : memref<2x128xf32, #tpu.memory_space<vmem>>, vector<1x128xf32>
    %reshape3A_17 = vector.shape_cast %get3A_16 : vector<1x128xf32> to vector<1x1x128xf32>
    %add3A_18 = vector.broadcast %reshape3A : vector<1x1x128xf32> to vector<64x200x128xf32>
    %add3A_19 = arith.addf %add3A_7, %add3A_18 : vector<64x200x128xf32>
    %sub3A = arith.subf %reshape3A_17, %reshape3A : vector<1x1x128xf32>
    %mul3A = vector.broadcast %broadcast_in_dim3A : vector<64x200x1xf32> to vector<64x200x128xf32>
    %mul3A_20 = vector.broadcast %sub3A : vector<1x1x128xf32> to vector<64x200x128xf32>
    %mul3A_21 = arith.mulf %mul3A, %mul3A_20 : vector<64x200x128xf32>
    %add3A_22 = arith.addf %add3A_19, %mul3A_21 : vector<64x200x128xf32>
    %reshape3A_23 = vector.shape_cast %add3A_22 : vector<64x200x128xf32> to vector<12800x128xf32>
    %convert_element_type3A_24 = arith.truncf %reshape3A_23 : vector<12800x128xf32> to vector<12800x128xbf16>
    %broadcast_in_dim3A_25 = arith.constant 1.000000e+00 : bf16
    %broadcast_in_dim3A_26 = vector.broadcast %broadcast_in_dim3A_25 : bf16 to vector<128x128xbf16>
    %dot_general3A = arith.constant dense<0.000000e+00> : vector<12800x128xf32>
    %dot_general3A_27 = tpu.matmul %convert_element_type3A_24, %broadcast_in_dim3A_26, %dot_general3A {dimension_numbers = #tpu.dot_dimension_numbers<[1], [0], [0], [1], [0, 0, 1, 1], [], []>, transpose_lhs_hint = false} : vector<12800x128xbf16>, vector<128x128xbf16>, vector<12800x128xf32> -> vector<12800x128xf32>
    %mul3A_28 = arith.constant 7.812500e-03 : f32
    %mul3A_29 = vector.broadcast %mul3A_28 : f32 to vector<12800x128xf32>
    %mul3A_30 = arith.mulf %dot_general3A_27, %mul3A_29 : vector<12800x128xf32>
    %mul3A_31 = arith.mulf %convert_element_type3A_24, %convert_element_type3A_24 : vector<12800x128xbf16>
    %dot_general3A_32 = arith.constant dense<0.000000e+00> : vector<12800x128xf32>
    %dot_general3A_33 = tpu.matmul %mul3A_31, %broadcast_in_dim3A_26, %dot_general3A_32 {dimension_numbers = #tpu.dot_dimension_numbers<[1], [0], [0], [1], [0, 0, 1, 1], [], []>, transpose_lhs_hint = false} : vector<12800x128xbf16>, vector<128x128xbf16>, vector<12800x128xf32> -> vector<12800x128xf32>
    %mul3A_34 = arith.constant 7.812500e-03 : f32
    %mul3A_35 = vector.broadcast %mul3A_34 : f32 to vector<12800x128xf32>
    %mul3A_36 = arith.mulf %dot_general3A_33, %mul3A_35 : vector<12800x128xf32>
    %mul3A_37 = arith.mulf %mul3A_30, %mul3A_30 : vector<12800x128xf32>
    %sub3A_38 = arith.subf %mul3A_36, %mul3A_37 : vector<12800x128xf32>
    %sub3A_39 = arith.subf %reshape3A_23, %mul3A_30 : vector<12800x128xf32>
    %add3A_40 = arith.constant 9.99999996E-13 : f32
    %add3A_41 = vector.broadcast %add3A_40 : f32 to vector<12800x128xf32>
    %add3A_42 = arith.addf %sub3A_38, %add3A_41 : vector<12800x128xf32>
    %rsqrt3A = math.rsqrt %add3A_42 : vector<12800x128xf32>
    %mul3A_43 = arith.mulf %sub3A_39, %rsqrt3A : vector<12800x128xf32>
    %get3A_44 = arith.constant 0 : index
    %get3A_45 = arith.constant 0 : index
    %get3A_46 = vector.load %arg5[%get3A_44, %get3A_45] : memref<1x128xf32, #tpu.memory_space<vmem>>, vector<1x128xf32>
    %mul3A_47 = vector.broadcast %get3A_46 : vector<1x128xf32> to vector<12800x128xf32>
    %mul3A_48 = arith.mulf %mul3A_43, %mul3A_47 : vector<12800x128xf32>
    %get3A_49 = arith.constant 0 : index
    %get3A_50 = arith.constant 0 : index
    %get3A_51 = vector.load %arg6[%get3A_49, %get3A_50] : memref<1x128xf32, #tpu.memory_space<vmem>>, vector<1x128xf32>
    %add3A_52 = vector.broadcast %get3A_51 : vector<1x128xf32> to vector<12800x128xf32>
    %add3A_53 = arith.addf %mul3A_48, %add3A_52 : vector<12800x128xf32>
    %reshape3A_54 = vector.shape_cast %add3A_53 : vector<12800x128xf32> to vector<64x200x128xf32>
    %swap3A = arith.constant 0 : index
    %swap3A_55 = arith.constant 0 : index
    %swap3A_56 = arith.constant 0 : index
    %swap3A_57 = vector.load %arg7[%swap3A, %swap3A_55, %swap3A_56] : memref<64x200x128xf32, #tpu.memory_space<vmem>>, vector<64x200x128xf32>
    tpu.vector_store %arg7[%swap3A, %swap3A_55, %swap3A_56], %reshape3A_54 {strides = array<i32>} : memref<64x200x128xf32, #tpu.memory_space<vmem>>, vector<64x200x128xf32>,
    return
  }
  func.func @transform_0(%arg0: i32) -> (i32, i32, i32) {
    %c0_i32 = arith.constant 0 : i32
    %c0_i32_0 = arith.constant 0 : i32
    %c0_i32_1 = arith.constant 0 : i32
    return %arg0, %c0_i32, %c0_i32_0 : i32, i32, i32
  }
  func.func @transform_1(%arg0: i32) -> (i32, i32) {
    %add3A = arith.constant 0 : i32
    %add3A_0 = arith.addi %arg0, %add3A : i32
    %c0_i32 = arith.constant 0 : i32
    %c0_i32_1 = arith.constant 0 : i32
    return %add3A_0, %c0_i32 : i32, i32
  }
  func.func @transform_2(%arg0: i32) -> (i32, i32, i32) {
    %c0_i32 = arith.constant 0 : i32
    %c0_i32_0 = arith.constant 0 : i32
    %c0_i32_1 = arith.constant 0 : i32
    %c0_i32_2 = arith.constant 0 : i32
    return %c0_i32, %c0_i32_0, %c0_i32_1 : i32, i32, i32
  }
  func.func @transform_3(%arg0: i32) -> (i32, i32) {
    %c0_i32 = arith.constant 0 : i32
    %c0_i32_0 = arith.constant 0 : i32
    %c0_i32_1 = arith.constant 0 : i32
    return %c0_i32, %c0_i32_0 : i32, i32
  }
  func.func @transform_4(%arg0: i32) -> (i32, i32) {
    %c0_i32 = arith.constant 0 : i32
    %c0_i32_0 = arith.constant 0 : i32
    %c0_i32_1 = arith.constant 0 : i32
    return %c0_i32, %c0_i32_0 : i32, i32
  }
  func.func @transform_5(%arg0: i32) -> (i32, i32) {
    %c0_i32 = arith.constant 0 : i32
    %c0_i32_0 = arith.constant 0 : i32
    %c0_i32_1 = arith.constant 0 : i32
    return %c0_i32, %c0_i32_0 : i32, i32
  }
  func.func @transform_6(%arg0: i32) -> (i32, i32, i32) {
    %add3A = arith.constant 0 : i32
    %add3A_0 = arith.addi %arg0, %add3A : i32
    %c0_i32 = arith.constant 0 : i32
    %c0_i32_1 = arith.constant 0 : i32
    %c0_i32_2 = arith.constant 0 : i32
    return %add3A_0, %c0_i32, %c0_i32_1 : i32, i32, i32
  }
}

module attributes {stable_mosaic.version = 14 : i64} {
  func.func @body(%arg0: i32, %arg1: memref<1024x200x128xf32, #tpu.memory_space<any>>, %arg2: memref<64x200x128xf32, #tpu.memory_space<vmem>>, %arg3: memref<64x200xi32, #tpu.memory_space<vmem>>, %arg4: memref<1x200x128xf32, #tpu.memory_space<vmem>>, %arg5: memref<2x128xf32, #tpu.memory_space<vmem>>, %arg6: memref<1x128xf32, #tpu.memory_space<vmem>>, %arg7: memref<1x128xf32, #tpu.memory_space<vmem>>, %arg8: memref<64x200x128xf32, #tpu.memory_space<vmem>>) attributes {dimension_semantics = [#tpu.dimension_semantics<arbitrary>], iteration_bounds = array<i64: 4>, scalar_prefetch = 0 : i64, scratch_operands = 0 : i64, tpu.core_type = #tpu.core_type<tc>, window_params = [{}, {transform_indices = @transform_1, window_bounds = array<i64: 64, 200, 128>}, {transform_indices = @transform_2, window_bounds = array<i64: 64, 200>}, {pipeline_mode = #tpu.pipeline_mode<synchronous>, transform_indices = @transform_3, window_bounds = array<i64: 1, 200, 128>}, {pipeline_mode = #tpu.pipeline_mode<synchronous>, transform_indices = @transform_4, window_bounds = array<i64: 2, 128>}, {pipeline_mode = #tpu.pipeline_mode<synchronous>, transform_indices = @transform_5, window_bounds = array<i64: 1, 128>}, {pipeline_mode = #tpu.pipeline_mode<synchronous>, transform_indices = @transform_6, window_bounds = array<i64: 1, 128>}, {transform_indices = @transform_7, window_bounds = array<i64: 64, 200, 128>}]} {
    %get3A = arith.constant 0 : index
    %get3A_0 = arith.constant 0 : index
    %get3A_1 = arith.constant 0 : index
    %get3A_2 = vector.load %arg2[%get3A, %get3A_0, %get3A_1] : memref<64x200x128xf32, #tpu.memory_space<vmem>>, vector<64x200x128xf32>
    %get3A_3 = arith.constant 0 : index
    %get3A_4 = arith.constant 0 : index
    %get3A_5 = arith.constant 0 : index
    %get3A_6 = vector.load %arg4[%get3A_3, %get3A_4, %get3A_5] : memref<1x200x128xf32, #tpu.memory_space<vmem>>, vector<1x200x128xf32>
    %add3A = vector.broadcast %get3A_6 : vector<1x200x128xf32> to vector<64x200x128xf32>
    %add3A_7 = arith.addf %get3A_2, %add3A : vector<64x200x128xf32>
    %get3A_8 = arith.constant 0 : index
    %get3A_9 = arith.constant 0 : index
    %get3A_10 = vector.load %arg3[%get3A_8, %get3A_9] : memref<64x200xi32, #tpu.memory_space<vmem>>, vector<64x200xi32>
    %convert_element_type3A = arith.sitofp %get3A_10 : vector<64x200xi32> to vector<64x200xf32>
    %broadcast_in_dim3A = vector.shape_cast %convert_element_type3A : vector<64x200xf32> to vector<64x200x1xf32>
    %get3A_11 = arith.constant 0 : index
    %get3A_12 = arith.constant 0 : index
    %get3A_13 = vector.load %arg5[%get3A_11, %get3A_12] : memref<2x128xf32, #tpu.memory_space<vmem>>, vector<1x128xf32>
    %reshape3A = vector.shape_cast %get3A_13 : vector<1x128xf32> to vector<1x1x128xf32>
    %get3A_14 = arith.constant 1 : index
    %get3A_15 = arith.constant 0 : index
    %get3A_16 = vector.load %arg5[%get3A_14, %get3A_15] : memref<2x128xf32, #tpu.memory_space<vmem>>, vector<1x128xf32>
    %reshape3A_17 = vector.shape_cast %get3A_16 : vector<1x128xf32> to vector<1x1x128xf32>
    %add3A_18 = vector.broadcast %reshape3A : vector<1x1x128xf32> to vector<64x200x128xf32>
    %add3A_19 = arith.addf %add3A_7, %add3A_18 : vector<64x200x128xf32>
    %sub3A = arith.subf %reshape3A_17, %reshape3A : vector<1x1x128xf32>
    %mul3A = vector.broadcast %broadcast_in_dim3A : vector<64x200x1xf32> to vector<64x200x128xf32>
    %mul3A_20 = vector.broadcast %sub3A : vector<1x1x128xf32> to vector<64x200x128xf32>
    %mul3A_21 = arith.mulf %mul3A, %mul3A_20 : vector<64x200x128xf32>
    %add3A_22 = arith.addf %add3A_19, %mul3A_21 : vector<64x200x128xf32>
    %reshape3A_23 = vector.shape_cast %add3A_22 : vector<64x200x128xf32> to vector<12800x128xf32>
    %convert_element_type3A_24 = arith.truncf %reshape3A_23 : vector<12800x128xf32> to vector<12800x128xbf16>
    %broadcast_in_dim3A_25 = arith.constant 1.000000e+00 : bf16
    %broadcast_in_dim3A_26 = vector.broadcast %broadcast_in_dim3A_25 : bf16 to vector<128x128xbf16>
    %dot_general3A = arith.constant dense<0.000000e+00> : vector<12800x128xf32>
    %dot_general3A_27 = tpu.matmul %convert_element_type3A_24, %broadcast_in_dim3A_26, %dot_general3A {dimension_numbers = #tpu.dot_dimension_numbers<[1], [0], [0], [1], [0, 0, 1, 1], [], []>, transpose_lhs_hint = false} : vector<12800x128xbf16>, vector<128x128xbf16>, vector<12800x128xf32> -> vector<12800x128xf32>
    %mul3A_28 = arith.constant 7.812500e-03 : f32
    %mul3A_29 = vector.broadcast %mul3A_28 : f32 to vector<12800x128xf32>
    %mul3A_30 = arith.mulf %dot_general3A_27, %mul3A_29 : vector<12800x128xf32>
    %mul3A_31 = arith.mulf %convert_element_type3A_24, %convert_element_type3A_24 : vector<12800x128xbf16>
    %dot_general3A_32 = arith.constant dense<0.000000e+00> : vector<12800x128xf32>
    %dot_general3A_33 = tpu.matmul %mul3A_31, %broadcast_in_dim3A_26, %dot_general3A_32 {dimension_numbers = #tpu.dot_dimension_numbers<[1], [0], [0], [1], [0, 0, 1, 1], [], []>, transpose_lhs_hint = false} : vector<12800x128xbf16>, vector<128x128xbf16>, vector<12800x128xf32> -> vector<12800x128xf32>
    %mul3A_34 = arith.constant 7.812500e-03 : f32
    %mul3A_35 = vector.broadcast %mul3A_34 : f32 to vector<12800x128xf32>
    %mul3A_36 = arith.mulf %dot_general3A_33, %mul3A_35 : vector<12800x128xf32>
    %mul3A_37 = arith.mulf %mul3A_30, %mul3A_30 : vector<12800x128xf32>
    %sub3A_38 = arith.subf %mul3A_36, %mul3A_37 : vector<12800x128xf32>
    %sub3A_39 = arith.subf %reshape3A_23, %mul3A_30 : vector<12800x128xf32>
    %add3A_40 = arith.constant 9.99999996E-13 : f32
    %add3A_41 = vector.broadcast %add3A_40 : f32 to vector<12800x128xf32>
    %add3A_42 = arith.addf %sub3A_38, %add3A_41 : vector<12800x128xf32>
    %rsqrt3A = math.rsqrt %add3A_42 : vector<12800x128xf32>
    %mul3A_43 = arith.mulf %sub3A_39, %rsqrt3A : vector<12800x128xf32>
    %get3A_44 = arith.constant 0 : index
    %get3A_45 = arith.constant 0 : index
    %get3A_46 = vector.load %arg6[%get3A_44, %get3A_45] : memref<1x128xf32, #tpu.memory_space<vmem>>, vector<1x128xf32>
    %mul3A_47 = vector.broadcast %get3A_46 : vector<1x128xf32> to vector<12800x128xf32>
    %mul3A_48 = arith.mulf %mul3A_43, %mul3A_47 : vector<12800x128xf32>
    %get3A_49 = arith.constant 0 : index
    %get3A_50 = arith.constant 0 : index
    %get3A_51 = vector.load %arg7[%get3A_49, %get3A_50] : memref<1x128xf32, #tpu.memory_space<vmem>>, vector<1x128xf32>
    %add3A_52 = vector.broadcast %get3A_51 : vector<1x128xf32> to vector<12800x128xf32>
    %add3A_53 = arith.addf %mul3A_48, %add3A_52 : vector<12800x128xf32>
    %reshape3A_54 = vector.shape_cast %add3A_53 : vector<12800x128xf32> to vector<64x200x128xf32>
    %swap3A = arith.constant 0 : index
    %swap3A_55 = arith.constant 0 : index
    %swap3A_56 = arith.constant 0 : index
    %swap3A_57 = vector.load %arg8[%swap3A, %swap3A_55, %swap3A_56] : memref<64x200x128xf32, #tpu.memory_space<vmem>>, vector<64x200x128xf32>
    tpu.vector_store %arg8[%swap3A, %swap3A_55, %swap3A_56], %reshape3A_54 {strides = array<i32>} : memref<64x200x128xf32, #tpu.memory_space<vmem>>, vector<64x200x128xf32>,
    return
  }
  func.func @transform_1(%arg0: i32) -> (i32, i32, i32) {
    %c0_i32 = arith.constant 0 : i32
    %c0_i32_0 = arith.constant 0 : i32
    %c0_i32_1 = arith.constant 0 : i32
    return %arg0, %c0_i32, %c0_i32_0 : i32, i32, i32
  }
  func.func @transform_2(%arg0: i32) -> (i32, i32) {
    %add3A = arith.constant 4 : i32
    %add3A_0 = arith.addi %arg0, %add3A : i32
    %c0_i32 = arith.constant 0 : i32
    %c0_i32_1 = arith.constant 0 : i32
    return %add3A_0, %c0_i32 : i32, i32
  }
  func.func @transform_3(%arg0: i32) -> (i32, i32, i32) {
    %c0_i32 = arith.constant 0 : i32
    %c0_i32_0 = arith.constant 0 : i32
    %c0_i32_1 = arith.constant 0 : i32
    %c0_i32_2 = arith.constant 0 : i32
    return %c0_i32, %c0_i32_0, %c0_i32_1 : i32, i32, i32
  }
  func.func @transform_4(%arg0: i32) -> (i32, i32) {
    %c0_i32 = arith.constant 0 : i32
    %c0_i32_0 = arith.constant 0 : i32
    %c0_i32_1 = arith.constant 0 : i32
    return %c0_i32, %c0_i32_0 : i32, i32
  }
  func.func @transform_5(%arg0: i32) -> (i32, i32) {
    %c0_i32 = arith.constant 0 : i32
    %c0_i32_0 = arith.constant 0 : i32
    %c0_i32_1 = arith.constant 0 : i32
    return %c0_i32, %c0_i32_0 : i32, i32
  }
  func.func @transform_6(%arg0: i32) -> (i32, i32) {
    %c0_i32 = arith.constant 0 : i32
    %c0_i32_0 = arith.constant 0 : i32
    %c0_i32_1 = arith.constant 0 : i32
    return %c0_i32, %c0_i32_0 : i32, i32
  }
  func.func @transform_7(%arg0: i32) -> (i32, i32, i32) {
    %add3A = arith.constant 4 : i32
    %add3A_0 = arith.addi %arg0, %add3A : i32
    %c0_i32 = arith.constant 0 : i32
    %c0_i32_1 = arith.constant 0 : i32
    %c0_i32_2 = arith.constant 0 : i32
    return %add3A_0, %c0_i32, %c0_i32_1 : i32, i32, i32
  }
}

module attributes {stable_mosaic.version = 14 : i64} {
  func.func @body(%arg0: i32, %arg1: memref<1024x200x128xf32, #tpu.memory_space<any>>, %arg2: memref<64x200x128xf32, #tpu.memory_space<vmem>>, %arg3: memref<64x200xi32, #tpu.memory_space<vmem>>, %arg4: memref<1x200x128xf32, #tpu.memory_space<vmem>>, %arg5: memref<2x128xf32, #tpu.memory_space<vmem>>, %arg6: memref<1x128xf32, #tpu.memory_space<vmem>>, %arg7: memref<1x128xf32, #tpu.memory_space<vmem>>, %arg8: memref<64x200x128xf32, #tpu.memory_space<vmem>>) attributes {dimension_semantics = [#tpu.dimension_semantics<arbitrary>], iteration_bounds = array<i64: 4>, scalar_prefetch = 0 : i64, scratch_operands = 0 : i64, tpu.core_type = #tpu.core_type<tc>, window_params = [{}, {transform_indices = @transform_1, window_bounds = array<i64: 64, 200, 128>}, {transform_indices = @transform_2, window_bounds = array<i64: 64, 200>}, {pipeline_mode = #tpu.pipeline_mode<synchronous>, transform_indices = @transform_3, window_bounds = array<i64: 1, 200, 128>}, {pipeline_mode = #tpu.pipeline_mode<synchronous>, transform_indices = @transform_4, window_bounds = array<i64: 2, 128>}, {pipeline_mode = #tpu.pipeline_mode<synchronous>, transform_indices = @transform_5, window_bounds = array<i64: 1, 128>}, {pipeline_mode = #tpu.pipeline_mode<synchronous>, transform_indices = @transform_6, window_bounds = array<i64: 1, 128>}, {transform_indices = @transform_7, window_bounds = array<i64: 64, 200, 128>}]} {
    %get3A = arith.constant 0 : index
    %get3A_0 = arith.constant 0 : index
    %get3A_1 = arith.constant 0 : index
    %get3A_2 = vector.load %arg2[%get3A, %get3A_0, %get3A_1] : memref<64x200x128xf32, #tpu.memory_space<vmem>>, vector<64x200x128xf32>
    %get3A_3 = arith.constant 0 : index
    %get3A_4 = arith.constant 0 : index
    %get3A_5 = arith.constant 0 : index
    %get3A_6 = vector.load %arg4[%get3A_3, %get3A_4, %get3A_5] : memref<1x200x128xf32, #tpu.memory_space<vmem>>, vector<1x200x128xf32>
    %add3A = vector.broadcast %get3A_6 : vector<1x200x128xf32> to vector<64x200x128xf32>
    %add3A_7 = arith.addf %get3A_2, %add3A : vector<64x200x128xf32>
    %get3A_8 = arith.constant 0 : index
    %get3A_9 = arith.constant 0 : index
    %get3A_10 = vector.load %arg3[%get3A_8, %get3A_9] : memref<64x200xi32, #tpu.memory_space<vmem>>, vector<64x200xi32>
    %convert_element_type3A = arith.sitofp %get3A_10 : vector<64x200xi32> to vector<64x200xf32>
    %broadcast_in_dim3A = vector.shape_cast %convert_element_type3A : vector<64x200xf32> to vector<64x200x1xf32>
    %get3A_11 = arith.constant 0 : index
    %get3A_12 = arith.constant 0 : index
    %get3A_13 = vector.load %arg5[%get3A_11, %get3A_12] : memref<2x128xf32, #tpu.memory_space<vmem>>, vector<1x128xf32>
    %reshape3A = vector.shape_cast %get3A_13 : vector<1x128xf32> to vector<1x1x128xf32>
    %get3A_14 = arith.constant 1 : index
    %get3A_15 = arith.constant 0 : index
    %get3A_16 = vector.load %arg5[%get3A_14, %get3A_15] : memref<2x128xf32, #tpu.memory_space<vmem>>, vector<1x128xf32>
    %reshape3A_17 = vector.shape_cast %get3A_16 : vector<1x128xf32> to vector<1x1x128xf32>
    %add3A_18 = vector.broadcast %reshape3A : vector<1x1x128xf32> to vector<64x200x128xf32>
    %add3A_19 = arith.addf %add3A_7, %add3A_18 : vector<64x200x128xf32>
    %sub3A = arith.subf %reshape3A_17, %reshape3A : vector<1x1x128xf32>
    %mul3A = vector.broadcast %broadcast_in_dim3A : vector<64x200x1xf32> to vector<64x200x128xf32>
    %mul3A_20 = vector.broadcast %sub3A : vector<1x1x128xf32> to vector<64x200x128xf32>
    %mul3A_21 = arith.mulf %mul3A, %mul3A_20 : vector<64x200x128xf32>
    %add3A_22 = arith.addf %add3A_19, %mul3A_21 : vector<64x200x128xf32>
    %reshape3A_23 = vector.shape_cast %add3A_22 : vector<64x200x128xf32> to vector<12800x128xf32>
    %convert_element_type3A_24 = arith.truncf %reshape3A_23 : vector<12800x128xf32> to vector<12800x128xbf16>
    %broadcast_in_dim3A_25 = arith.constant 1.000000e+00 : bf16
    %broadcast_in_dim3A_26 = vector.broadcast %broadcast_in_dim3A_25 : bf16 to vector<128x128xbf16>
    %dot_general3A = arith.constant dense<0.000000e+00> : vector<12800x128xf32>
    %dot_general3A_27 = tpu.matmul %convert_element_type3A_24, %broadcast_in_dim3A_26, %dot_general3A {dimension_numbers = #tpu.dot_dimension_numbers<[1], [0], [0], [1], [0, 0, 1, 1], [], []>, transpose_lhs_hint = false} : vector<12800x128xbf16>, vector<128x128xbf16>, vector<12800x128xf32> -> vector<12800x128xf32>
    %mul3A_28 = arith.constant 7.812500e-03 : f32
    %mul3A_29 = vector.broadcast %mul3A_28 : f32 to vector<12800x128xf32>
    %mul3A_30 = arith.mulf %dot_general3A_27, %mul3A_29 : vector<12800x128xf32>
    %mul3A_31 = arith.mulf %convert_element_type3A_24, %convert_element_type3A_24 : vector<12800x128xbf16>
    %dot_general3A_32 = arith.constant dense<0.000000e+00> : vector<12800x128xf32>
    %dot_general3A_33 = tpu.matmul %mul3A_31, %broadcast_in_dim3A_26, %dot_general3A_32 {dimension_numbers = #tpu.dot_dimension_numbers<[1], [0], [0], [1], [0, 0, 1, 1], [], []>, transpose_lhs_hint = false} : vector<12800x128xbf16>, vector<128x128xbf16>, vector<12800x128xf32> -> vector<12800x128xf32>
    %mul3A_34 = arith.constant 7.812500e-03 : f32
    %mul3A_35 = vector.broadcast %mul3A_34 : f32 to vector<12800x128xf32>
    %mul3A_36 = arith.mulf %dot_general3A_33, %mul3A_35 : vector<12800x128xf32>
    %mul3A_37 = arith.mulf %mul3A_30, %mul3A_30 : vector<12800x128xf32>
    %sub3A_38 = arith.subf %mul3A_36, %mul3A_37 : vector<12800x128xf32>
    %sub3A_39 = arith.subf %reshape3A_23, %mul3A_30 : vector<12800x128xf32>
    %add3A_40 = arith.constant 9.99999996E-13 : f32
    %add3A_41 = vector.broadcast %add3A_40 : f32 to vector<12800x128xf32>
    %add3A_42 = arith.addf %sub3A_38, %add3A_41 : vector<12800x128xf32>
    %rsqrt3A = math.rsqrt %add3A_42 : vector<12800x128xf32>
    %mul3A_43 = arith.mulf %sub3A_39, %rsqrt3A : vector<12800x128xf32>
    %get3A_44 = arith.constant 0 : index
    %get3A_45 = arith.constant 0 : index
    %get3A_46 = vector.load %arg6[%get3A_44, %get3A_45] : memref<1x128xf32, #tpu.memory_space<vmem>>, vector<1x128xf32>
    %mul3A_47 = vector.broadcast %get3A_46 : vector<1x128xf32> to vector<12800x128xf32>
    %mul3A_48 = arith.mulf %mul3A_43, %mul3A_47 : vector<12800x128xf32>
    %get3A_49 = arith.constant 0 : index
    %get3A_50 = arith.constant 0 : index
    %get3A_51 = vector.load %arg7[%get3A_49, %get3A_50] : memref<1x128xf32, #tpu.memory_space<vmem>>, vector<1x128xf32>
    %add3A_52 = vector.broadcast %get3A_51 : vector<1x128xf32> to vector<12800x128xf32>
    %add3A_53 = arith.addf %mul3A_48, %add3A_52 : vector<12800x128xf32>
    %reshape3A_54 = vector.shape_cast %add3A_53 : vector<12800x128xf32> to vector<64x200x128xf32>
    %swap3A = arith.constant 0 : index
    %swap3A_55 = arith.constant 0 : index
    %swap3A_56 = arith.constant 0 : index
    %swap3A_57 = vector.load %arg8[%swap3A, %swap3A_55, %swap3A_56] : memref<64x200x128xf32, #tpu.memory_space<vmem>>, vector<64x200x128xf32>
    tpu.vector_store %arg8[%swap3A, %swap3A_55, %swap3A_56], %reshape3A_54 {strides = array<i32>} : memref<64x200x128xf32, #tpu.memory_space<vmem>>, vector<64x200x128xf32>,
    return
  }
  func.func @transform_1(%arg0: i32) -> (i32, i32, i32) {
    %c0_i32 = arith.constant 0 : i32
    %c0_i32_0 = arith.constant 0 : i32
    %c0_i32_1 = arith.constant 0 : i32
    return %arg0, %c0_i32, %c0_i32_0 : i32, i32, i32
  }
  func.func @transform_2(%arg0: i32) -> (i32, i32) {
    %add3A = arith.constant 8 : i32
    %add3A_0 = arith.addi %arg0, %add3A : i32
    %c0_i32 = arith.constant 0 : i32
    %c0_i32_1 = arith.constant 0 : i32
    return %add3A_0, %c0_i32 : i32, i32
  }
  func.func @transform_3(%arg0: i32) -> (i32, i32, i32) {
    %c0_i32 = arith.constant 0 : i32
    %c0_i32_0 = arith.constant 0 : i32
    %c0_i32_1 = arith.constant 0 : i32
    %c0_i32_2 = arith.constant 0 : i32
    return %c0_i32, %c0_i32_0, %c0_i32_1 : i32, i32, i32
  }
  func.func @transform_4(%arg0: i32) -> (i32, i32) {
    %c0_i32 = arith.constant 0 : i32
    %c0_i32_0 = arith.constant 0 : i32
    %c0_i32_1 = arith.constant 0 : i32
    return %c0_i32, %c0_i32_0 : i32, i32
  }
  func.func @transform_5(%arg0: i32) -> (i32, i32) {
    %c0_i32 = arith.constant 0 : i32
    %c0_i32_0 = arith.constant 0 : i32
    %c0_i32_1 = arith.constant 0 : i32
    return %c0_i32, %c0_i32_0 : i32, i32
  }
  func.func @transform_6(%arg0: i32) -> (i32, i32) {
    %c0_i32 = arith.constant 0 : i32
    %c0_i32_0 = arith.constant 0 : i32
    %c0_i32_1 = arith.constant 0 : i32
    return %c0_i32, %c0_i32_0 : i32, i32
  }
  func.func @transform_7(%arg0: i32) -> (i32, i32, i32) {
    %add3A = arith.constant 8 : i32
    %add3A_0 = arith.addi %arg0, %add3A : i32
    %c0_i32 = arith.constant 0 : i32
    %c0_i32_1 = arith.constant 0 : i32
    %c0_i32_2 = arith.constant 0 : i32
    return %add3A_0, %c0_i32, %c0_i32_1 : i32, i32, i32
  }
}

module attributes {stable_mosaic.version = 14 : i64} {
  func.func @body(%arg0: i32, %arg1: memref<1024x200x128xf32, #tpu.memory_space<any>>, %arg2: memref<64x200x128xf32, #tpu.memory_space<vmem>>, %arg3: memref<64x200xi32, #tpu.memory_space<vmem>>, %arg4: memref<1x200x128xf32, #tpu.memory_space<vmem>>, %arg5: memref<2x128xf32, #tpu.memory_space<vmem>>, %arg6: memref<1x128xf32, #tpu.memory_space<vmem>>, %arg7: memref<1x128xf32, #tpu.memory_space<vmem>>, %arg8: memref<64x200x128xf32, #tpu.memory_space<vmem>>) attributes {dimension_semantics = [#tpu.dimension_semantics<arbitrary>], iteration_bounds = array<i64: 4>, scalar_prefetch = 0 : i64, scratch_operands = 0 : i64, tpu.core_type = #tpu.core_type<tc>, window_params = [{}, {transform_indices = @transform_1, window_bounds = array<i64: 64, 200, 128>}, {transform_indices = @transform_2, window_bounds = array<i64: 64, 200>}, {pipeline_mode = #tpu.pipeline_mode<synchronous>, transform_indices = @transform_3, window_bounds = array<i64: 1, 200, 128>}, {pipeline_mode = #tpu.pipeline_mode<synchronous>, transform_indices = @transform_4, window_bounds = array<i64: 2, 128>}, {pipeline_mode = #tpu.pipeline_mode<synchronous>, transform_indices = @transform_5, window_bounds = array<i64: 1, 128>}, {pipeline_mode = #tpu.pipeline_mode<synchronous>, transform_indices = @transform_6, window_bounds = array<i64: 1, 128>}, {transform_indices = @transform_7, window_bounds = array<i64: 64, 200, 128>}]} {
    %get3A = arith.constant 0 : index
    %get3A_0 = arith.constant 0 : index
    %get3A_1 = arith.constant 0 : index
    %get3A_2 = vector.load %arg2[%get3A, %get3A_0, %get3A_1] : memref<64x200x128xf32, #tpu.memory_space<vmem>>, vector<64x200x128xf32>
    %get3A_3 = arith.constant 0 : index
    %get3A_4 = arith.constant 0 : index
    %get3A_5 = arith.constant 0 : index
    %get3A_6 = vector.load %arg4[%get3A_3, %get3A_4, %get3A_5] : memref<1x200x128xf32, #tpu.memory_space<vmem>>, vector<1x200x128xf32>
    %add3A = vector.broadcast %get3A_6 : vector<1x200x128xf32> to vector<64x200x128xf32>
    %add3A_7 = arith.addf %get3A_2, %add3A : vector<64x200x128xf32>
    %get3A_8 = arith.constant 0 : index
    %get3A_9 = arith.constant 0 : index
    %get3A_10 = vector.load %arg3[%get3A_8, %get3A_9] : memref<64x200xi32, #tpu.memory_space<vmem>>, vector<64x200xi32>
    %convert_element_type3A = arith.sitofp %get3A_10 : vector<64x200xi32> to vector<64x200xf32>
    %broadcast_in_dim3A = vector.shape_cast %convert_element_type3A : vector<64x200xf32> to vector<64x200x1xf32>
    %get3A_11 = arith.constant 0 : index
    %get3A_12 = arith.constant 0 : index
    %get3A_13 = vector.load %arg5[%get3A_11, %get3A_12] : memref<2x128xf32, #tpu.memory_space<vmem>>, vector<1x128xf32>
    %reshape3A = vector.shape_cast %get3A_13 : vector<1x128xf32> to vector<1x1x128xf32>
    %get3A_14 = arith.constant 1 : index
    %get3A_15 = arith.constant 0 : index
    %get3A_16 = vector.load %arg5[%get3A_14, %get3A_15] : memref<2x128xf32, #tpu.memory_space<vmem>>, vector<1x128xf32>
    %reshape3A_17 = vector.shape_cast %get3A_16 : vector<1x128xf32> to vector<1x1x128xf32>
    %add3A_18 = vector.broadcast %reshape3A : vector<1x1x128xf32> to vector<64x200x128xf32>
    %add3A_19 = arith.addf %add3A_7, %add3A_18 : vector<64x200x128xf32>
    %sub3A = arith.subf %reshape3A_17, %reshape3A : vector<1x1x128xf32>
    %mul3A = vector.broadcast %broadcast_in_dim3A : vector<64x200x1xf32> to vector<64x200x128xf32>
    %mul3A_20 = vector.broadcast %sub3A : vector<1x1x128xf32> to vector<64x200x128xf32>
    %mul3A_21 = arith.mulf %mul3A, %mul3A_20 : vector<64x200x128xf32>
    %add3A_22 = arith.addf %add3A_19, %mul3A_21 : vector<64x200x128xf32>
    %reshape3A_23 = vector.shape_cast %add3A_22 : vector<64x200x128xf32> to vector<12800x128xf32>
    %convert_element_type3A_24 = arith.truncf %reshape3A_23 : vector<12800x128xf32> to vector<12800x128xbf16>
    %broadcast_in_dim3A_25 = arith.constant 1.000000e+00 : bf16
    %broadcast_in_dim3A_26 = vector.broadcast %broadcast_in_dim3A_25 : bf16 to vector<128x128xbf16>
    %dot_general3A = arith.constant dense<0.000000e+00> : vector<12800x128xf32>
    %dot_general3A_27 = tpu.matmul %convert_element_type3A_24, %broadcast_in_dim3A_26, %dot_general3A {dimension_numbers = #tpu.dot_dimension_numbers<[1], [0], [0], [1], [0, 0, 1, 1], [], []>, transpose_lhs_hint = false} : vector<12800x128xbf16>, vector<128x128xbf16>, vector<12800x128xf32> -> vector<12800x128xf32>
    %mul3A_28 = arith.constant 7.812500e-03 : f32
    %mul3A_29 = vector.broadcast %mul3A_28 : f32 to vector<12800x128xf32>
    %mul3A_30 = arith.mulf %dot_general3A_27, %mul3A_29 : vector<12800x128xf32>
    %mul3A_31 = arith.mulf %convert_element_type3A_24, %convert_element_type3A_24 : vector<12800x128xbf16>
    %dot_general3A_32 = arith.constant dense<0.000000e+00> : vector<12800x128xf32>
    %dot_general3A_33 = tpu.matmul %mul3A_31, %broadcast_in_dim3A_26, %dot_general3A_32 {dimension_numbers = #tpu.dot_dimension_numbers<[1], [0], [0], [1], [0, 0, 1, 1], [], []>, transpose_lhs_hint = false} : vector<12800x128xbf16>, vector<128x128xbf16>, vector<12800x128xf32> -> vector<12800x128xf32>
    %mul3A_34 = arith.constant 7.812500e-03 : f32
    %mul3A_35 = vector.broadcast %mul3A_34 : f32 to vector<12800x128xf32>
    %mul3A_36 = arith.mulf %dot_general3A_33, %mul3A_35 : vector<12800x128xf32>
    %mul3A_37 = arith.mulf %mul3A_30, %mul3A_30 : vector<12800x128xf32>
    %sub3A_38 = arith.subf %mul3A_36, %mul3A_37 : vector<12800x128xf32>
    %sub3A_39 = arith.subf %reshape3A_23, %mul3A_30 : vector<12800x128xf32>
    %add3A_40 = arith.constant 9.99999996E-13 : f32
    %add3A_41 = vector.broadcast %add3A_40 : f32 to vector<12800x128xf32>
    %add3A_42 = arith.addf %sub3A_38, %add3A_41 : vector<12800x128xf32>
    %rsqrt3A = math.rsqrt %add3A_42 : vector<12800x128xf32>
    %mul3A_43 = arith.mulf %sub3A_39, %rsqrt3A : vector<12800x128xf32>
    %get3A_44 = arith.constant 0 : index
    %get3A_45 = arith.constant 0 : index
    %get3A_46 = vector.load %arg6[%get3A_44, %get3A_45] : memref<1x128xf32, #tpu.memory_space<vmem>>, vector<1x128xf32>
    %mul3A_47 = vector.broadcast %get3A_46 : vector<1x128xf32> to vector<12800x128xf32>
    %mul3A_48 = arith.mulf %mul3A_43, %mul3A_47 : vector<12800x128xf32>
    %get3A_49 = arith.constant 0 : index
    %get3A_50 = arith.constant 0 : index
    %get3A_51 = vector.load %arg7[%get3A_49, %get3A_50] : memref<1x128xf32, #tpu.memory_space<vmem>>, vector<1x128xf32>
    %add3A_52 = vector.broadcast %get3A_51 : vector<1x128xf32> to vector<12800x128xf32>
    %add3A_53 = arith.addf %mul3A_48, %add3A_52 : vector<12800x128xf32>
    %reshape3A_54 = vector.shape_cast %add3A_53 : vector<12800x128xf32> to vector<64x200x128xf32>
    %swap3A = arith.constant 0 : index
    %swap3A_55 = arith.constant 0 : index
    %swap3A_56 = arith.constant 0 : index
    %swap3A_57 = vector.load %arg8[%swap3A, %swap3A_55, %swap3A_56] : memref<64x200x128xf32, #tpu.memory_space<vmem>>, vector<64x200x128xf32>
    tpu.vector_store %arg8[%swap3A, %swap3A_55, %swap3A_56], %reshape3A_54 {strides = array<i32>} : memref<64x200x128xf32, #tpu.memory_space<vmem>>, vector<64x200x128xf32>,
    return
  }
  func.func @transform_1(%arg0: i32) -> (i32, i32, i32) {
    %c0_i32 = arith.constant 0 : i32
    %c0_i32_0 = arith.constant 0 : i32
    %c0_i32_1 = arith.constant 0 : i32
    return %arg0, %c0_i32, %c0_i32_0 : i32, i32, i32
  }
  func.func @transform_2(%arg0: i32) -> (i32, i32) {
    %add3A = arith.constant 12 : i32
    %add3A_0 = arith.addi %arg0, %add3A : i32
    %c0_i32 = arith.constant 0 : i32
    %c0_i32_1 = arith.constant 0 : i32
    return %add3A_0, %c0_i32 : i32, i32
  }
  func.func @transform_3(%arg0: i32) -> (i32, i32, i32) {
    %c0_i32 = arith.constant 0 : i32
    %c0_i32_0 = arith.constant 0 : i32
    %c0_i32_1 = arith.constant 0 : i32
    %c0_i32_2 = arith.constant 0 : i32
    return %c0_i32, %c0_i32_0, %c0_i32_1 : i32, i32, i32
  }
  func.func @transform_4(%arg0: i32) -> (i32, i32) {
    %c0_i32 = arith.constant 0 : i32
    %c0_i32_0 = arith.constant 0 : i32
    %c0_i32_1 = arith.constant 0 : i32
    return %c0_i32, %c0_i32_0 : i32, i32
  }
  func.func @transform_5(%arg0: i32) -> (i32, i32) {
    %c0_i32 = arith.constant 0 : i32
    %c0_i32_0 = arith.constant 0 : i32
    %c0_i32_1 = arith.constant 0 : i32
    return %c0_i32, %c0_i32_0 : i32, i32
  }
  func.func @transform_6(%arg0: i32) -> (i32, i32) {
    %c0_i32 = arith.constant 0 : i32
    %c0_i32_0 = arith.constant 0 : i32
    %c0_i32_1 = arith.constant 0 : i32
    return %c0_i32, %c0_i32_0 : i32, i32
  }
  func.func @transform_7(%arg0: i32) -> (i32, i32, i32) {
    %add3A = arith.constant 12 : i32
    %add3A_0 = arith.addi %arg0, %add3A : i32
    %c0_i32 = arith.constant 0 : i32
    %c0_i32_1 = arith.constant 0 : i32
    %c0_i32_2 = arith.constant 0 : i32
    return %add3A_0, %c0_i32, %c0_i32_1 : i32, i32, i32
  }
}

</mosaic_0001>

<sc_bundles>
// kernel: kernel.10.cloned.1.call-start
scs
__scs_entry_jumppad:
0x0: {  	(pc) =	sbr.rel $0x88, $3  }
0x1: {  	(tag) =	ssettag $0x0;
	lr =	simm.s32 $0x1  }
0x2: {  	[smem:$0x3F9A] =	sst lr;
	_ =	strace $0xD0000000  }
0x3: {  	_ = 	snop  }
0x4: {  	_ = 	snop  }
0x5: {  	_ = 	snop  }
0x6: {  	_ = 	snop  }
0x7: {  	_ = 	snop  }
__scs_overlays_trampoline_lowered:
0x8: {  	[smem:$0x3FA9] =	sst s0  }
0x9: {  	[smem:$0x3FAA] =	sst s1  }
0xa: {  	[smem:$0x3FAB] =	sst s2  }
0xb: {  	[smem:$0x3FAC] =	sst s3  }
0xc: {  	[smem:$0x3FAD] =	sst s4  }
0xd: {  	[smem:$0x3FAE] =	sst s5  }
0xe: {  	[smem:$0x3FAF] =	sst s6  }
0xf: {  	[smem:$0x3FB0] =	sst s7  }
0x10: {  	[smem:$0x3FB1] =	sst s8  }
0x11: {  	[smem:$0x3FB2] =	sst s9;
	s0 =	simm.s32 @!p0 $0x0  }
0x12: {  	s1 =	sld [smem:$0x3F98];
	s0 =	simm.s32 @p0 $0x1  }
0x13: {  	[smem:$0x3FB3] =	sst s0;
	s0 =	simm.s32 @!p1 $0x0  }
0x14: {  	s2 =	sld [smem:$0x3F97];
	s0 =	simm.s32 @p1 $0x1  }
0x15: {  	[smem:$0x3FB4] =	sst s0;
	s0 =	simm.s32 @!p2 $0x0  }
0x16: {  	s3 =	sld [smem:$0x3FDB];
	s0 =	simm.s32 @p2 $0x1  }
0x17: {  	s4 =	simm.s32 $0x1BF5;
	[smem:$0x3FB6] =	sst s0  }
0x18: {  	s0 =	sld [smem:$0x3F99];
	_ =	swait.ge [sflag:s4], $0x0  }
0x19: {  	s7 =	sld [smem:$0x3F9A]  }
0x1a: {  	s8 =	sadd.s32 $0xFFFFE003, lr  }
0x1b: {  	s9 =	sadd.s32 $0xFFFFFEF7, lr;
	s5 =	simm.s32 $0xFFFFFFFF;
	p2 =	slt.u32 s8, $0xFFFFF086  }
0x1c: {  	p1 =	slt.u32 s9, $0xF7A;
	s5 =	simm.s32 @!p2 $0x0  }
0x1d: {  	s5 =	simm.s32 @p1 $0x1;
	p0 =	seq.s32 s7, s2  }
0x1e: {  	s7 =	smul.u32 @!p0 $0xF7A, s2;
	p2 =	seq.s32 @!p0 s5, $0x0  }
0x1f: {  	s9 =	smul.u32 $0xF7A, s1;
	s8 =	simm.s32 @!p0 $0x1BF5;
	p2 =	por !p2, p0  }
0x20: {  	[sflag:s8] =	ssyncset.s32 @!p0 $0xFFFFF086;
	s6 =	sadd.s32 @!p0 s3, s7;
	s7 =	simm.s32 @!p0 $0x108  }
0x21: {  	s3 =	sadd.s32 s3, s9;
	s6 =	sadd.s32 @!p0 $0x88, s6;
	s7 =	simm.s32 @p2 $0x1082  }
0x22: {  	[simem:s7], [sflag:s8] =	dma.local @!p0 [hbm:s6], $0xF7A  }
0x23: {  	s9 =	sor.u32 $0xD0000000, s2;
	s6 =	simm.s32 $0x108;
	_ =	swait.ge @!p0 [sflag:s8], $0x0  }
0x24: {  	s3 =	sadd.s32 $0x88, s3;
	s6 =	simm.s32 @!p1 $0x1082;
	[sflag:s4] =	ssyncset.s32 $0xFFFFF086  }
0x25: {  	[simem:s6], [sflag:s4] =	dma.local [hbm:s3], $0xF7A  }
0x26: {  	[smem:$0x3F9A] =	sst s1;
	(tag) =	ssettag s2;
	_ =	strace s9  }
0x27: {  	s1 =	sld [smem:$0x3FAA]  }
0x28: {  	s2 =	sld [smem:$0x3FAB]  }
0x29: {  	s4 =	sld [smem:$0x3FAD]  }
0x2a: {  	p0 =	seq.s32 s5, $0x0;
	s5 =	sld [smem:$0x3FAE]  }
0x2b: {  	s6 =	sld [smem:$0x3FAF]  }
0x2c: {  	s7 =	sld [smem:$0x3FB0]  }
0x2d: {  	s3 =	simm.s32 $0x108;
	s8 =	sld [smem:$0x3FB1]  }
0x2e: {  	s3 =	simm.s32 @!p0 $0x1082;
	s9 =	sld [smem:$0x3FB2]  }
0x2f: {  	lr =	sadd.s32 s0, s3;
	s0 =	sld [smem:$0x3FA9]  }
0x30: {  	s3 =	sld [smem:$0x3FAC]  }
0x31: {  	[smem:$0x3FB5] =	sst s10  }
0x32: {  	s10 =	sld [smem:$0x3FB3];
	_ =	sdelay $0x3  }
0x33: {  	p0 =	seq.s32 s10, $0x1;
	s10 =	sld [smem:$0x3FB5];
	_ =	sdelay $0x3  }
0x34: {  	[smem:$0x3FB5] =	sst s10  }
0x35: {  	s10 =	sld [smem:$0x3FB4];
	_ =	sdelay $0x3  }
0x36: {  	p1 =	seq.s32 s10, $0x1;
	s10 =	sld [smem:$0x3FB5];
	_ =	sdelay $0x3  }
0x37: {  	[smem:$0x3FB5] =	sst s10  }
0x38: {  	s10 =	sld [smem:$0x3FB6]  }
0x39: {  	_ = 	snop;
	(pc) =	sbr.ind lr, $3  }
0x3a: {  	_ = 	snop  }
0x3b: {  	_ = 	snop  }
0x3c: {  	p2 =	seq.s32 s10, $0x1;
	s10 =	sld [smem:$0x3FB5]  }
0x3d: {  	_ =	shalt  }
0x3e: {  	_ =	shalt  }
0x3f: {  	_ =	shalt  }
0x40: {  	_ =	shalt  }
0x41: {  	_ =	shalt  }
0x42: {  	_ =	shalt  }
0x43: {  	_ =	shalt  }
0x44: {  	_ =	shalt  }
0x45: {  	_ =	shalt  }
0x46: {  	_ =	shalt  }
0x47: {  	_ =	shalt  }
0x48: {  	_ =	shalt  }
0x49: {  	_ =	shalt  }
0x4a: {  	_ =	shalt  }
0x4b: {  	_ =	shalt  }
0x4c: {  	_ =	shalt  }
0x4d: {  	_ =	shalt  }
0x4e: {  	_ =	shalt  }
0x4f: {  	_ =	shalt  }
0x50: {  	_ =	shalt  }
0x51: {  	_ =	shalt  }
0x52: {  	_ =	shalt  }
0x53: {  	_ =	shalt  }
0x54: {  	_ =	shalt  }
0x55: {  	_ =	shalt  }
0x56: {  	_ =	shalt  }
0x57: {  	_ =	shalt  }
0x58: {  	_ =	shalt  }
0x59: {  	_ =	shalt  }
0x5a: {  	_ =	shalt  }
0x5b: {  	_ =	shalt  }
0x5c: {  	_ =	shalt  }
0x5d: {  	_ =	shalt  }
0x5e: {  	_ =	shalt  }
0x5f: {  	_ =	shalt  }
0x60: {  	_ =	shalt  }
0x61: {  	_ =	shalt  }
0x62: {  	_ =	shalt  }
0x63: {  	_ =	shalt  }
0x64: {  	_ =	shalt  }
0x65: {  	_ =	shalt  }
0x66: {  	_ =	shalt  }
0x67: {  	_ =	shalt  }
0x68: {  	_ =	shalt  }
0x69: {  	_ =	shalt  }
0x6a: {  	_ =	shalt  }
0x6b: {  	_ =	shalt  }
0x6c: {  	_ =	shalt  }
0x6d: {  	_ =	shalt  }
0x6e: {  	_ =	shalt  }
0x6f: {  	_ =	shalt  }
0x70: {  	_ =	shalt  }
0x71: {  	_ =	shalt  }
0x72: {  	_ =	shalt  }
0x73: {  	_ =	shalt  }
0x74: {  	_ =	shalt  }
0x75: {  	_ =	shalt  }
0x76: {  	_ =	shalt  }
0x77: {  	_ =	shalt  }
0x78: {  	_ =	shalt  }
0x79: {  	_ =	shalt  }
0x7a: {  	_ =	shalt  }
0x7b: {  	_ =	shalt  }
0x7c: {  	_ =	shalt  }
0x7d: {  	_ =	shalt  }
0x7e: {  	_ =	shalt  }
0x7f: {  	_ =	shalt  }
0x80: {  	_ =	shalt  }
0x81: {  	_ =	shalt  }
0x82: {  	_ =	shalt  }
0x83: {  	_ =	shalt  }
0x84: {  	_ =	shalt  }
0x85: {  	_ =	shalt  }
0x86: {  	_ =	shalt  }
0x87: {  	_ =	shalt  }
.Lfunc_end0:
.L_simem_size_0:
called_computation_lowered:
.L_overlay_start_0:
0x88: {  	s2 =	sld [smem:$0x3FD9]  }
0x89: {  	s3 =	sld [smem:$0x3FFE];
	_ =	sdelay $0x1  }
0x8a: {  	s1 =	srdreg.scid  }
0x8b: {  	s0 =	sand.u32 $0x1, s1  }
0x8c: {  	s17 =	sshll.u32 s0, $0xA;
	s2 =	sadd.s32 s3, s2  }
0x8d: {  	s2 =	sadd.s32 s2, s17  }
0x8e: {  	[smem:$0x3FC1] =	sst s2  }
0x8f: {  	_ = 	snop  }
0x90: {  	s2 =	sld [smem:$0x3FC7];
	(tm) =	ssettm $0x1  }
0x91: {  	s18 =	sld [smem:$0x3FFB];
	_ =	sdelay $0x3  }
0x92: {  	_ =	strace s18  }
0x93: {  	s3 =	sld [smem:$0x3FFC];
	_ =	sdelay $0x3  }
0x94: {  	_ =	strace s3  }
0x95: {  	s3 =	sld [smem:$0x3FFD];
	_ =	sdelay $0x3  }
0x96: {  	_ =	strace s3  }
0x97: {  	_ =	strace $0x8FFFFFFF  }
0x98: {  	s19 =	sld [smem:$0x3FDB];
	_ =	sdelay $0x1  }
0x99: {  	s4 =	simm.s32 $_scs_section_size  }
0x9a: {  	s5 =	simm.s32 $_size__tile_overlayer_lowered;
	s6 =	simm.s32 $_tile_overlayer_lowered  }
0x9b: {  	s22 =	simm.s32 $0x1BFF;
	s21 =	sshll.u32 s6, $0x1;
	s3 =	sadd.s32 s4, s19  }
0x9c: {  	s7 =	simm.s32 $0x0;
	s20 =	sshll.u32 s5, $0x1;
	s5 =	sadd.s32 s21, s3  }
0x9d: {  	[timem:s7], [sflag:s22] =	dma.local [hbm:s5], s20  }
0x9e: {  	_ =	swait.ge [sflag:s22], s20  }
0x9f: {  	s4 =	ssub.s32 $0x0, s20;
	[sflag:s22] =	ssyncset.done $0x0  }
0xa0: {  	[sflag:s22] =	ssyncadd.s32 s4;
	_ =	sdelay $0x1  }
0xa1: {  	s23 =	simm.s32 $0x1B8B  }
0xa2: {  	_ =	swait.ge [sflag:s23], $0x1  }
0xa3: {  	[sflag:s23] =	ssyncset.done $0x0  }
0xa4: {  	s25 =	simm.s32 $0x1B8E;
	s24 =	sld [smem:$0x3FFE];
	[sflag:s23] =	ssyncadd.s32 $0xFFFFFFFF  }
0xa5: {  	s26 =	simm.s32 $execute0_lowered;
	[smem:$0x3FD2] =	sst s25  }
0xa6: {  	s5 =	sshll.u32 s26, $0x1;
	_ =	strace $0x80000046;
	[dreg:$0x1] =	wrdreg $0xFFFFFFFF  }
0xa7: {  	s28 =	simm.s32 $_size_execute0_lowered;
	s3 =	sadd.s32 s3, s5;
	[dreg:$0x0] =	wrdreg $0x0  }
0xa8: {  	s5 =	sshll.u32 s28, $0x1;
	[dreg:$0x2] =	wrdreg s3  }
0xa9: {  	[dreg:$0x3] =	wrdreg s5  }
0xaa: {  	[dreg:$0x4] =	wrdreg $0xC0  }
0xab: {  	_ =	task [dreg:s7], $0x5FFFF  }
0xac: {  	[dreg:$0x1] =	wrdreg $0xFFFFFFFF  }
0xad: {  	[dreg:$0x0] =	wrdreg $0x60  }
0xae: {  	[dreg:$0x2] =	wrdreg s2  }
0xaf: {  	[dreg:$0x3] =	wrdreg s24  }
0xb0: {  	[dreg:$0x4] =	wrdreg $0x9  }
0xb1: {  	_ =	task.clear_ibuf [dreg:s7], $0x5FFFF;
	_ =	strace $0x90000046  }
0xb2: {  	s29 =	simm.s32 $0x9;
	_ =	strace $0x80000048  }
0xb3: {  	_ =	swait.ge [sflag:s29], $0x1  }
0xb4: {  	[sflag:s29] =	ssyncadd.s32 $0xFFFFFFFF  }
0xb5: {  	_ =	strace $0x90000048  }
0xb6: {  	_ =	sfence  }
0xb7: {  	s30 =	sld [smem:$0x0];
	_ =	sdelay $0x2  }
0xb8: {  	s31 =	sshll.u32 s1, $0xD;
	s1 =	sshrl.u32 s1, $0x2  }
0xb9: {  	s3 =	sand.u32 $0x4000, s31;
	s1 =	sadd.s32 s1, s30  }
0xba: {  	s0 =	sor.u32 s3, s0;
	s1 =	sshll.u32 s1, $0x11  }
0xbb: {  	s0 =	sor.u32 s1, s0  }
0xbc: {  	s0 =	sadd.s32 $0x8F2B, s0  }
0xbd: {  	[sflag:s0] =	ssyncadd.remote.s32 $0x1  }
0xbe: {  	_ =	sfence.sel $0xFFFF  }
0xbf: {  	[dreg:$0x0] =	wrdreg $0xFFFFFFFF;
	(pc) =	sbr.abs _section_cstart, $3  }
0xc0: {  	[dreg:$0x1] =	wrdreg $0xFFFFFFFF  }
0xc1: {  	_ =	task.clear_ibuf [dreg:s7], $0x2FFFF;
	_ =	strace $0x9FFFFFFF  }
0xc2: {  	(tm) =	ssettm $0x7FFFFFFF  }
0xc3: {  	_ =	shalt  }
tec
execute0_lowered:
.L_overlay_start_1:
0x0: {  	(tag) =	ssettag $0x1  }
0x1: {  	s2 =	rddreg [dreg:$0x0];
	s1 =	srdreg.scid  }
0x2: {  	s0 =	stileid.u32;
	s4 =	rddreg [dreg:$0x1]  }
0x3: {  	s3 =	simm.s32 $0x0;
	s13 =	simm.s32 $0x680;
	s14 =	simm.s32 $0x2E80  }
0x4: {  	s15 =	simm.s32 $0xA0;
	s16 =	simm.s32 $0x5680;
	s17 =	simm.s32 $0xF0  }
0x5: {  	s18 =	simm.s32 $0x7E80;
	s19 =	simm.s32 $0x1;
	s20 =	simm.s32 $0x2  }
0x6: {  	s21 =	simm.s32 $0x3;
	s22 =	simm.s32 $0x4;
	s23 =	simm.s32 $0x0  }
0x7: {  	s7 =	sand.u32 $0x1, s1;
	s5 =	sshll.u32 s0, $0x1;
	s1 =	rddreg [dreg:$0x2]  }
0x8: {  	[smem:$0x7FF] =	sst s3;
	s11 =	smul.u32 $0xC800, s0;
	s5 =	sor.u32 s7, s5  }
0x9: {  	s10 =	sadd.s32 $0x7C00, s4;
	s8 =	ssub.s32 $0x2, s7;
	s6 =	smul.u32 $0x640, s5  }
0xa: {  	_ =	strace $0x80000047;
	s9 =	sshrl.u32 s8, $0x1;
	s5 =	smul.u32 $0x6400, s5  }
0xb: {  	s12 =	smul.u32 $0x6400, s7;
	s8 =	ssub.s32 s8, s9;
	s6 =	sshrl.u32 s6, $0x3  }
0xc: {  	s31 =	sadd.s32 s10, s5;
	s5 =	smax.u32 s8, $0x1;
	s10 =	sadd.s32 s11, s10  }
0xd: {  	s11 =	simm.s32 $0x5;
	s6 =	sadd.s32 s6, s4;
	s7 =	sadd.s32 $0x5500, s31  }
0xe: {  	s8 =	sadd.s32 $0x5A00, s31;
	s9 =	sadd.s32 $0x5F00, s31;
	s10 =	sadd.s32 s12, s10  }
0xf: {  	s12 =	simm.s32 $0x50;
	s4 =	sadd.s32 $0x1800, s6;
	s6 =	sadd.s32 $0x5000, s31  }
.LBB2_1:
0x10: {  	[tilespmem:s3], [sflag:$0x5] =	stream.linear.gather [hbm4b:s4+s3], $0x640, $0x38;
	[tilespmem:$0xA680] =	vst v63  }
0x11: {  	_ =	swait.ge [sflag:s11], $0x640  }
0x12: {  	[sflag:s11] =	ssyncset.done $0x0  }
0x13: {  	[sflag:s11] =	ssyncadd.s32 $0xFFFFF9C0  }
0x14: {  	[tilespmem:s13], [sflag:$0x1] =	stream.indirect.gather [hbm4b:s2+s12], $0x80, s3, s12, $0xb8;
	[tilespmem:$0xA680] =	vst v63  }
0x15: {  	_ = 	snop  }
0x16: {  	[tilespmem:s14], [sflag:$0x2] =	stream.indirect.gather [hbm4b:s2+s12], $0x80, s12, s12, $0xb8;
	[tilespmem:$0xA680] =	vst v63  }
0x17: {  	_ = 	snop  }
0x18: {  	[tilespmem:s16], [sflag:$0x3] =	stream.indirect.gather [hbm4b:s2+s12], $0x80, s15, s12, $0xb8;
	[tilespmem:$0xA680] =	vst v63  }
0x19: {  	_ = 	snop  }
0x1a: {  	[tilespmem:s18], [sflag:$0x4] =	stream.indirect.gather [hbm4b:s2+s12], $0x80, s17, s12, $0xb8;
	[tilespmem:$0xA680] =	vst v63  }
0x1b: {  	_ =	swait.ge [sflag:s19], $0x2800  }
0x1c: {  	[sflag:s19] =	ssyncset.done $0x0  }
0x1d: {  	s24 =	sadd.s32 $0x0, s10;
	[sflag:s19] =	ssyncadd.s32 $0xFFFFD800  }
0x1e: {  	[hbm4b:s24+s3] =	stream.linear.scatter [tilespmem:s13], [sflag:$0x5], $0x2800, $0x38;
	[tilespmem:$0xA680] =	vst v63  }
0x1f: {  	_ =	swait.ge [sflag:s11], $0x2800  }
0x20: {  	[sflag:s11] =	ssyncset.done $0x0  }
0x21: {  	s25 =	simm.s32 $0x140;
	[sflag:s11] =	ssyncadd.s32 $0xFFFFD800  }
0x22: {  	[tilespmem:s13], [sflag:$0x1] =	stream.indirect.gather [hbm4b:s2+s12], $0x80, s25, s12, $0xb8;
	[tilespmem:$0xA680] =	vst v63  }
0x23: {  	_ =	swait.ge [sflag:s20], $0x2800  }
0x24: {  	[sflag:s20] =	ssyncset.done $0x0  }
0x25: {  	s28 =	sadd.s32 $0x500, s24;
	[sflag:s20] =	ssyncadd.s32 $0xFFFFD800  }
0x26: {  	[hbm4b:s28+s3] =	stream.linear.scatter [tilespmem:s14], [sflag:$0x5], $0x2800, $0x38;
	[tilespmem:$0xA680] =	vst v63  }
0x27: {  	_ =	swait.ge [sflag:s11], $0x2800  }
0x28: {  	[sflag:s11] =	ssyncset.done $0x0  }
0x29: {  	s29 =	simm.s32 $0x190;
	[sflag:s11] =	ssyncadd.s32 $0xFFFFD800  }
0x2a: {  	[tilespmem:s14], [sflag:$0x2] =	stream.indirect.gather [hbm4b:s2+s12], $0x80, s29, s12, $0xb8;
	[tilespmem:$0xA680] =	vst v63  }
0x2b: {  	_ =	swait.ge [sflag:s21], $0x2800  }
0x2c: {  	[sflag:s21] =	ssyncset.done $0x0  }
0x2d: {  	s30 =	sadd.s32 $0xA00, s24;
	[sflag:s21] =	ssyncadd.s32 $0xFFFFD800  }
0x2e: {  	[hbm4b:s30+s3] =	stream.linear.scatter [tilespmem:s16], [sflag:$0x5], $0x2800, $0x38;
	[tilespmem:$0xA680] =	vst v63  }
0x2f: {  	_ =	swait.ge [sflag:s11], $0x2800  }
0x30: {  	[sflag:s11] =	ssyncset.done $0x0  }
0x31: {  	s31 =	simm.s32 $0x1E0;
	[sflag:s11] =	ssyncadd.s32 $0xFFFFD800  }
0x32: {  	[tilespmem:s16], [sflag:$0x3] =	stream.indirect.gather [hbm4b:s2+s12], $0x80, s31, s12, $0xb8;
	[tilespmem:$0xA680] =	vst v63  }
0x33: {  	_ =	swait.ge [sflag:s22], $0x2800  }
0x34: {  	[sflag:s22] =	ssyncset.done $0x0  }
0x35: {  	s24 =	sadd.s32 $0xF00, s24;
	[sflag:s22] =	ssyncadd.s32 $0xFFFFD800  }
0x36: {  	[hbm4b:s24+s3] =	stream.linear.scatter [tilespmem:s18], [sflag:$0x5], $0x2800, $0x38;
	[tilespmem:$0xA680] =	vst v63  }
0x37: {  	_ =	swait.ge [sflag:s11], $0x2800  }
0x38: {  	s26 =	simm.s32 $0x370;
	[sflag:s11] =	ssyncset.done $0x0  }
0x39: {  	s25 =	simm.s32 $0x1400;
	s24 =	simm.s32 $0x230;
	[sflag:s11] =	ssyncadd.s32 $0xFFFFD800  }
.LBB2_2:
0x3a: {  	[tilespmem:s18], [sflag:$0x4] =	stream.indirect.gather [hbm4b:s2+s12], $0x80, s24, s12, $0xb8;
	[tilespmem:$0xA680] =	vst v63  }
0x3b: {  	s28 =	smov.u32 s25;
	s24 =	smov.u32 s26  }
0x3c: {  	p0 =	sne.s32 s25, $0x3C00;
	s25 =	sadd.s32 $0x1400, s25;
	_ =	swait.ge [sflag:s19], $0x2800  }
0x3d: {  	[sflag:s19] =	ssyncset.done $0x0  }
0x3e: {  	s28 =	sadd.s32 s28, s10;
	[sflag:s19] =	ssyncadd.s32 $0xFFFFD800  }
0x3f: {  	[hbm4b:s28+s3] =	stream.linear.scatter [tilespmem:s13], [sflag:$0x5], $0x2800, $0x38;
	[tilespmem:$0xA680] =	vst v63  }
0x40: {  	_ =	swait.ge [sflag:s11], $0x2800  }
0x41: {  	[sflag:s11] =	ssyncset.done $0x0  }
0x42: {  	s29 =	sadd.s32 $0xFFFFFF10, s26;
	[sflag:s11] =	ssyncadd.s32 $0xFFFFD800  }
0x43: {  	[tilespmem:s13], [sflag:$0x1] =	stream.indirect.gather [hbm4b:s2+s12], $0x80, s29, s12, $0xb8;
	[tilespmem:$0xA680] =	vst v63  }
0x44: {  	_ =	swait.ge [sflag:s20], $0x2800  }
0x45: {  	[sflag:s20] =	ssyncset.done $0x0  }
0x46: {  	s29 =	sadd.s32 $0x500, s28;
	[sflag:s20] =	ssyncadd.s32 $0xFFFFD800  }
0x47: {  	[hbm4b:s29+s3] =	stream.linear.scatter [tilespmem:s14], [sflag:$0x5], $0x2800, $0x38;
	[tilespmem:$0xA680] =	vst v63  }
0x48: {  	_ =	swait.ge [sflag:s11], $0x2800  }
0x49: {  	[sflag:s11] =	ssyncset.done $0x0  }
0x4a: {  	s29 =	sadd.s32 $0xFFFFFF60, s26;
	[sflag:s11] =	ssyncadd.s32 $0xFFFFD800  }
0x4b: {  	[tilespmem:s14], [sflag:$0x2] =	stream.indirect.gather [hbm4b:s2+s12], $0x80, s29, s12, $0xb8;
	[tilespmem:$0xA680] =	vst v63  }
0x4c: {  	_ =	swait.ge [sflag:s21], $0x2800  }
0x4d: {  	[sflag:s21] =	ssyncset.done $0x0  }
0x4e: {  	s29 =	sadd.s32 $0xA00, s28;
	[sflag:s21] =	ssyncadd.s32 $0xFFFFD800  }
0x4f: {  	[hbm4b:s29+s3] =	stream.linear.scatter [tilespmem:s16], [sflag:$0x5], $0x2800, $0x38;
	[tilespmem:$0xA680] =	vst v63  }
0x50: {  	_ =	swait.ge [sflag:s11], $0x2800  }
0x51: {  	[sflag:s11] =	ssyncset.done $0x0  }
0x52: {  	s29 =	sadd.s32 $0xFFFFFFB0, s26;
	[sflag:s11] =	ssyncadd.s32 $0xFFFFD800  }
0x53: {  	[tilespmem:s16], [sflag:$0x3] =	stream.indirect.gather [hbm4b:s2+s12], $0x80, s29, s12, $0xb8;
	[tilespmem:$0xA680] =	vst v63  }
0x54: {  	_ =	swait.ge [sflag:s22], $0x2800  }
0x55: {  	[sflag:s22] =	ssyncset.done $0x0  }
.Ltmp0:
0x56: {  	s28 =	sadd.s32 $0xF00, s28;
	[sflag:s22] =	ssyncadd.s32 $0xFFFFD800;
	(pc) =	sbr.rel @p0 .LBB2_2-.Ltmp0, $4  }
0x57: {  	[hbm4b:s28+s3] =	stream.linear.scatter [tilespmem:s18], [sflag:$0x5], $0x2800, $0x38;
	[tilespmem:$0xA680] =	vst v63  }
0x58: {  	_ =	swait.ge [sflag:s11], $0x2800  }
0x59: {  	[sflag:s11] =	ssyncset.done $0x0  }
0x5a: {  	s26 =	sadd.s32 $0x140, s26;
	[sflag:s11] =	ssyncadd.s32 $0xFFFFD800  }
0x5b: {  	[tilespmem:s18], [sflag:$0x4] =	stream.indirect.gather [hbm4b:s2+s12], $0x80, s24, s12, $0xb8;
	[tilespmem:$0xA680] =	vst v63  }
0x5c: {  	_ =	swait.ge [sflag:s19], $0x2800  }
0x5d: {  	[sflag:s19] =	ssyncset.done $0x0  }
0x5e: {  	[sflag:s19] =	ssyncadd.s32 $0xFFFFD800  }
0x5f: {  	[hbm4b:s6+s3] =	stream.linear.scatter [tilespmem:s13], [sflag:$0x5], $0x2800, $0x38;
	[tilespmem:$0xA680] =	vst v63  }
0x60: {  	_ =	swait.ge [sflag:s11], $0x2800  }
0x61: {  	[sflag:s11] =	ssyncset.done $0x0  }
0x62: {  	[sflag:s11] =	ssyncadd.s32 $0xFFFFD800  }
0x63: {  	_ =	swait.ge [sflag:s20], $0x2800  }
0x64: {  	[sflag:s20] =	ssyncset.done $0x0  }
0x65: {  	[sflag:s20] =	ssyncadd.s32 $0xFFFFD800  }
0x66: {  	[hbm4b:s7+s3] =	stream.linear.scatter [tilespmem:s14], [sflag:$0x5], $0x2800, $0x38;
	[tilespmem:$0xA680] =	vst v63  }
0x67: {  	_ =	swait.ge [sflag:s11], $0x2800  }
0x68: {  	[sflag:s11] =	ssyncset.done $0x0  }
0x69: {  	[sflag:s11] =	ssyncadd.s32 $0xFFFFD800  }
0x6a: {  	_ =	swait.ge [sflag:s21], $0x2800  }
0x6b: {  	[sflag:s21] =	ssyncset.done $0x0  }
0x6c: {  	[sflag:s21] =	ssyncadd.s32 $0xFFFFD800  }
0x6d: {  	[hbm4b:s8+s3] =	stream.linear.scatter [tilespmem:s16], [sflag:$0x5], $0x2800, $0x38;
	[tilespmem:$0xA680] =	vst v63  }
0x6e: {  	_ =	swait.ge [sflag:s11], $0x2800  }
0x6f: {  	[sflag:s11] =	ssyncset.done $0x0  }
0x70: {  	[sflag:s11] =	ssyncadd.s32 $0xFFFFD800  }
0x71: {  	s23 =	sadd.s32 $0x1, s23;
	_ =	swait.ge [sflag:s22], $0x2800  }
0x72: {  	p0 =	sne.s32 s23, s5;
	[sflag:s22] =	ssyncset.done $0x0  }
.Ltmp1:
0x73: {  	[sflag:s22] =	ssyncadd.s32 $0xFFFFD800;
	(pc) =	sbr.rel @p0 .LBB2_1-.Ltmp1, $4  }
0x74: {  	[hbm4b:s9+s3] =	stream.linear.scatter [tilespmem:s18], [sflag:$0x5], $0x2800, $0x38;
	[tilespmem:$0xA680] =	vst v63  }
0x75: {  	_ =	swait.ge [sflag:s11], $0x2800  }
0x76: {  	[sflag:s11] =	ssyncset.done $0x0  }
0x77: {  	[sflag:s11] =	ssyncadd.s32 $0xFFFFD800  }
0x78: {  	_ =	sfence.sel $0x180000  }
0x79: {  	[bflag:$0x0] =	sbarrier.arrive $0xFFFF  }
0x7a: {  	p0 =	sne.s32 s0, $0x0;
	_ =	strace $0x90000047  }
0x7b: {  	s0 =	sadd.s32 @!p0 $0x100000, s1;
	[bflag:$0x2] =	sbarrier.arrive $0xFFFF  }
0x7c: {  	[sflag:s0] =	ssyncadd.tile.s32 @!p0 $0x1;
	_ =	shalt  }
.Lfunc_end2:
_tile_overlayer_lowered:
.L_overlay_start_2:
0x7d: {  	(tag) =	ssettag $0x2  }
0x7e: {  	s0 =	rddreg [dreg:$0x0];
	s2 =	stileid.u32  }
0x7f: {  	s1 =	rddreg [dreg:$0x1];
	p0 =	sne.s32 s2, $0x0  }
0x80: {  	s3 =	rddreg [dreg:$0x2];
	[bflag:$0x3] =	sbarrier.arrive $0xFFFF;
	s2 =	simm.s32 @!p0 $0x1C05  }
0x81: {  	[timem:s3], [sflag:s2] =	dma.local @!p0 [hbm:s0], s1  }
0x82: {  	s0 =	simm.s32 @!p0 $0x5  }
0x83: {  	_ =	swait.ge @!p0 [sflag:s0], s1  }
0x84: {  	s1 =	ssub.s32 @!p0 $0x0, s1;
	[sflag:s0] =	ssyncset.done @!p0 $0x0  }
0x85: {  	[sflag:s0] =	ssyncadd.s32 @!p0 s1  }
0x86: {  	[bflag:$0x3] =	sbarrier.arrive $0xFFFF  }
0x87: {  	_ =	shalt  }

// kernel: kernel.13.cloned.1.call-start
scs
__scs_entry_jumppad:
0x0: {  	(pc) =	sbr.rel $0x88, $3  }
0x1: {  	(tag) =	ssettag $0x0;
	lr =	simm.s32 $0x1  }
0x2: {  	[smem:$0x3F9A] =	sst lr;
	_ =	strace $0xD0000000  }
0x3: {  	_ = 	snop  }
0x4: {  	_ = 	snop  }
0x5: {  	_ = 	snop  }
0x6: {  	_ = 	snop  }
0x7: {  	_ = 	snop  }
__scs_overlays_trampoline_lowered:
0x8: {  	[smem:$0x3FA9] =	sst s0  }
0x9: {  	[smem:$0x3FAA] =	sst s1  }
0xa: {  	[smem:$0x3FAB] =	sst s2  }
0xb: {  	[smem:$0x3FAC] =	sst s3  }
0xc: {  	[smem:$0x3FAD] =	sst s4  }
0xd: {  	[smem:$0x3FAE] =	sst s5  }
0xe: {  	[smem:$0x3FAF] =	sst s6  }
0xf: {  	[smem:$0x3FB0] =	sst s7  }
0x10: {  	[smem:$0x3FB1] =	sst s8  }
0x11: {  	[smem:$0x3FB2] =	sst s9;
	s0 =	simm.s32 @!p0 $0x0  }
0x12: {  	s1 =	sld [smem:$0x3F98];
	s0 =	simm.s32 @p0 $0x1  }
0x13: {  	[smem:$0x3FB3] =	sst s0;
	s0 =	simm.s32 @!p1 $0x0  }
0x14: {  	s2 =	sld [smem:$0x3F97];
	s0 =	simm.s32 @p1 $0x1  }
0x15: {  	[smem:$0x3FB4] =	sst s0;
	s0 =	simm.s32 @!p2 $0x0  }
0x16: {  	s3 =	sld [smem:$0x3FDB];
	s0 =	simm.s32 @p2 $0x1  }
0x17: {  	s4 =	simm.s32 $0x1BF5;
	[smem:$0x3FB6] =	sst s0  }
0x18: {  	s0 =	sld [smem:$0x3F99];
	_ =	swait.ge [sflag:s4], $0x0  }
0x19: {  	s7 =	sld [smem:$0x3F9A]  }
0x1a: {  	s8 =	sadd.s32 $0xFFFFE003, lr  }
0x1b: {  	s9 =	sadd.s32 $0xFFFFFEF7, lr;
	s5 =	simm.s32 $0xFFFFFFFF;
	p2 =	slt.u32 s8, $0xFFFFF086  }
0x1c: {  	p1 =	slt.u32 s9, $0xF7A;
	s5 =	simm.s32 @!p2 $0x0  }
0x1d: {  	s5 =	simm.s32 @p1 $0x1;
	p0 =	seq.s32 s7, s2  }
0x1e: {  	s7 =	smul.u32 @!p0 $0xF7A, s2;
	p2 =	seq.s32 @!p0 s5, $0x0  }
0x1f: {  	s9 =	smul.u32 $0xF7A, s1;
	s8 =	simm.s32 @!p0 $0x1BF5;
	p2 =	por !p2, p0  }
0x20: {  	[sflag:s8] =	ssyncset.s32 @!p0 $0xFFFFF086;
	s6 =	sadd.s32 @!p0 s3, s7;
	s7 =	simm.s32 @!p0 $0x108  }
0x21: {  	s3 =	sadd.s32 s3, s9;
	s6 =	sadd.s32 @!p0 $0x88, s6;
	s7 =	simm.s32 @p2 $0x1082  }
0x22: {  	[simem:s7], [sflag:s8] =	dma.local @!p0 [hbm:s6], $0xF7A  }
0x23: {  	s9 =	sor.u32 $0xD0000000, s2;
	s6 =	simm.s32 $0x108;
	_ =	swait.ge @!p0 [sflag:s8], $0x0  }
0x24: {  	s3 =	sadd.s32 $0x88, s3;
	s6 =	simm.s32 @!p1 $0x1082;
	[sflag:s4] =	ssyncset.s32 $0xFFFFF086  }
0x25: {  	[simem:s6], [sflag:s4] =	dma.local [hbm:s3], $0xF7A  }
0x26: {  	[smem:$0x3F9A] =	sst s1;
	(tag) =	ssettag s2;
	_ =	strace s9  }
0x27: {  	s1 =	sld [smem:$0x3FAA]  }
0x28: {  	s2 =	sld [smem:$0x3FAB]  }
0x29: {  	s4 =	sld [smem:$0x3FAD]  }
0x2a: {  	p0 =	seq.s32 s5, $0x0;
	s5 =	sld [smem:$0x3FAE]  }
0x2b: {  	s6 =	sld [smem:$0x3FAF]  }
0x2c: {  	s7 =	sld [smem:$0x3FB0]  }
0x2d: {  	s3 =	simm.s32 $0x108;
	s8 =	sld [smem:$0x3FB1]  }
0x2e: {  	s3 =	simm.s32 @!p0 $0x1082;
	s9 =	sld [smem:$0x3FB2]  }
0x2f: {  	lr =	sadd.s32 s0, s3;
	s0 =	sld [smem:$0x3FA9]  }
0x30: {  	s3 =	sld [smem:$0x3FAC]  }
0x31: {  	[smem:$0x3FB5] =	sst s10  }
0x32: {  	s10 =	sld [smem:$0x3FB3];
	_ =	sdelay $0x3  }
0x33: {  	p0 =	seq.s32 s10, $0x1;
	s10 =	sld [smem:$0x3FB5];
	_ =	sdelay $0x3  }
0x34: {  	[smem:$0x3FB5] =	sst s10  }
0x35: {  	s10 =	sld [smem:$0x3FB4];
	_ =	sdelay $0x3  }
0x36: {  	p1 =	seq.s32 s10, $0x1;
	s10 =	sld [smem:$0x3FB5];
	_ =	sdelay $0x3  }
0x37: {  	[smem:$0x3FB5] =	sst s10  }
0x38: {  	s10 =	sld [smem:$0x3FB6]  }
0x39: {  	_ = 	snop;
	(pc) =	sbr.ind lr, $3  }
0x3a: {  	_ = 	snop  }
0x3b: {  	_ = 	snop  }
0x3c: {  	p2 =	seq.s32 s10, $0x1;
	s10 =	sld [smem:$0x3FB5]  }
0x3d: {  	_ =	shalt  }
0x3e: {  	_ =	shalt  }
0x3f: {  	_ =	shalt  }
0x40: {  	_ =	shalt  }
0x41: {  	_ =	shalt  }
0x42: {  	_ =	shalt  }
0x43: {  	_ =	shalt  }
0x44: {  	_ =	shalt  }
0x45: {  	_ =	shalt  }
0x46: {  	_ =	shalt  }
0x47: {  	_ =	shalt  }
0x48: {  	_ =	shalt  }
0x49: {  	_ =	shalt  }
0x4a: {  	_ =	shalt  }
0x4b: {  	_ =	shalt  }
0x4c: {  	_ =	shalt  }
0x4d: {  	_ =	shalt  }
0x4e: {  	_ =	shalt  }
0x4f: {  	_ =	shalt  }
0x50: {  	_ =	shalt  }
0x51: {  	_ =	shalt  }
0x52: {  	_ =	shalt  }
0x53: {  	_ =	shalt  }
0x54: {  	_ =	shalt  }
0x55: {  	_ =	shalt  }
0x56: {  	_ =	shalt  }
0x57: {  	_ =	shalt  }
0x58: {  	_ =	shalt  }
0x59: {  	_ =	shalt  }
0x5a: {  	_ =	shalt  }
0x5b: {  	_ =	shalt  }
0x5c: {  	_ =	shalt  }
0x5d: {  	_ =	shalt  }
0x5e: {  	_ =	shalt  }
0x5f: {  	_ =	shalt  }
0x60: {  	_ =	shalt  }
0x61: {  	_ =	shalt  }
0x62: {  	_ =	shalt  }
0x63: {  	_ =	shalt  }
0x64: {  	_ =	shalt  }
0x65: {  	_ =	shalt  }
0x66: {  	_ =	shalt  }
0x67: {  	_ =	shalt  }
0x68: {  	_ =	shalt  }
0x69: {  	_ =	shalt  }
0x6a: {  	_ =	shalt  }
0x6b: {  	_ =	shalt  }
0x6c: {  	_ =	shalt  }
0x6d: {  	_ =	shalt  }
0x6e: {  	_ =	shalt  }
0x6f: {  	_ =	shalt  }
0x70: {  	_ =	shalt  }
0x71: {  	_ =	shalt  }
0x72: {  	_ =	shalt  }
0x73: {  	_ =	shalt  }
0x74: {  	_ =	shalt  }
0x75: {  	_ =	shalt  }
0x76: {  	_ =	shalt  }
0x77: {  	_ =	shalt  }
0x78: {  	_ =	shalt  }
0x79: {  	_ =	shalt  }
0x7a: {  	_ =	shalt  }
0x7b: {  	_ =	shalt  }
0x7c: {  	_ =	shalt  }
0x7d: {  	_ =	shalt  }
0x7e: {  	_ =	shalt  }
0x7f: {  	_ =	shalt  }
0x80: {  	_ =	shalt  }
0x81: {  	_ =	shalt  }
0x82: {  	_ =	shalt  }
0x83: {  	_ =	shalt  }
0x84: {  	_ =	shalt  }
0x85: {  	_ =	shalt  }
0x86: {  	_ =	shalt  }
0x87: {  	_ =	shalt  }
.Lfunc_end0:
.L_simem_size_0:
called_computation.1_lowered:
.L_overlay_start_0:
0x88: {  	s2 =	sld [smem:$0x3FD9]  }
0x89: {  	s3 =	sld [smem:$0x3FFE];
	_ =	sdelay $0x1  }
0x8a: {  	s1 =	srdreg.scid  }
0x8b: {  	s0 =	sand.u32 $0x1, s1  }
0x8c: {  	s17 =	sshll.u32 s0, $0xA;
	s2 =	sadd.s32 s3, s2  }
0x8d: {  	s2 =	sadd.s32 s2, s17  }
0x8e: {  	[smem:$0x3FC1] =	sst s2  }
0x8f: {  	_ = 	snop  }
0x90: {  	s18 =	sld [smem:$0x3FC7];
	(tm) =	ssettm $0x1  }
0x91: {  	s19 =	sld [smem:$0x3FFB];
	_ =	sdelay $0x3  }
0x92: {  	_ =	strace s19  }
0x93: {  	s2 =	sld [smem:$0x3FFC];
	_ =	sdelay $0x3  }
0x94: {  	_ =	strace s2  }
0x95: {  	s2 =	sld [smem:$0x3FFD];
	_ =	sdelay $0x3  }
0x96: {  	_ =	strace s2  }
0x97: {  	_ =	strace $0x8FFFFFFF  }
0x98: {  	s20 =	sld [smem:$0x3FDB];
	_ =	sdelay $0x1  }
0x99: {  	s4 =	simm.s32 $_scs_section_size  }
0x9a: {  	s5 =	simm.s32 $_size__tile_overlayer_lowered;
	s6 =	simm.s32 $_tile_overlayer_lowered  }
0x9b: {  	s7 =	simm.s32 $0x1BFF;
	s21 =	sshll.u32 s6, $0x1;
	s4 =	sadd.s32 s4, s20  }
0x9c: {  	s22 =	simm.s32 $0x0;
	s5 =	sshll.u32 s5, $0x1;
	s6 =	sadd.s32 s21, s4  }
0x9d: {  	[timem:s22], [sflag:s7] =	dma.local [hbm:s6], s5  }
0x9e: {  	_ =	swait.ge [sflag:s7], s5  }
0x9f: {  	s5 =	ssub.s32 $0x0, s5;
	[sflag:s7] =	ssyncset.done $0x0  }
0xa0: {  	[sflag:s7] =	ssyncadd.s32 s5;
	_ =	sdelay $0x1  }
0xa1: {  	s23 =	simm.s32 $0x1B8B  }
0xa2: {  	_ =	swait.ge [sflag:s23], $0x1  }
0xa3: {  	[sflag:s23] =	ssyncset.done $0x0  }
0xa4: {  	[sflag:s23] =	ssyncadd.s32 $0xFFFFFFFF  }
0xa5: {  	s5 =	sld [smem:$0x0]  }
0xa6: {  	s6 =	sand.u32 $0xFFFFFFFE, s1  }
0xa7: {  	p0 =	sne.s32 s1, s6  }
0xa8: {  	s6 =	sshll.u32 @p0 s6, $0xE  }
0xa9: {  	s6 =	sadd.s32 @p0 $0x11B8D, s6;
	s7 =	sshll.u32 @p0 s5, $0x11  }
0xaa: {  	s6 =	sor.u32 @p0 s7, s6  }
0xab: {  	[sflag:s6] =	ssyncadd.remote.s32 @p0 $0x1;
	_ =	sdelay $0x1  }
0xac: {  	s6 =	simm.s32 @p0 $0x1B8D  }
0xad: {  	_ =	swait.eq @p0 [sflag:s6], $0x1  }
0xae: {  	[sflag:s6] =	ssyncadd.s32 @p0 $0xFFFFFFFF  }
0xaf: {  	s7 =	sshll.u32 @!p0 s1, $0xE  }
0xb0: {  	s7 =	sor.u32 @!p0 $0x4000, s7;
	s6 =	simm.s32 @!p0 $0x1B8D  }
0xb1: {  	s5 =	sshll.u32 @!p0 s5, $0x11;
	s7 =	sadd.s32 @!p0 $0x11B8D, s7;
	_ =	swait.eq @!p0 [sflag:s6], $0x1  }
0xb2: {  	s5 =	sor.u32 @!p0 s5, s7;
	[sflag:s6] =	ssyncadd.s32 @!p0 $0xFFFFFFFF  }
0xb3: {  	s25 =	simm.s32 $0x1B8E;
	s24 =	sld [smem:$0x3FFE];
	[sflag:s5] =	ssyncadd.remote.s32 @!p0 $0x1  }
0xb4: {  	s26 =	simm.s32 $execute0_lowered;
	[smem:$0x3FD2] =	sst s25  }
0xb5: {  	s6 =	sshll.u32 s26, $0x1;
	_ =	strace $0x80000049;
	[dreg:$0x1] =	wrdreg $0xFFFFFFFF  }
0xb6: {  	s28 =	simm.s32 $_size_execute0_lowered;
	s4 =	sadd.s32 s4, s6;
	[dreg:$0x0] =	wrdreg $0x0  }
0xb7: {  	s6 =	sshll.u32 s28, $0x1;
	[dreg:$0x2] =	wrdreg s4  }
0xb8: {  	[dreg:$0x3] =	wrdreg s6  }
0xb9: {  	[dreg:$0x4] =	wrdreg $0xC0  }
0xba: {  	_ =	task [dreg:s22], $0x5FFFF  }
0xbb: {  	[dreg:$0x1] =	wrdreg $0xFFFFFFFF  }
0xbc: {  	[dreg:$0x0] =	wrdreg $0x60  }
0xbd: {  	[dreg:$0x2] =	wrdreg s18  }
0xbe: {  	[dreg:$0x3] =	wrdreg s24  }
0xbf: {  	[dreg:$0x4] =	wrdreg $0xA  }
0xc0: {  	_ =	task.clear_ibuf [dreg:s22], $0x5FFFF;
	_ =	strace $0x90000049  }
0xc1: {  	s29 =	simm.s32 $0xA;
	_ =	strace $0x8000004B  }
0xc2: {  	_ =	swait.ge [sflag:s29], $0x1  }
0xc3: {  	[sflag:s29] =	ssyncadd.s32 $0xFFFFFFFF  }
0xc4: {  	_ =	strace $0x9000004B  }
0xc5: {  	_ =	sfence  }
0xc6: {  	s30 =	sld [smem:$0x0];
	_ =	sdelay $0x2  }
0xc7: {  	s31 =	sshll.u32 s1, $0xD;
	s1 =	sshrl.u32 s1, $0x2  }
0xc8: {  	s4 =	sand.u32 $0x4000, s31;
	s1 =	sadd.s32 s1, s30  }
0xc9: {  	s0 =	sor.u32 s4, s0;
	s1 =	sshll.u32 s1, $0x11  }
0xca: {  	s0 =	sor.u32 s1, s0  }
0xcb: {  	s0 =	sadd.s32 $0x8F2B, s0  }
0xcc: {  	[sflag:s0] =	ssyncadd.remote.s32 $0x1  }
0xcd: {  	_ =	sfence.sel $0xFFFF  }
0xce: {  	[dreg:$0x0] =	wrdreg $0xFFFFFFFF;
	(pc) =	sbr.abs _section_cstart, $3  }
0xcf: {  	[dreg:$0x1] =	wrdreg $0xFFFFFFFF  }
0xd0: {  	_ =	task.clear_ibuf [dreg:s22], $0x2FFFF;
	_ =	strace $0x9FFFFFFF  }
0xd1: {  	(tm) =	ssettm $0x7FFFFFFF  }
tec
execute0_lowered:
.L_overlay_start_1:
0x0: {  	(tag) =	ssettag $0x1  }
0x1: {  	s2 =	rddreg [dreg:$0x0];
	s1 =	srdreg.scid  }
0x2: {  	s0 =	stileid.u32;
	s4 =	rddreg [dreg:$0x1]  }
0x3: {  	s3 =	simm.s32 $0x0;
	s13 =	simm.s32 $0x680;
	s14 =	simm.s32 $0x2E80  }
0x4: {  	s15 =	simm.s32 $0xA0;
	s16 =	simm.s32 $0x5680;
	s17 =	simm.s32 $0xF0  }
0x5: {  	s18 =	simm.s32 $0x7E80;
	s19 =	simm.s32 $0x1;
	s20 =	simm.s32 $0x2  }
0x6: {  	s21 =	simm.s32 $0x3;
	s22 =	simm.s32 $0x4;
	s23 =	simm.s32 $0x0  }
0x7: {  	s7 =	sand.u32 $0x1, s1;
	s5 =	sshll.u32 s0, $0x1;
	s1 =	rddreg [dreg:$0x2]  }
0x8: {  	[smem:$0x7FF] =	sst s3;
	s11 =	smul.u32 $0xC800, s0;
	s5 =	sor.u32 s7, s5  }
0x9: {  	s10 =	sadd.s32 $0xCFC00, s4;
	s8 =	ssub.s32 $0x2, s7;
	s6 =	smul.u32 $0x640, s5  }
0xa: {  	_ =	strace $0x8000004A;
	s9 =	sshrl.u32 s8, $0x1;
	s5 =	smul.u32 $0x6400, s5  }
0xb: {  	s12 =	smul.u32 $0x6400, s7;
	s8 =	ssub.s32 s8, s9;
	s6 =	sshrl.u32 s6, $0x3  }
0xc: {  	s31 =	sadd.s32 s10, s5;
	s5 =	smax.u32 s8, $0x1;
	s10 =	sadd.s32 s11, s10  }
0xd: {  	s11 =	simm.s32 $0x5;
	s4 =	sadd.s32 s4, s6;
	s6 =	sadd.s32 $0x5000, s31  }
0xe: {  	s7 =	sadd.s32 $0x5500, s31;
	s8 =	sadd.s32 $0x5A00, s31;
	s9 =	sadd.s32 $0x5F00, s31  }
0xf: {  	s10 =	sadd.s32 s12, s10;
	s12 =	simm.s32 $0x50;
	s4 =	sadd.s32 $0x3100, s4  }
.LBB2_1:
0x10: {  	[tilespmem:s3], [sflag:$0x5] =	stream.linear.gather [hbm4b:s4+s3], $0x640, $0x38;
	[tilespmem:$0xA680] =	vst v63  }
0x11: {  	_ =	swait.ge [sflag:s11], $0x640  }
0x12: {  	[sflag:s11] =	ssyncset.done $0x0  }
0x13: {  	[sflag:s11] =	ssyncadd.s32 $0xFFFFF9C0  }
0x14: {  	[tilespmem:s13], [sflag:$0x1] =	stream.indirect.gather [hbm4b:s2+s12], $0x80, s3, s12, $0xb8;
	[tilespmem:$0xA680] =	vst v63  }
0x15: {  	_ = 	snop  }
0x16: {  	[tilespmem:s14], [sflag:$0x2] =	stream.indirect.gather [hbm4b:s2+s12], $0x80, s12, s12, $0xb8;
	[tilespmem:$0xA680] =	vst v63  }
0x17: {  	_ = 	snop  }
0x18: {  	[tilespmem:s16], [sflag:$0x3] =	stream.indirect.gather [hbm4b:s2+s12], $0x80, s15, s12, $0xb8;
	[tilespmem:$0xA680] =	vst v63  }
0x19: {  	_ = 	snop  }
0x1a: {  	[tilespmem:s18], [sflag:$0x4] =	stream.indirect.gather [hbm4b:s2+s12], $0x80, s17, s12, $0xb8;
	[tilespmem:$0xA680] =	vst v63  }
0x1b: {  	_ =	swait.ge [sflag:s19], $0x2800  }
0x1c: {  	[sflag:s19] =	ssyncset.done $0x0  }
0x1d: {  	s24 =	sadd.s32 $0x0, s10;
	[sflag:s19] =	ssyncadd.s32 $0xFFFFD800  }
0x1e: {  	[hbm4b:s24+s3] =	stream.linear.scatter [tilespmem:s13], [sflag:$0x5], $0x2800, $0x38;
	[tilespmem:$0xA680] =	vst v63  }
0x1f: {  	_ =	swait.ge [sflag:s11], $0x2800  }
0x20: {  	[sflag:s11] =	ssyncset.done $0x0  }
0x21: {  	s25 =	simm.s32 $0x140;
	[sflag:s11] =	ssyncadd.s32 $0xFFFFD800  }
0x22: {  	[tilespmem:s13], [sflag:$0x1] =	stream.indirect.gather [hbm4b:s2+s12], $0x80, s25, s12, $0xb8;
	[tilespmem:$0xA680] =	vst v63  }
0x23: {  	_ =	swait.ge [sflag:s20], $0x2800  }
0x24: {  	[sflag:s20] =	ssyncset.done $0x0  }
0x25: {  	s28 =	sadd.s32 $0x500, s24;
	[sflag:s20] =	ssyncadd.s32 $0xFFFFD800  }
0x26: {  	[hbm4b:s28+s3] =	stream.linear.scatter [tilespmem:s14], [sflag:$0x5], $0x2800, $0x38;
	[tilespmem:$0xA680] =	vst v63  }
0x27: {  	_ =	swait.ge [sflag:s11], $0x2800  }
0x28: {  	[sflag:s11] =	ssyncset.done $0x0  }
0x29: {  	s29 =	simm.s32 $0x190;
	[sflag:s11] =	ssyncadd.s32 $0xFFFFD800  }
0x2a: {  	[tilespmem:s14], [sflag:$0x2] =	stream.indirect.gather [hbm4b:s2+s12], $0x80, s29, s12, $0xb8;
	[tilespmem:$0xA680] =	vst v63  }
0x2b: {  	_ =	swait.ge [sflag:s21], $0x2800  }
0x2c: {  	[sflag:s21] =	ssyncset.done $0x0  }
0x2d: {  	s30 =	sadd.s32 $0xA00, s24;
	[sflag:s21] =	ssyncadd.s32 $0xFFFFD800  }
0x2e: {  	[hbm4b:s30+s3] =	stream.linear.scatter [tilespmem:s16], [sflag:$0x5], $0x2800, $0x38;
	[tilespmem:$0xA680] =	vst v63  }
0x2f: {  	_ =	swait.ge [sflag:s11], $0x2800  }
0x30: {  	[sflag:s11] =	ssyncset.done $0x0  }
0x31: {  	s31 =	simm.s32 $0x1E0;
	[sflag:s11] =	ssyncadd.s32 $0xFFFFD800  }
0x32: {  	[tilespmem:s16], [sflag:$0x3] =	stream.indirect.gather [hbm4b:s2+s12], $0x80, s31, s12, $0xb8;
	[tilespmem:$0xA680] =	vst v63  }
0x33: {  	_ =	swait.ge [sflag:s22], $0x2800  }
0x34: {  	[sflag:s22] =	ssyncset.done $0x0  }
0x35: {  	s24 =	sadd.s32 $0xF00, s24;
	[sflag:s22] =	ssyncadd.s32 $0xFFFFD800  }
0x36: {  	[hbm4b:s24+s3] =	stream.linear.scatter [tilespmem:s18], [sflag:$0x5], $0x2800, $0x38;
	[tilespmem:$0xA680] =	vst v63  }
0x37: {  	_ =	swait.ge [sflag:s11], $0x2800  }
0x38: {  	s26 =	simm.s32 $0x370;
	[sflag:s11] =	ssyncset.done $0x0  }
0x39: {  	s25 =	simm.s32 $0x1400;
	s24 =	simm.s32 $0x230;
	[sflag:s11] =	ssyncadd.s32 $0xFFFFD800  }
.LBB2_2:
0x3a: {  	[tilespmem:s18], [sflag:$0x4] =	stream.indirect.gather [hbm4b:s2+s12], $0x80, s24, s12, $0xb8;
	[tilespmem:$0xA680] =	vst v63  }
0x3b: {  	s28 =	smov.u32 s25;
	s24 =	smov.u32 s26  }
0x3c: {  	p0 =	sne.s32 s25, $0x3C00;
	s25 =	sadd.s32 $0x1400, s25;
	_ =	swait.ge [sflag:s19], $0x2800  }
0x3d: {  	[sflag:s19] =	ssyncset.done $0x0  }
0x3e: {  	s28 =	sadd.s32 s28, s10;
	[sflag:s19] =	ssyncadd.s32 $0xFFFFD800  }
0x3f: {  	[hbm4b:s28+s3] =	stream.linear.scatter [tilespmem:s13], [sflag:$0x5], $0x2800, $0x38;
	[tilespmem:$0xA680] =	vst v63  }
0x40: {  	_ =	swait.ge [sflag:s11], $0x2800  }
0x41: {  	[sflag:s11] =	ssyncset.done $0x0  }
0x42: {  	s29 =	sadd.s32 $0xFFFFFF10, s26;
	[sflag:s11] =	ssyncadd.s32 $0xFFFFD800  }
0x43: {  	[tilespmem:s13], [sflag:$0x1] =	stream.indirect.gather [hbm4b:s2+s12], $0x80, s29, s12, $0xb8;
	[tilespmem:$0xA680] =	vst v63  }
0x44: {  	_ =	swait.ge [sflag:s20], $0x2800  }
0x45: {  	[sflag:s20] =	ssyncset.done $0x0  }
0x46: {  	s29 =	sadd.s32 $0x500, s28;
	[sflag:s20] =	ssyncadd.s32 $0xFFFFD800  }
0x47: {  	[hbm4b:s29+s3] =	stream.linear.scatter [tilespmem:s14], [sflag:$0x5], $0x2800, $0x38;
	[tilespmem:$0xA680] =	vst v63  }
0x48: {  	_ =	swait.ge [sflag:s11], $0x2800  }
0x49: {  	[sflag:s11] =	ssyncset.done $0x0  }
0x4a: {  	s29 =	sadd.s32 $0xFFFFFF60, s26;
	[sflag:s11] =	ssyncadd.s32 $0xFFFFD800  }
0x4b: {  	[tilespmem:s14], [sflag:$0x2] =	stream.indirect.gather [hbm4b:s2+s12], $0x80, s29, s12, $0xb8;
	[tilespmem:$0xA680] =	vst v63  }
0x4c: {  	_ =	swait.ge [sflag:s21], $0x2800  }
0x4d: {  	[sflag:s21] =	ssyncset.done $0x0  }
0x4e: {  	s29 =	sadd.s32 $0xA00, s28;
	[sflag:s21] =	ssyncadd.s32 $0xFFFFD800  }
0x4f: {  	[hbm4b:s29+s3] =	stream.linear.scatter [tilespmem:s16], [sflag:$0x5], $0x2800, $0x38;
	[tilespmem:$0xA680] =	vst v63  }
0x50: {  	_ =	swait.ge [sflag:s11], $0x2800  }
0x51: {  	[sflag:s11] =	ssyncset.done $0x0  }
0x52: {  	s29 =	sadd.s32 $0xFFFFFFB0, s26;
	[sflag:s11] =	ssyncadd.s32 $0xFFFFD800  }
0x53: {  	[tilespmem:s16], [sflag:$0x3] =	stream.indirect.gather [hbm4b:s2+s12], $0x80, s29, s12, $0xb8;
	[tilespmem:$0xA680] =	vst v63  }
0x54: {  	_ =	swait.ge [sflag:s22], $0x2800  }
0x55: {  	[sflag:s22] =	ssyncset.done $0x0  }
.Ltmp0:
0x56: {  	s28 =	sadd.s32 $0xF00, s28;
	[sflag:s22] =	ssyncadd.s32 $0xFFFFD800;
	(pc) =	sbr.rel @p0 .LBB2_2-.Ltmp0, $4  }
0x57: {  	[hbm4b:s28+s3] =	stream.linear.scatter [tilespmem:s18], [sflag:$0x5], $0x2800, $0x38;
	[tilespmem:$0xA680] =	vst v63  }
0x58: {  	_ =	swait.ge [sflag:s11], $0x2800  }
0x59: {  	[sflag:s11] =	ssyncset.done $0x0  }
0x5a: {  	s26 =	sadd.s32 $0x140, s26;
	[sflag:s11] =	ssyncadd.s32 $0xFFFFD800  }
0x5b: {  	[tilespmem:s18], [sflag:$0x4] =	stream.indirect.gather [hbm4b:s2+s12], $0x80, s24, s12, $0xb8;
	[tilespmem:$0xA680] =	vst v63  }
0x5c: {  	_ =	swait.ge [sflag:s19], $0x2800  }
0x5d: {  	[sflag:s19] =	ssyncset.done $0x0  }
0x5e: {  	[sflag:s19] =	ssyncadd.s32 $0xFFFFD800  }
0x5f: {  	[hbm4b:s6+s3] =	stream.linear.scatter [tilespmem:s13], [sflag:$0x5], $0x2800, $0x38;
	[tilespmem:$0xA680] =	vst v63  }
0x60: {  	_ =	swait.ge [sflag:s11], $0x2800  }
0x61: {  	[sflag:s11] =	ssyncset.done $0x0  }
0x62: {  	[sflag:s11] =	ssyncadd.s32 $0xFFFFD800  }
0x63: {  	_ =	swait.ge [sflag:s20], $0x2800  }
0x64: {  	[sflag:s20] =	ssyncset.done $0x0  }
0x65: {  	[sflag:s20] =	ssyncadd.s32 $0xFFFFD800  }
0x66: {  	[hbm4b:s7+s3] =	stream.linear.scatter [tilespmem:s14], [sflag:$0x5], $0x2800, $0x38;
	[tilespmem:$0xA680] =	vst v63  }
0x67: {  	_ =	swait.ge [sflag:s11], $0x2800  }
0x68: {  	[sflag:s11] =	ssyncset.done $0x0  }
0x69: {  	[sflag:s11] =	ssyncadd.s32 $0xFFFFD800  }
0x6a: {  	_ =	swait.ge [sflag:s21], $0x2800  }
0x6b: {  	[sflag:s21] =	ssyncset.done $0x0  }
0x6c: {  	[sflag:s21] =	ssyncadd.s32 $0xFFFFD800  }
0x6d: {  	[hbm4b:s8+s3] =	stream.linear.scatter [tilespmem:s16], [sflag:$0x5], $0x2800, $0x38;
	[tilespmem:$0xA680] =	vst v63  }
0x6e: {  	_ =	swait.ge [sflag:s11], $0x2800  }
0x6f: {  	[sflag:s11] =	ssyncset.done $0x0  }
0x70: {  	[sflag:s11] =	ssyncadd.s32 $0xFFFFD800  }
0x71: {  	s23 =	sadd.s32 $0x1, s23;
	_ =	swait.ge [sflag:s22], $0x2800  }
0x72: {  	p0 =	sne.s32 s23, s5;
	[sflag:s22] =	ssyncset.done $0x0  }
.Ltmp1:
0x73: {  	[sflag:s22] =	ssyncadd.s32 $0xFFFFD800;
	(pc) =	sbr.rel @p0 .LBB2_1-.Ltmp1, $4  }
0x74: {  	[hbm4b:s9+s3] =	stream.linear.scatter [tilespmem:s18], [sflag:$0x5], $0x2800, $0x38;
	[tilespmem:$0xA680] =	vst v63  }
0x75: {  	_ =	swait.ge [sflag:s11], $0x2800  }
0x76: {  	[sflag:s11] =	ssyncset.done $0x0  }
0x77: {  	[sflag:s11] =	ssyncadd.s32 $0xFFFFD800  }
0x78: {  	_ =	sfence.sel $0x180000  }
0x79: {  	[bflag:$0x0] =	sbarrier.arrive $0xFFFF  }
0x7a: {  	p0 =	sne.s32 s0, $0x0;
	_ =	strace $0x9000004A  }
0x7b: {  	s0 =	sadd.s32 @!p0 $0x100000, s1;
	[bflag:$0x2] =	sbarrier.arrive $0xFFFF  }
0x7c: {  	[sflag:s0] =	ssyncadd.tile.s32 @!p0 $0x1;
	_ =	shalt  }
.Lfunc_end2:
_tile_overlayer_lowered:
.L_overlay_start_2:
0x7d: {  	(tag) =	ssettag $0x2  }
0x7e: {  	s0 =	rddreg [dreg:$0x0];
	s2 =	stileid.u32  }
0x7f: {  	s1 =	rddreg [dreg:$0x1];
	p0 =	sne.s32 s2, $0x0  }
0x80: {  	s3 =	rddreg [dreg:$0x2];
	[bflag:$0x3] =	sbarrier.arrive $0xFFFF;
	s2 =	simm.s32 @!p0 $0x1C05  }
0x81: {  	[timem:s3], [sflag:s2] =	dma.local @!p0 [hbm:s0], s1  }
0x82: {  	s0 =	simm.s32 @!p0 $0x5  }
0x83: {  	_ =	swait.ge @!p0 [sflag:s0], s1  }
0x84: {  	s1 =	ssub.s32 @!p0 $0x0, s1;
	[sflag:s0] =	ssyncset.done @!p0 $0x0  }
0x85: {  	[sflag:s0] =	ssyncadd.s32 @!p0 s1  }
0x86: {  	[bflag:$0x3] =	sbarrier.arrive $0xFFFF  }
0x87: {  	_ =	shalt  }

// kernel: kernel.16.cloned.1.call-start
scs
__scs_entry_jumppad:
0x0: {  	(pc) =	sbr.rel $0x88, $3  }
0x1: {  	(tag) =	ssettag $0x0;
	lr =	simm.s32 $0x1  }
0x2: {  	[smem:$0x3F9A] =	sst lr;
	_ =	strace $0xD0000000  }
0x3: {  	_ = 	snop  }
0x4: {  	_ = 	snop  }
0x5: {  	_ = 	snop  }
0x6: {  	_ = 	snop  }
0x7: {  	_ = 	snop  }
__scs_overlays_trampoline_lowered:
0x8: {  	[smem:$0x3FA9] =	sst s0  }
0x9: {  	[smem:$0x3FAA] =	sst s1  }
0xa: {  	[smem:$0x3FAB] =	sst s2  }
0xb: {  	[smem:$0x3FAC] =	sst s3  }
0xc: {  	[smem:$0x3FAD] =	sst s4  }
0xd: {  	[smem:$0x3FAE] =	sst s5  }
0xe: {  	[smem:$0x3FAF] =	sst s6  }
0xf: {  	[smem:$0x3FB0] =	sst s7  }
0x10: {  	[smem:$0x3FB1] =	sst s8  }
0x11: {  	[smem:$0x3FB2] =	sst s9;
	s0 =	simm.s32 @!p0 $0x0  }
0x12: {  	s1 =	sld [smem:$0x3F98];
	s0 =	simm.s32 @p0 $0x1  }
0x13: {  	[smem:$0x3FB3] =	sst s0;
	s0 =	simm.s32 @!p1 $0x0  }
0x14: {  	s2 =	sld [smem:$0x3F97];
	s0 =	simm.s32 @p1 $0x1  }
0x15: {  	[smem:$0x3FB4] =	sst s0;
	s0 =	simm.s32 @!p2 $0x0  }
0x16: {  	s3 =	sld [smem:$0x3FDB];
	s0 =	simm.s32 @p2 $0x1  }
0x17: {  	s4 =	simm.s32 $0x1BF5;
	[smem:$0x3FB6] =	sst s0  }
0x18: {  	s0 =	sld [smem:$0x3F99];
	_ =	swait.ge [sflag:s4], $0x0  }
0x19: {  	s7 =	sld [smem:$0x3F9A]  }
0x1a: {  	s8 =	sadd.s32 $0xFFFFE003, lr  }
0x1b: {  	s9 =	sadd.s32 $0xFFFFFEF7, lr;
	s5 =	simm.s32 $0xFFFFFFFF;
	p2 =	slt.u32 s8, $0xFFFFF086  }
0x1c: {  	p1 =	slt.u32 s9, $0xF7A;
	s5 =	simm.s32 @!p2 $0x0  }
0x1d: {  	s5 =	simm.s32 @p1 $0x1;
	p0 =	seq.s32 s7, s2  }
0x1e: {  	s7 =	smul.u32 @!p0 $0xF7A, s2;
	p2 =	seq.s32 @!p0 s5, $0x0  }
0x1f: {  	s9 =	smul.u32 $0xF7A, s1;
	s8 =	simm.s32 @!p0 $0x1BF5;
	p2 =	por !p2, p0  }
0x20: {  	[sflag:s8] =	ssyncset.s32 @!p0 $0xFFFFF086;
	s6 =	sadd.s32 @!p0 s3, s7;
	s7 =	simm.s32 @!p0 $0x108  }
0x21: {  	s3 =	sadd.s32 s3, s9;
	s6 =	sadd.s32 @!p0 $0x88, s6;
	s7 =	simm.s32 @p2 $0x1082  }
0x22: {  	[simem:s7], [sflag:s8] =	dma.local @!p0 [hbm:s6], $0xF7A  }
0x23: {  	s9 =	sor.u32 $0xD0000000, s2;
	s6 =	simm.s32 $0x108;
	_ =	swait.ge @!p0 [sflag:s8], $0x0  }
0x24: {  	s3 =	sadd.s32 $0x88, s3;
	s6 =	simm.s32 @!p1 $0x1082;
	[sflag:s4] =	ssyncset.s32 $0xFFFFF086  }
0x25: {  	[simem:s6], [sflag:s4] =	dma.local [hbm:s3], $0xF7A  }
0x26: {  	[smem:$0x3F9A] =	sst s1;
	(tag) =	ssettag s2;
	_ =	strace s9  }
0x27: {  	s1 =	sld [smem:$0x3FAA]  }
0x28: {  	s2 =	sld [smem:$0x3FAB]  }
0x29: {  	s4 =	sld [smem:$0x3FAD]  }
0x2a: {  	p0 =	seq.s32 s5, $0x0;
	s5 =	sld [smem:$0x3FAE]  }
0x2b: {  	s6 =	sld [smem:$0x3FAF]  }
0x2c: {  	s7 =	sld [smem:$0x3FB0]  }
0x2d: {  	s3 =	simm.s32 $0x108;
	s8 =	sld [smem:$0x3FB1]  }
0x2e: {  	s3 =	simm.s32 @!p0 $0x1082;
	s9 =	sld [smem:$0x3FB2]  }
0x2f: {  	lr =	sadd.s32 s0, s3;
	s0 =	sld [smem:$0x3FA9]  }
0x30: {  	s3 =	sld [smem:$0x3FAC]  }
0x31: {  	[smem:$0x3FB5] =	sst s10  }
0x32: {  	s10 =	sld [smem:$0x3FB3];
	_ =	sdelay $0x3  }
0x33: {  	p0 =	seq.s32 s10, $0x1;
	s10 =	sld [smem:$0x3FB5];
	_ =	sdelay $0x3  }
0x34: {  	[smem:$0x3FB5] =	sst s10  }
0x35: {  	s10 =	sld [smem:$0x3FB4];
	_ =	sdelay $0x3  }
0x36: {  	p1 =	seq.s32 s10, $0x1;
	s10 =	sld [smem:$0x3FB5];
	_ =	sdelay $0x3  }
0x37: {  	[smem:$0x3FB5] =	sst s10  }
0x38: {  	s10 =	sld [smem:$0x3FB6]  }
0x39: {  	_ = 	snop;
	(pc) =	sbr.ind lr, $3  }
0x3a: {  	_ = 	snop  }
0x3b: {  	_ = 	snop  }
0x3c: {  	p2 =	seq.s32 s10, $0x1;
	s10 =	sld [smem:$0x3FB5]  }
0x3d: {  	_ =	shalt  }
0x3e: {  	_ =	shalt  }
0x3f: {  	_ =	shalt  }
0x40: {  	_ =	shalt  }
0x41: {  	_ =	shalt  }
0x42: {  	_ =	shalt  }
0x43: {  	_ =	shalt  }
0x44: {  	_ =	shalt  }
0x45: {  	_ =	shalt  }
0x46: {  	_ =	shalt  }
0x47: {  	_ =	shalt  }
0x48: {  	_ =	shalt  }
0x49: {  	_ =	shalt  }
0x4a: {  	_ =	shalt  }
0x4b: {  	_ =	shalt  }
0x4c: {  	_ =	shalt  }
0x4d: {  	_ =	shalt  }
0x4e: {  	_ =	shalt  }
0x4f: {  	_ =	shalt  }
0x50: {  	_ =	shalt  }
0x51: {  	_ =	shalt  }
0x52: {  	_ =	shalt  }
0x53: {  	_ =	shalt  }
0x54: {  	_ =	shalt  }
0x55: {  	_ =	shalt  }
0x56: {  	_ =	shalt  }
0x57: {  	_ =	shalt  }
0x58: {  	_ =	shalt  }
0x59: {  	_ =	shalt  }
0x5a: {  	_ =	shalt  }
0x5b: {  	_ =	shalt  }
0x5c: {  	_ =	shalt  }
0x5d: {  	_ =	shalt  }
0x5e: {  	_ =	shalt  }
0x5f: {  	_ =	shalt  }
0x60: {  	_ =	shalt  }
0x61: {  	_ =	shalt  }
0x62: {  	_ =	shalt  }
0x63: {  	_ =	shalt  }
0x64: {  	_ =	shalt  }
0x65: {  	_ =	shalt  }
0x66: {  	_ =	shalt  }
0x67: {  	_ =	shalt  }
0x68: {  	_ =	shalt  }
0x69: {  	_ =	shalt  }
0x6a: {  	_ =	shalt  }
0x6b: {  	_ =	shalt  }
0x6c: {  	_ =	shalt  }
0x6d: {  	_ =	shalt  }
0x6e: {  	_ =	shalt  }
0x6f: {  	_ =	shalt  }
0x70: {  	_ =	shalt  }
0x71: {  	_ =	shalt  }
0x72: {  	_ =	shalt  }
0x73: {  	_ =	shalt  }
0x74: {  	_ =	shalt  }
0x75: {  	_ =	shalt  }
0x76: {  	_ =	shalt  }
0x77: {  	_ =	shalt  }
0x78: {  	_ =	shalt  }
0x79: {  	_ =	shalt  }
0x7a: {  	_ =	shalt  }
0x7b: {  	_ =	shalt  }
0x7c: {  	_ =	shalt  }
0x7d: {  	_ =	shalt  }
0x7e: {  	_ =	shalt  }
0x7f: {  	_ =	shalt  }
0x80: {  	_ =	shalt  }
0x81: {  	_ =	shalt  }
0x82: {  	_ =	shalt  }
0x83: {  	_ =	shalt  }
0x84: {  	_ =	shalt  }
0x85: {  	_ =	shalt  }
0x86: {  	_ =	shalt  }
0x87: {  	_ =	shalt  }
.Lfunc_end0:
.L_simem_size_0:
called_computation.2_lowered:
.L_overlay_start_0:
0x88: {  	s2 =	sld [smem:$0x3FD9]  }
0x89: {  	s3 =	sld [smem:$0x3FFE];
	_ =	sdelay $0x1  }
0x8a: {  	s1 =	srdreg.scid  }
0x8b: {  	s0 =	sand.u32 $0x1, s1  }
0x8c: {  	s17 =	sshll.u32 s0, $0xA;
	s2 =	sadd.s32 s3, s2  }
0x8d: {  	s2 =	sadd.s32 s2, s17  }
0x8e: {  	[smem:$0x3FC1] =	sst s2  }
0x8f: {  	_ = 	snop  }
0x90: {  	s18 =	sld [smem:$0x3FC7];
	(tm) =	ssettm $0x1  }
0x91: {  	s19 =	sld [smem:$0x3FFB];
	_ =	sdelay $0x3  }
0x92: {  	_ =	strace s19  }
0x93: {  	s2 =	sld [smem:$0x3FFC];
	_ =	sdelay $0x3  }
0x94: {  	_ =	strace s2  }
0x95: {  	s2 =	sld [smem:$0x3FFD];
	_ =	sdelay $0x3  }
0x96: {  	_ =	strace s2  }
0x97: {  	_ =	strace $0x8FFFFFFF  }
0x98: {  	s20 =	sld [smem:$0x3FDB];
	_ =	sdelay $0x1  }
0x99: {  	s4 =	simm.s32 $_scs_section_size  }
0x9a: {  	s5 =	simm.s32 $_size__tile_overlayer_lowered;
	s6 =	simm.s32 $_tile_overlayer_lowered  }
0x9b: {  	s7 =	simm.s32 $0x1BFF;
	s21 =	sshll.u32 s6, $0x1;
	s4 =	sadd.s32 s4, s20  }
0x9c: {  	s22 =	simm.s32 $0x0;
	s5 =	sshll.u32 s5, $0x1;
	s6 =	sadd.s32 s21, s4  }
0x9d: {  	[timem:s22], [sflag:s7] =	dma.local [hbm:s6], s5  }
0x9e: {  	_ =	swait.ge [sflag:s7], s5  }
0x9f: {  	s5 =	ssub.s32 $0x0, s5;
	[sflag:s7] =	ssyncset.done $0x0  }
0xa0: {  	[sflag:s7] =	ssyncadd.s32 s5;
	_ =	sdelay $0x1  }
0xa1: {  	s23 =	simm.s32 $0x1B8B  }
0xa2: {  	_ =	swait.ge [sflag:s23], $0x1  }
0xa3: {  	[sflag:s23] =	ssyncset.done $0x0  }
0xa4: {  	[sflag:s23] =	ssyncadd.s32 $0xFFFFFFFF  }
0xa5: {  	s5 =	sld [smem:$0x0]  }
0xa6: {  	s6 =	sand.u32 $0xFFFFFFFE, s1  }
0xa7: {  	p0 =	sne.s32 s1, s6  }
0xa8: {  	s6 =	sshll.u32 @p0 s6, $0xE  }
0xa9: {  	s6 =	sadd.s32 @p0 $0x11B8D, s6;
	s7 =	sshll.u32 @p0 s5, $0x11  }
0xaa: {  	s6 =	sor.u32 @p0 s7, s6  }
0xab: {  	[sflag:s6] =	ssyncadd.remote.s32 @p0 $0x1;
	_ =	sdelay $0x1  }
0xac: {  	s6 =	simm.s32 @p0 $0x1B8D  }
0xad: {  	_ =	swait.eq @p0 [sflag:s6], $0x1  }
0xae: {  	[sflag:s6] =	ssyncadd.s32 @p0 $0xFFFFFFFF  }
0xaf: {  	s7 =	sshll.u32 @!p0 s1, $0xE  }
0xb0: {  	s7 =	sor.u32 @!p0 $0x4000, s7;
	s6 =	simm.s32 @!p0 $0x1B8D  }
0xb1: {  	s5 =	sshll.u32 @!p0 s5, $0x11;
	s7 =	sadd.s32 @!p0 $0x11B8D, s7;
	_ =	swait.eq @!p0 [sflag:s6], $0x1  }
0xb2: {  	s5 =	sor.u32 @!p0 s5, s7;
	[sflag:s6] =	ssyncadd.s32 @!p0 $0xFFFFFFFF  }
0xb3: {  	s25 =	simm.s32 $0x1B8E;
	s24 =	sld [smem:$0x3FFE];
	[sflag:s5] =	ssyncadd.remote.s32 @!p0 $0x1  }
0xb4: {  	s26 =	simm.s32 $execute0_lowered;
	[smem:$0x3FD2] =	sst s25  }
0xb5: {  	s6 =	sshll.u32 s26, $0x1;
	_ =	strace $0x8000004C;
	[dreg:$0x1] =	wrdreg $0xFFFFFFFF  }
0xb6: {  	s28 =	simm.s32 $_size_execute0_lowered;
	s4 =	sadd.s32 s4, s6;
	[dreg:$0x0] =	wrdreg $0x0  }
0xb7: {  	s6 =	sshll.u32 s28, $0x1;
	[dreg:$0x2] =	wrdreg s4  }
0xb8: {  	[dreg:$0x3] =	wrdreg s6  }
0xb9: {  	[dreg:$0x4] =	wrdreg $0xC0  }
0xba: {  	_ =	task [dreg:s22], $0x5FFFF  }
0xbb: {  	[dreg:$0x1] =	wrdreg $0xFFFFFFFF  }
0xbc: {  	[dreg:$0x0] =	wrdreg $0x60  }
0xbd: {  	[dreg:$0x2] =	wrdreg s18  }
0xbe: {  	[dreg:$0x3] =	wrdreg s24  }
0xbf: {  	[dreg:$0x4] =	wrdreg $0xB  }
0xc0: {  	_ =	task.clear_ibuf [dreg:s22], $0x5FFFF;
	_ =	strace $0x9000004C  }
0xc1: {  	s29 =	simm.s32 $0xB;
	_ =	strace $0x8000004E  }
0xc2: {  	_ =	swait.ge [sflag:s29], $0x1  }
0xc3: {  	[sflag:s29] =	ssyncadd.s32 $0xFFFFFFFF  }
0xc4: {  	_ =	strace $0x9000004E  }
0xc5: {  	_ =	sfence  }
0xc6: {  	s30 =	sld [smem:$0x0];
	_ =	sdelay $0x2  }
0xc7: {  	s31 =	sshll.u32 s1, $0xD;
	s1 =	sshrl.u32 s1, $0x2  }
0xc8: {  	s4 =	sand.u32 $0x4000, s31;
	s1 =	sadd.s32 s1, s30  }
0xc9: {  	s0 =	sor.u32 s4, s0;
	s1 =	sshll.u32 s1, $0x11  }
0xca: {  	s0 =	sor.u32 s1, s0  }
0xcb: {  	s0 =	sadd.s32 $0x8F2B, s0  }
0xcc: {  	[sflag:s0] =	ssyncadd.remote.s32 $0x1  }
0xcd: {  	_ =	sfence.sel $0xFFFF  }
0xce: {  	[dreg:$0x0] =	wrdreg $0xFFFFFFFF;
	(pc) =	sbr.abs _section_cstart, $3  }
0xcf: {  	[dreg:$0x1] =	wrdreg $0xFFFFFFFF  }
0xd0: {  	_ =	task.clear_ibuf [dreg:s22], $0x2FFFF;
	_ =	strace $0x9FFFFFFF  }
0xd1: {  	(tm) =	ssettm $0x7FFFFFFF  }
tec
execute0_lowered:
.L_overlay_start_1:
0x0: {  	(tag) =	ssettag $0x1  }
0x1: {  	s2 =	rddreg [dreg:$0x0];
	s1 =	srdreg.scid  }
0x2: {  	s0 =	stileid.u32;
	s4 =	rddreg [dreg:$0x1]  }
0x3: {  	s3 =	simm.s32 $0x0;
	s13 =	simm.s32 $0x680;
	s14 =	simm.s32 $0x2E80  }
0x4: {  	s15 =	simm.s32 $0xA0;
	s16 =	simm.s32 $0x5680;
	s17 =	simm.s32 $0xF0  }
0x5: {  	s18 =	simm.s32 $0x7E80;
	s19 =	simm.s32 $0x1;
	s20 =	simm.s32 $0x2  }
0x6: {  	s21 =	simm.s32 $0x3;
	s22 =	simm.s32 $0x4;
	s23 =	simm.s32 $0x0  }
0x7: {  	s7 =	sand.u32 $0x1, s1;
	s5 =	sshll.u32 s0, $0x1;
	s1 =	rddreg [dreg:$0x2]  }
0x8: {  	[smem:$0x7FF] =	sst s3;
	s11 =	smul.u32 $0xC800, s0;
	s5 =	sor.u32 s7, s5  }
0x9: {  	s10 =	sadd.s32 $0x197C00, s4;
	s8 =	ssub.s32 $0x2, s7;
	s6 =	smul.u32 $0x640, s5  }
0xa: {  	_ =	strace $0x8000004D;
	s9 =	sshrl.u32 s8, $0x1;
	s5 =	smul.u32 $0x6400, s5  }
0xb: {  	s12 =	smul.u32 $0x6400, s7;
	s8 =	ssub.s32 s8, s9;
	s6 =	sshrl.u32 s6, $0x3  }
0xc: {  	s31 =	sadd.s32 s10, s5;
	s5 =	smax.u32 s8, $0x1;
	s10 =	sadd.s32 s11, s10  }
0xd: {  	s11 =	simm.s32 $0x5;
	s4 =	sadd.s32 s4, s6;
	s6 =	sadd.s32 $0x5000, s31  }
0xe: {  	s7 =	sadd.s32 $0x5500, s31;
	s8 =	sadd.s32 $0x5A00, s31;
	s9 =	sadd.s32 $0x5F00, s31  }
0xf: {  	s10 =	sadd.s32 s12, s10;
	s12 =	simm.s32 $0x50;
	s4 =	sadd.s32 $0x4A00, s4  }
.LBB2_1:
0x10: {  	[tilespmem:s3], [sflag:$0x5] =	stream.linear.gather [hbm4b:s4+s3], $0x640, $0x38;
	[tilespmem:$0xA680] =	vst v63  }
0x11: {  	_ =	swait.ge [sflag:s11], $0x640  }
0x12: {  	[sflag:s11] =	ssyncset.done $0x0  }
0x13: {  	[sflag:s11] =	ssyncadd.s32 $0xFFFFF9C0  }
0x14: {  	[tilespmem:s13], [sflag:$0x1] =	stream.indirect.gather [hbm4b:s2+s12], $0x80, s3, s12, $0xb8;
	[tilespmem:$0xA680] =	vst v63  }
0x15: {  	_ = 	snop  }
0x16: {  	[tilespmem:s14], [sflag:$0x2] =	stream.indirect.gather [hbm4b:s2+s12], $0x80, s12, s12, $0xb8;
	[tilespmem:$0xA680] =	vst v63  }
0x17: {  	_ = 	snop  }
0x18: {  	[tilespmem:s16], [sflag:$0x3] =	stream.indirect.gather [hbm4b:s2+s12], $0x80, s15, s12, $0xb8;
	[tilespmem:$0xA680] =	vst v63  }
0x19: {  	_ = 	snop  }
0x1a: {  	[tilespmem:s18], [sflag:$0x4] =	stream.indirect.gather [hbm4b:s2+s12], $0x80, s17, s12, $0xb8;
	[tilespmem:$0xA680] =	vst v63  }
0x1b: {  	_ =	swait.ge [sflag:s19], $0x2800  }
0x1c: {  	[sflag:s19] =	ssyncset.done $0x0  }
0x1d: {  	s24 =	sadd.s32 $0x0, s10;
	[sflag:s19] =	ssyncadd.s32 $0xFFFFD800  }
0x1e: {  	[hbm4b:s24+s3] =	stream.linear.scatter [tilespmem:s13], [sflag:$0x5], $0x2800, $0x38;
	[tilespmem:$0xA680] =	vst v63  }
0x1f: {  	_ =	swait.ge [sflag:s11], $0x2800  }
0x20: {  	[sflag:s11] =	ssyncset.done $0x0  }
0x21: {  	s25 =	simm.s32 $0x140;
	[sflag:s11] =	ssyncadd.s32 $0xFFFFD800  }
0x22: {  	[tilespmem:s13], [sflag:$0x1] =	stream.indirect.gather [hbm4b:s2+s12], $0x80, s25, s12, $0xb8;
	[tilespmem:$0xA680] =	vst v63  }
0x23: {  	_ =	swait.ge [sflag:s20], $0x2800  }
0x24: {  	[sflag:s20] =	ssyncset.done $0x0  }
0x25: {  	s28 =	sadd.s32 $0x500, s24;
	[sflag:s20] =	ssyncadd.s32 $0xFFFFD800  }
0x26: {  	[hbm4b:s28+s3] =	stream.linear.scatter [tilespmem:s14], [sflag:$0x5], $0x2800, $0x38;
	[tilespmem:$0xA680] =	vst v63  }
0x27: {  	_ =	swait.ge [sflag:s11], $0x2800  }
0x28: {  	[sflag:s11] =	ssyncset.done $0x0  }
0x29: {  	s29 =	simm.s32 $0x190;
	[sflag:s11] =	ssyncadd.s32 $0xFFFFD800  }
0x2a: {  	[tilespmem:s14], [sflag:$0x2] =	stream.indirect.gather [hbm4b:s2+s12], $0x80, s29, s12, $0xb8;
	[tilespmem:$0xA680] =	vst v63  }
0x2b: {  	_ =	swait.ge [sflag:s21], $0x2800  }
0x2c: {  	[sflag:s21] =	ssyncset.done $0x0  }
0x2d: {  	s30 =	sadd.s32 $0xA00, s24;
	[sflag:s21] =	ssyncadd.s32 $0xFFFFD800  }
0x2e: {  	[hbm4b:s30+s3] =	stream.linear.scatter [tilespmem:s16], [sflag:$0x5], $0x2800, $0x38;
	[tilespmem:$0xA680] =	vst v63  }
0x2f: {  	_ =	swait.ge [sflag:s11], $0x2800  }
0x30: {  	[sflag:s11] =	ssyncset.done $0x0  }
0x31: {  	s31 =	simm.s32 $0x1E0;
	[sflag:s11] =	ssyncadd.s32 $0xFFFFD800  }
0x32: {  	[tilespmem:s16], [sflag:$0x3] =	stream.indirect.gather [hbm4b:s2+s12], $0x80, s31, s12, $0xb8;
	[tilespmem:$0xA680] =	vst v63  }
0x33: {  	_ =	swait.ge [sflag:s22], $0x2800  }
0x34: {  	[sflag:s22] =	ssyncset.done $0x0  }
0x35: {  	s24 =	sadd.s32 $0xF00, s24;
	[sflag:s22] =	ssyncadd.s32 $0xFFFFD800  }
0x36: {  	[hbm4b:s24+s3] =	stream.linear.scatter [tilespmem:s18], [sflag:$0x5], $0x2800, $0x38;
	[tilespmem:$0xA680] =	vst v63  }
0x37: {  	_ =	swait.ge [sflag:s11], $0x2800  }
0x38: {  	s26 =	simm.s32 $0x370;
	[sflag:s11] =	ssyncset.done $0x0  }
0x39: {  	s25 =	simm.s32 $0x1400;
	s24 =	simm.s32 $0x230;
	[sflag:s11] =	ssyncadd.s32 $0xFFFFD800  }
.LBB2_2:
0x3a: {  	[tilespmem:s18], [sflag:$0x4] =	stream.indirect.gather [hbm4b:s2+s12], $0x80, s24, s12, $0xb8;
	[tilespmem:$0xA680] =	vst v63  }
0x3b: {  	s28 =	smov.u32 s25;
	s24 =	smov.u32 s26  }
0x3c: {  	p0 =	sne.s32 s25, $0x3C00;
	s25 =	sadd.s32 $0x1400, s25;
	_ =	swait.ge [sflag:s19], $0x2800  }
0x3d: {  	[sflag:s19] =	ssyncset.done $0x0  }
0x3e: {  	s28 =	sadd.s32 s28, s10;
	[sflag:s19] =	ssyncadd.s32 $0xFFFFD800  }
0x3f: {  	[hbm4b:s28+s3] =	stream.linear.scatter [tilespmem:s13], [sflag:$0x5], $0x2800, $0x38;
	[tilespmem:$0xA680] =	vst v63  }
0x40: {  	_ =	swait.ge [sflag:s11], $0x2800  }
0x41: {  	[sflag:s11] =	ssyncset.done $0x0  }
0x42: {  	s29 =	sadd.s32 $0xFFFFFF10, s26;
	[sflag:s11] =	ssyncadd.s32 $0xFFFFD800  }
0x43: {  	[tilespmem:s13], [sflag:$0x1] =	stream.indirect.gather [hbm4b:s2+s12], $0x80, s29, s12, $0xb8;
	[tilespmem:$0xA680] =	vst v63  }
0x44: {  	_ =	swait.ge [sflag:s20], $0x2800  }
0x45: {  	[sflag:s20] =	ssyncset.done $0x0  }
0x46: {  	s29 =	sadd.s32 $0x500, s28;
	[sflag:s20] =	ssyncadd.s32 $0xFFFFD800  }
0x47: {  	[hbm4b:s29+s3] =	stream.linear.scatter [tilespmem:s14], [sflag:$0x5], $0x2800, $0x38;
	[tilespmem:$0xA680] =	vst v63  }
0x48: {  	_ =	swait.ge [sflag:s11], $0x2800  }
0x49: {  	[sflag:s11] =	ssyncset.done $0x0  }
0x4a: {  	s29 =	sadd.s32 $0xFFFFFF60, s26;
	[sflag:s11] =	ssyncadd.s32 $0xFFFFD800  }
0x4b: {  	[tilespmem:s14], [sflag:$0x2] =	stream.indirect.gather [hbm4b:s2+s12], $0x80, s29, s12, $0xb8;
	[tilespmem:$0xA680] =	vst v63  }
0x4c: {  	_ =	swait.ge [sflag:s21], $0x2800  }
0x4d: {  	[sflag:s21] =	ssyncset.done $0x0  }
0x4e: {  	s29 =	sadd.s32 $0xA00, s28;
	[sflag:s21] =	ssyncadd.s32 $0xFFFFD800  }
0x4f: {  	[hbm4b:s29+s3] =	stream.linear.scatter [tilespmem:s16], [sflag:$0x5], $0x2800, $0x38;
	[tilespmem:$0xA680] =	vst v63  }
0x50: {  	_ =	swait.ge [sflag:s11], $0x2800  }
0x51: {  	[sflag:s11] =	ssyncset.done $0x0  }
0x52: {  	s29 =	sadd.s32 $0xFFFFFFB0, s26;
	[sflag:s11] =	ssyncadd.s32 $0xFFFFD800  }
0x53: {  	[tilespmem:s16], [sflag:$0x3] =	stream.indirect.gather [hbm4b:s2+s12], $0x80, s29, s12, $0xb8;
	[tilespmem:$0xA680] =	vst v63  }
0x54: {  	_ =	swait.ge [sflag:s22], $0x2800  }
0x55: {  	[sflag:s22] =	ssyncset.done $0x0  }
.Ltmp0:
0x56: {  	s28 =	sadd.s32 $0xF00, s28;
	[sflag:s22] =	ssyncadd.s32 $0xFFFFD800;
	(pc) =	sbr.rel @p0 .LBB2_2-.Ltmp0, $4  }
0x57: {  	[hbm4b:s28+s3] =	stream.linear.scatter [tilespmem:s18], [sflag:$0x5], $0x2800, $0x38;
	[tilespmem:$0xA680] =	vst v63  }
0x58: {  	_ =	swait.ge [sflag:s11], $0x2800  }
0x59: {  	[sflag:s11] =	ssyncset.done $0x0  }
0x5a: {  	s26 =	sadd.s32 $0x140, s26;
	[sflag:s11] =	ssyncadd.s32 $0xFFFFD800  }
0x5b: {  	[tilespmem:s18], [sflag:$0x4] =	stream.indirect.gather [hbm4b:s2+s12], $0x80, s24, s12, $0xb8;
	[tilespmem:$0xA680] =	vst v63  }
0x5c: {  	_ =	swait.ge [sflag:s19], $0x2800  }
0x5d: {  	[sflag:s19] =	ssyncset.done $0x0  }
0x5e: {  	[sflag:s19] =	ssyncadd.s32 $0xFFFFD800  }
0x5f: {  	[hbm4b:s6+s3] =	stream.linear.scatter [tilespmem:s13], [sflag:$0x5], $0x2800, $0x38;
	[tilespmem:$0xA680] =	vst v63  }
0x60: {  	_ =	swait.ge [sflag:s11], $0x2800  }
0x61: {  	[sflag:s11] =	ssyncset.done $0x0  }
0x62: {  	[sflag:s11] =	ssyncadd.s32 $0xFFFFD800  }
0x63: {  	_ =	swait.ge [sflag:s20], $0x2800  }
0x64: {  	[sflag:s20] =	ssyncset.done $0x0  }
0x65: {  	[sflag:s20] =	ssyncadd.s32 $0xFFFFD800  }
0x66: {  	[hbm4b:s7+s3] =	stream.linear.scatter [tilespmem:s14], [sflag:$0x5], $0x2800, $0x38;
	[tilespmem:$0xA680] =	vst v63  }
0x67: {  	_ =	swait.ge [sflag:s11], $0x2800  }
0x68: {  	[sflag:s11] =	ssyncset.done $0x0  }
0x69: {  	[sflag:s11] =	ssyncadd.s32 $0xFFFFD800  }
0x6a: {  	_ =	swait.ge [sflag:s21], $0x2800  }
0x6b: {  	[sflag:s21] =	ssyncset.done $0x0  }
0x6c: {  	[sflag:s21] =	ssyncadd.s32 $0xFFFFD800  }
0x6d: {  	[hbm4b:s8+s3] =	stream.linear.scatter [tilespmem:s16], [sflag:$0x5], $0x2800, $0x38;
	[tilespmem:$0xA680] =	vst v63  }
0x6e: {  	_ =	swait.ge [sflag:s11], $0x2800  }
0x6f: {  	[sflag:s11] =	ssyncset.done $0x0  }
0x70: {  	[sflag:s11] =	ssyncadd.s32 $0xFFFFD800  }
0x71: {  	s23 =	sadd.s32 $0x1, s23;
	_ =	swait.ge [sflag:s22], $0x2800  }
0x72: {  	p0 =	sne.s32 s23, s5;
	[sflag:s22] =	ssyncset.done $0x0  }
.Ltmp1:
0x73: {  	[sflag:s22] =	ssyncadd.s32 $0xFFFFD800;
	(pc) =	sbr.rel @p0 .LBB2_1-.Ltmp1, $4  }
0x74: {  	[hbm4b:s9+s3] =	stream.linear.scatter [tilespmem:s18], [sflag:$0x5], $0x2800, $0x38;
	[tilespmem:$0xA680] =	vst v63  }
0x75: {  	_ =	swait.ge [sflag:s11], $0x2800  }
0x76: {  	[sflag:s11] =	ssyncset.done $0x0  }
0x77: {  	[sflag:s11] =	ssyncadd.s32 $0xFFFFD800  }
0x78: {  	_ =	sfence.sel $0x180000  }
0x79: {  	[bflag:$0x0] =	sbarrier.arrive $0xFFFF  }
0x7a: {  	p0 =	sne.s32 s0, $0x0;
	_ =	strace $0x9000004D  }
0x7b: {  	s0 =	sadd.s32 @!p0 $0x100000, s1;
	[bflag:$0x2] =	sbarrier.arrive $0xFFFF  }
0x7c: {  	[sflag:s0] =	ssyncadd.tile.s32 @!p0 $0x1;
	_ =	shalt  }
.Lfunc_end2:
_tile_overlayer_lowered:
.L_overlay_start_2:
0x7d: {  	(tag) =	ssettag $0x2  }
0x7e: {  	s0 =	rddreg [dreg:$0x0];
	s2 =	stileid.u32  }
0x7f: {  	s1 =	rddreg [dreg:$0x1];
	p0 =	sne.s32 s2, $0x0  }
0x80: {  	s3 =	rddreg [dreg:$0x2];
	[bflag:$0x3] =	sbarrier.arrive $0xFFFF;
	s2 =	simm.s32 @!p0 $0x1C05  }
0x81: {  	[timem:s3], [sflag:s2] =	dma.local @!p0 [hbm:s0], s1  }
0x82: {  	s0 =	simm.s32 @!p0 $0x5  }
0x83: {  	_ =	swait.ge @!p0 [sflag:s0], s1  }
0x84: {  	s1 =	ssub.s32 @!p0 $0x0, s1;
	[sflag:s0] =	ssyncset.done @!p0 $0x0  }
0x85: {  	[sflag:s0] =	ssyncadd.s32 @!p0 s1  }
0x86: {  	[bflag:$0x3] =	sbarrier.arrive $0xFFFF  }
0x87: {  	_ =	shalt  }

// kernel: kernel.19.cloned.1.call-start
scs
__scs_entry_jumppad:
0x0: {  	(pc) =	sbr.rel $0x88, $3  }
0x1: {  	(tag) =	ssettag $0x0;
	lr =	simm.s32 $0x1  }
0x2: {  	[smem:$0x3F9A] =	sst lr;
	_ =	strace $0xD0000000  }
0x3: {  	_ = 	snop  }
0x4: {  	_ = 	snop  }
0x5: {  	_ = 	snop  }
0x6: {  	_ = 	snop  }
0x7: {  	_ = 	snop  }
__scs_overlays_trampoline_lowered:
0x8: {  	[smem:$0x3FA9] =	sst s0  }
0x9: {  	[smem:$0x3FAA] =	sst s1  }
0xa: {  	[smem:$0x3FAB] =	sst s2  }
0xb: {  	[smem:$0x3FAC] =	sst s3  }
0xc: {  	[smem:$0x3FAD] =	sst s4  }
0xd: {  	[smem:$0x3FAE] =	sst s5  }
0xe: {  	[smem:$0x3FAF] =	sst s6  }
0xf: {  	[smem:$0x3FB0] =	sst s7  }
0x10: {  	[smem:$0x3FB1] =	sst s8  }
0x11: {  	[smem:$0x3FB2] =	sst s9;
	s0 =	simm.s32 @!p0 $0x0  }
0x12: {  	s1 =	sld [smem:$0x3F98];
	s0 =	simm.s32 @p0 $0x1  }
0x13: {  	[smem:$0x3FB3] =	sst s0;
	s0 =	simm.s32 @!p1 $0x0  }
0x14: {  	s2 =	sld [smem:$0x3F97];
	s0 =	simm.s32 @p1 $0x1  }
0x15: {  	[smem:$0x3FB4] =	sst s0;
	s0 =	simm.s32 @!p2 $0x0  }
0x16: {  	s3 =	sld [smem:$0x3FDB];
	s0 =	simm.s32 @p2 $0x1  }
0x17: {  	s4 =	simm.s32 $0x1BF5;
	[smem:$0x3FB6] =	sst s0  }
0x18: {  	s0 =	sld [smem:$0x3F99];
	_ =	swait.ge [sflag:s4], $0x0  }
0x19: {  	s7 =	sld [smem:$0x3F9A]  }
0x1a: {  	s8 =	sadd.s32 $0xFFFFE003, lr  }
0x1b: {  	s9 =	sadd.s32 $0xFFFFFEF7, lr;
	s5 =	simm.s32 $0xFFFFFFFF;
	p2 =	slt.u32 s8, $0xFFFFF086  }
0x1c: {  	p1 =	slt.u32 s9, $0xF7A;
	s5 =	simm.s32 @!p2 $0x0  }
0x1d: {  	s5 =	simm.s32 @p1 $0x1;
	p0 =	seq.s32 s7, s2  }
0x1e: {  	s7 =	smul.u32 @!p0 $0xF7A, s2;
	p2 =	seq.s32 @!p0 s5, $0x0  }
0x1f: {  	s9 =	smul.u32 $0xF7A, s1;
	s8 =	simm.s32 @!p0 $0x1BF5;
	p2 =	por !p2, p0  }
0x20: {  	[sflag:s8] =	ssyncset.s32 @!p0 $0xFFFFF086;
	s6 =	sadd.s32 @!p0 s3, s7;
	s7 =	simm.s32 @!p0 $0x108  }
0x21: {  	s3 =	sadd.s32 s3, s9;
	s6 =	sadd.s32 @!p0 $0x88, s6;
	s7 =	simm.s32 @p2 $0x1082  }
0x22: {  	[simem:s7], [sflag:s8] =	dma.local @!p0 [hbm:s6], $0xF7A  }
0x23: {  	s9 =	sor.u32 $0xD0000000, s2;
	s6 =	simm.s32 $0x108;
	_ =	swait.ge @!p0 [sflag:s8], $0x0  }
0x24: {  	s3 =	sadd.s32 $0x88, s3;
	s6 =	simm.s32 @!p1 $0x1082;
	[sflag:s4] =	ssyncset.s32 $0xFFFFF086  }
0x25: {  	[simem:s6], [sflag:s4] =	dma.local [hbm:s3], $0xF7A  }
0x26: {  	[smem:$0x3F9A] =	sst s1;
	(tag) =	ssettag s2;
	_ =	strace s9  }
0x27: {  	s1 =	sld [smem:$0x3FAA]  }
0x28: {  	s2 =	sld [smem:$0x3FAB]  }
0x29: {  	s4 =	sld [smem:$0x3FAD]  }
0x2a: {  	p0 =	seq.s32 s5, $0x0;
	s5 =	sld [smem:$0x3FAE]  }
0x2b: {  	s6 =	sld [smem:$0x3FAF]  }
0x2c: {  	s7 =	sld [smem:$0x3FB0]  }
0x2d: {  	s3 =	simm.s32 $0x108;
	s8 =	sld [smem:$0x3FB1]  }
0x2e: {  	s3 =	simm.s32 @!p0 $0x1082;
	s9 =	sld [smem:$0x3FB2]  }
0x2f: {  	lr =	sadd.s32 s0, s3;
	s0 =	sld [smem:$0x3FA9]  }
0x30: {  	s3 =	sld [smem:$0x3FAC]  }
0x31: {  	[smem:$0x3FB5] =	sst s10  }
0x32: {  	s10 =	sld [smem:$0x3FB3];
	_ =	sdelay $0x3  }
0x33: {  	p0 =	seq.s32 s10, $0x1;
	s10 =	sld [smem:$0x3FB5];
	_ =	sdelay $0x3  }
0x34: {  	[smem:$0x3FB5] =	sst s10  }
0x35: {  	s10 =	sld [smem:$0x3FB4];
	_ =	sdelay $0x3  }
0x36: {  	p1 =	seq.s32 s10, $0x1;
	s10 =	sld [smem:$0x3FB5];
	_ =	sdelay $0x3  }
0x37: {  	[smem:$0x3FB5] =	sst s10  }
0x38: {  	s10 =	sld [smem:$0x3FB6]  }
0x39: {  	_ = 	snop;
	(pc) =	sbr.ind lr, $3  }
0x3a: {  	_ = 	snop  }
0x3b: {  	_ = 	snop  }
0x3c: {  	p2 =	seq.s32 s10, $0x1;
	s10 =	sld [smem:$0x3FB5]  }
0x3d: {  	_ =	shalt  }
0x3e: {  	_ =	shalt  }
0x3f: {  	_ =	shalt  }
0x40: {  	_ =	shalt  }
0x41: {  	_ =	shalt  }
0x42: {  	_ =	shalt  }
0x43: {  	_ =	shalt  }
0x44: {  	_ =	shalt  }
0x45: {  	_ =	shalt  }
0x46: {  	_ =	shalt  }
0x47: {  	_ =	shalt  }
0x48: {  	_ =	shalt  }
0x49: {  	_ =	shalt  }
0x4a: {  	_ =	shalt  }
0x4b: {  	_ =	shalt  }
0x4c: {  	_ =	shalt  }
0x4d: {  	_ =	shalt  }
0x4e: {  	_ =	shalt  }
0x4f: {  	_ =	shalt  }
0x50: {  	_ =	shalt  }
0x51: {  	_ =	shalt  }
0x52: {  	_ =	shalt  }
0x53: {  	_ =	shalt  }
0x54: {  	_ =	shalt  }
0x55: {  	_ =	shalt  }
0x56: {  	_ =	shalt  }
0x57: {  	_ =	shalt  }
0x58: {  	_ =	shalt  }
0x59: {  	_ =	shalt  }
0x5a: {  	_ =	shalt  }
0x5b: {  	_ =	shalt  }
0x5c: {  	_ =	shalt  }
0x5d: {  	_ =	shalt  }
0x5e: {  	_ =	shalt  }
0x5f: {  	_ =	shalt  }
0x60: {  	_ =	shalt  }
0x61: {  	_ =	shalt  }
0x62: {  	_ =	shalt  }
0x63: {  	_ =	shalt  }
0x64: {  	_ =	shalt  }
0x65: {  	_ =	shalt  }
0x66: {  	_ =	shalt  }
0x67: {  	_ =	shalt  }
0x68: {  	_ =	shalt  }
0x69: {  	_ =	shalt  }
0x6a: {  	_ =	shalt  }
0x6b: {  	_ =	shalt  }
0x6c: {  	_ =	shalt  }
0x6d: {  	_ =	shalt  }
0x6e: {  	_ =	shalt  }
0x6f: {  	_ =	shalt  }
0x70: {  	_ =	shalt  }
0x71: {  	_ =	shalt  }
0x72: {  	_ =	shalt  }
0x73: {  	_ =	shalt  }
0x74: {  	_ =	shalt  }
0x75: {  	_ =	shalt  }
0x76: {  	_ =	shalt  }
0x77: {  	_ =	shalt  }
0x78: {  	_ =	shalt  }
0x79: {  	_ =	shalt  }
0x7a: {  	_ =	shalt  }
0x7b: {  	_ =	shalt  }
0x7c: {  	_ =	shalt  }
0x7d: {  	_ =	shalt  }
0x7e: {  	_ =	shalt  }
0x7f: {  	_ =	shalt  }
0x80: {  	_ =	shalt  }
0x81: {  	_ =	shalt  }
0x82: {  	_ =	shalt  }
0x83: {  	_ =	shalt  }
0x84: {  	_ =	shalt  }
0x85: {  	_ =	shalt  }
0x86: {  	_ =	shalt  }
0x87: {  	_ =	shalt  }
.Lfunc_end0:
.L_simem_size_0:
called_computation.3_lowered:
.L_overlay_start_0:
0x88: {  	s2 =	sld [smem:$0x3FD9]  }
0x89: {  	s3 =	sld [smem:$0x3FFE];
	_ =	sdelay $0x1  }
0x8a: {  	s1 =	srdreg.scid  }
0x8b: {  	s0 =	sand.u32 $0x1, s1  }
0x8c: {  	s17 =	sshll.u32 s0, $0xA;
	s2 =	sadd.s32 s3, s2  }
0x8d: {  	s2 =	sadd.s32 s2, s17  }
0x8e: {  	[smem:$0x3FC1] =	sst s2  }
0x8f: {  	_ = 	snop  }
0x90: {  	s18 =	sld [smem:$0x3FC7];
	(tm) =	ssettm $0x1  }
0x91: {  	s19 =	sld [smem:$0x3FFB];
	_ =	sdelay $0x3  }
0x92: {  	_ =	strace s19  }
0x93: {  	s2 =	sld [smem:$0x3FFC];
	_ =	sdelay $0x3  }
0x94: {  	_ =	strace s2  }
0x95: {  	s2 =	sld [smem:$0x3FFD];
	_ =	sdelay $0x3  }
0x96: {  	_ =	strace s2  }
0x97: {  	_ =	strace $0x8FFFFFFF  }
0x98: {  	s20 =	sld [smem:$0x3FDB];
	_ =	sdelay $0x1  }
0x99: {  	s4 =	simm.s32 $_scs_section_size  }
0x9a: {  	s5 =	simm.s32 $_size__tile_overlayer_lowered;
	s6 =	simm.s32 $_tile_overlayer_lowered  }
0x9b: {  	s7 =	simm.s32 $0x1BFF;
	s21 =	sshll.u32 s6, $0x1;
	s4 =	sadd.s32 s4, s20  }
0x9c: {  	s22 =	simm.s32 $0x0;
	s5 =	sshll.u32 s5, $0x1;
	s6 =	sadd.s32 s21, s4  }
0x9d: {  	[timem:s22], [sflag:s7] =	dma.local [hbm:s6], s5  }
0x9e: {  	_ =	swait.ge [sflag:s7], s5  }
0x9f: {  	s5 =	ssub.s32 $0x0, s5;
	[sflag:s7] =	ssyncset.done $0x0  }
0xa0: {  	[sflag:s7] =	ssyncadd.s32 s5;
	_ =	sdelay $0x1  }
0xa1: {  	s23 =	simm.s32 $0x1B8B  }
0xa2: {  	_ =	swait.ge [sflag:s23], $0x1  }
0xa3: {  	[sflag:s23] =	ssyncset.done $0x0  }
0xa4: {  	[sflag:s23] =	ssyncadd.s32 $0xFFFFFFFF  }
0xa5: {  	s5 =	sld [smem:$0x0]  }
0xa6: {  	s6 =	sand.u32 $0xFFFFFFFE, s1  }
0xa7: {  	p0 =	sne.s32 s1, s6  }
0xa8: {  	s6 =	sshll.u32 @p0 s6, $0xE  }
0xa9: {  	s6 =	sadd.s32 @p0 $0x11B8D, s6;
	s7 =	sshll.u32 @p0 s5, $0x11  }
0xaa: {  	s6 =	sor.u32 @p0 s7, s6  }
0xab: {  	[sflag:s6] =	ssyncadd.remote.s32 @p0 $0x1;
	_ =	sdelay $0x1  }
0xac: {  	s6 =	simm.s32 @p0 $0x1B8D  }
0xad: {  	_ =	swait.eq @p0 [sflag:s6], $0x1  }
0xae: {  	[sflag:s6] =	ssyncadd.s32 @p0 $0xFFFFFFFF  }
0xaf: {  	s7 =	sshll.u32 @!p0 s1, $0xE  }
0xb0: {  	s7 =	sor.u32 @!p0 $0x4000, s7;
	s6 =	simm.s32 @!p0 $0x1B8D  }
0xb1: {  	s5 =	sshll.u32 @!p0 s5, $0x11;
	s7 =	sadd.s32 @!p0 $0x11B8D, s7;
	_ =	swait.eq @!p0 [sflag:s6], $0x1  }
0xb2: {  	s5 =	sor.u32 @!p0 s5, s7;
	[sflag:s6] =	ssyncadd.s32 @!p0 $0xFFFFFFFF  }
0xb3: {  	s25 =	simm.s32 $0x1B8E;
	s24 =	sld [smem:$0x3FFE];
	[sflag:s5] =	ssyncadd.remote.s32 @!p0 $0x1  }
0xb4: {  	s26 =	simm.s32 $execute0_lowered;
	[smem:$0x3FD2] =	sst s25  }
0xb5: {  	s6 =	sshll.u32 s26, $0x1;
	_ =	strace $0x8000004F;
	[dreg:$0x1] =	wrdreg $0xFFFFFFFF  }
0xb6: {  	s28 =	simm.s32 $_size_execute0_lowered;
	s4 =	sadd.s32 s4, s6;
	[dreg:$0x0] =	wrdreg $0x0  }
0xb7: {  	s6 =	sshll.u32 s28, $0x1;
	[dreg:$0x2] =	wrdreg s4  }
0xb8: {  	[dreg:$0x3] =	wrdreg s6  }
0xb9: {  	[dreg:$0x4] =	wrdreg $0xC0  }
0xba: {  	_ =	task [dreg:s22], $0x5FFFF  }
0xbb: {  	[dreg:$0x1] =	wrdreg $0xFFFFFFFF  }
0xbc: {  	[dreg:$0x0] =	wrdreg $0x60  }
0xbd: {  	[dreg:$0x2] =	wrdreg s18  }
0xbe: {  	[dreg:$0x3] =	wrdreg s24  }
0xbf: {  	[dreg:$0x4] =	wrdreg $0xC  }
0xc0: {  	_ =	task.clear_ibuf [dreg:s22], $0x5FFFF;
	_ =	strace $0x9000004F  }
0xc1: {  	s29 =	simm.s32 $0xC;
	_ =	strace $0x80000051  }
0xc2: {  	_ =	swait.ge [sflag:s29], $0x1  }
0xc3: {  	[sflag:s29] =	ssyncadd.s32 $0xFFFFFFFF  }
0xc4: {  	_ =	strace $0x90000051  }
0xc5: {  	_ =	sfence  }
0xc6: {  	s30 =	sld [smem:$0x0];
	_ =	sdelay $0x2  }
0xc7: {  	s31 =	sshll.u32 s1, $0xD;
	s1 =	sshrl.u32 s1, $0x2  }
0xc8: {  	s4 =	sand.u32 $0x4000, s31;
	s1 =	sadd.s32 s1, s30  }
0xc9: {  	s0 =	sor.u32 s4, s0;
	s1 =	sshll.u32 s1, $0x11  }
0xca: {  	s0 =	sor.u32 s1, s0  }
0xcb: {  	s0 =	sadd.s32 $0x8F2B, s0  }
0xcc: {  	[sflag:s0] =	ssyncadd.remote.s32 $0x1  }
0xcd: {  	_ =	sfence.sel $0xFFFF  }
0xce: {  	[dreg:$0x0] =	wrdreg $0xFFFFFFFF;
	(pc) =	sbr.abs _section_cstart, $3  }
0xcf: {  	[dreg:$0x1] =	wrdreg $0xFFFFFFFF  }
0xd0: {  	_ =	task.clear_ibuf [dreg:s22], $0x2FFFF;
	_ =	strace $0x9FFFFFFF  }
0xd1: {  	(tm) =	ssettm $0x7FFFFFFF  }
tec
execute0_lowered:
.L_overlay_start_1:
0x0: {  	(tag) =	ssettag $0x1  }
0x1: {  	s2 =	rddreg [dreg:$0x0];
	s1 =	srdreg.scid  }
0x2: {  	s0 =	stileid.u32;
	s4 =	rddreg [dreg:$0x1]  }
0x3: {  	s3 =	simm.s32 $0x0;
	s13 =	simm.s32 $0x680;
	s14 =	simm.s32 $0x2E80  }
0x4: {  	s15 =	simm.s32 $0xA0;
	s16 =	simm.s32 $0x5680;
	s17 =	simm.s32 $0xF0  }
0x5: {  	s18 =	simm.s32 $0x7E80;
	s19 =	simm.s32 $0x1;
	s20 =	simm.s32 $0x2  }
0x6: {  	s21 =	simm.s32 $0x3;
	s22 =	simm.s32 $0x4;
	s23 =	simm.s32 $0x0  }
0x7: {  	s7 =	sand.u32 $0x1, s1;
	s5 =	sshll.u32 s0, $0x1;
	s1 =	rddreg [dreg:$0x2]  }
0x8: {  	[smem:$0x7FF] =	sst s3;
	s11 =	smul.u32 $0xC800, s0;
	s5 =	sor.u32 s7, s5  }
0x9: {  	s10 =	sadd.s32 $0x25FC00, s4;
	s8 =	ssub.s32 $0x2, s7;
	s6 =	smul.u32 $0x640, s5  }
0xa: {  	_ =	strace $0x80000050;
	s9 =	sshrl.u32 s8, $0x1;
	s5 =	smul.u32 $0x6400, s5  }
0xb: {  	s12 =	smul.u32 $0x6400, s7;
	s8 =	ssub.s32 s8, s9;
	s6 =	sshrl.u32 s6, $0x3  }
0xc: {  	s31 =	sadd.s32 s10, s5;
	s5 =	smax.u32 s8, $0x1;
	s10 =	sadd.s32 s11, s10  }
0xd: {  	s11 =	simm.s32 $0x5;
	s4 =	sadd.s32 s4, s6;
	s6 =	sadd.s32 $0x5000, s31  }
0xe: {  	s7 =	sadd.s32 $0x5500, s31;
	s8 =	sadd.s32 $0x5A00, s31;
	s9 =	sadd.s32 $0x5F00, s31  }
0xf: {  	s10 =	sadd.s32 s12, s10;
	s12 =	simm.s32 $0x50;
	s4 =	sadd.s32 $0x6300, s4  }
.LBB2_1:
0x10: {  	[tilespmem:s3], [sflag:$0x5] =	stream.linear.gather [hbm4b:s4+s3], $0x640, $0x38;
	[tilespmem:$0xA680] =	vst v63  }
0x11: {  	_ =	swait.ge [sflag:s11], $0x640  }
0x12: {  	[sflag:s11] =	ssyncset.done $0x0  }
0x13: {  	[sflag:s11] =	ssyncadd.s32 $0xFFFFF9C0  }
0x14: {  	[tilespmem:s13], [sflag:$0x1] =	stream.indirect.gather [hbm4b:s2+s12], $0x80, s3, s12, $0xb8;
	[tilespmem:$0xA680] =	vst v63  }
0x15: {  	_ = 	snop  }
0x16: {  	[tilespmem:s14], [sflag:$0x2] =	stream.indirect.gather [hbm4b:s2+s12], $0x80, s12, s12, $0xb8;
	[tilespmem:$0xA680] =	vst v63  }
0x17: {  	_ = 	snop  }
0x18: {  	[tilespmem:s16], [sflag:$0x3] =	stream.indirect.gather [hbm4b:s2+s12], $0x80, s15, s12, $0xb8;
	[tilespmem:$0xA680] =	vst v63  }
0x19: {  	_ = 	snop  }
0x1a: {  	[tilespmem:s18], [sflag:$0x4] =	stream.indirect.gather [hbm4b:s2+s12], $0x80, s17, s12, $0xb8;
	[tilespmem:$0xA680] =	vst v63  }
0x1b: {  	_ =	swait.ge [sflag:s19], $0x2800  }
0x1c: {  	[sflag:s19] =	ssyncset.done $0x0  }
0x1d: {  	s24 =	sadd.s32 $0x0, s10;
	[sflag:s19] =	ssyncadd.s32 $0xFFFFD800  }
0x1e: {  	[hbm4b:s24+s3] =	stream.linear.scatter [tilespmem:s13], [sflag:$0x5], $0x2800, $0x38;
	[tilespmem:$0xA680] =	vst v63  }
0x1f: {  	_ =	swait.ge [sflag:s11], $0x2800  }
0x20: {  	[sflag:s11] =	ssyncset.done $0x0  }
0x21: {  	s25 =	simm.s32 $0x140;
	[sflag:s11] =	ssyncadd.s32 $0xFFFFD800  }
0x22: {  	[tilespmem:s13], [sflag:$0x1] =	stream.indirect.gather [hbm4b:s2+s12], $0x80, s25, s12, $0xb8;
	[tilespmem:$0xA680] =	vst v63  }
0x23: {  	_ =	swait.ge [sflag:s20], $0x2800  }
0x24: {  	[sflag:s20] =	ssyncset.done $0x0  }
0x25: {  	s28 =	sadd.s32 $0x500, s24;
	[sflag:s20] =	ssyncadd.s32 $0xFFFFD800  }
0x26: {  	[hbm4b:s28+s3] =	stream.linear.scatter [tilespmem:s14], [sflag:$0x5], $0x2800, $0x38;
	[tilespmem:$0xA680] =	vst v63  }
0x27: {  	_ =	swait.ge [sflag:s11], $0x2800  }
0x28: {  	[sflag:s11] =	ssyncset.done $0x0  }
0x29: {  	s29 =	simm.s32 $0x190;
	[sflag:s11] =	ssyncadd.s32 $0xFFFFD800  }
0x2a: {  	[tilespmem:s14], [sflag:$0x2] =	stream.indirect.gather [hbm4b:s2+s12], $0x80, s29, s12, $0xb8;
	[tilespmem:$0xA680] =	vst v63  }
0x2b: {  	_ =	swait.ge [sflag:s21], $0x2800  }
0x2c: {  	[sflag:s21] =	ssyncset.done $0x0  }
0x2d: {  	s30 =	sadd.s32 $0xA00, s24;
	[sflag:s21] =	ssyncadd.s32 $0xFFFFD800  }
0x2e: {  	[hbm4b:s30+s3] =	stream.linear.scatter [tilespmem:s16], [sflag:$0x5], $0x2800, $0x38;
	[tilespmem:$0xA680] =	vst v63  }
0x2f: {  	_ =	swait.ge [sflag:s11], $0x2800  }
0x30: {  	[sflag:s11] =	ssyncset.done $0x0  }
0x31: {  	s31 =	simm.s32 $0x1E0;
	[sflag:s11] =	ssyncadd.s32 $0xFFFFD800  }
0x32: {  	[tilespmem:s16], [sflag:$0x3] =	stream.indirect.gather [hbm4b:s2+s12], $0x80, s31, s12, $0xb8;
	[tilespmem:$0xA680] =	vst v63  }
0x33: {  	_ =	swait.ge [sflag:s22], $0x2800  }
0x34: {  	[sflag:s22] =	ssyncset.done $0x0  }
0x35: {  	s24 =	sadd.s32 $0xF00, s24;
	[sflag:s22] =	ssyncadd.s32 $0xFFFFD800  }
0x36: {  	[hbm4b:s24+s3] =	stream.linear.scatter [tilespmem:s18], [sflag:$0x5], $0x2800, $0x38;
	[tilespmem:$0xA680] =	vst v63  }
0x37: {  	_ =	swait.ge [sflag:s11], $0x2800  }
0x38: {  	s26 =	simm.s32 $0x370;
	[sflag:s11] =	ssyncset.done $0x0  }
0x39: {  	s25 =	simm.s32 $0x1400;
	s24 =	simm.s32 $0x230;
	[sflag:s11] =	ssyncadd.s32 $0xFFFFD800  }
.LBB2_2:
0x3a: {  	[tilespmem:s18], [sflag:$0x4] =	stream.indirect.gather [hbm4b:s2+s12], $0x80, s24, s12, $0xb8;
	[tilespmem:$0xA680] =	vst v63  }
0x3b: {  	s28 =	smov.u32 s25;
	s24 =	smov.u32 s26  }
0x3c: {  	p0 =	sne.s32 s25, $0x3C00;
	s25 =	sadd.s32 $0x1400, s25;
	_ =	swait.ge [sflag:s19], $0x2800  }
0x3d: {  	[sflag:s19] =	ssyncset.done $0x0  }
0x3e: {  	s28 =	sadd.s32 s28, s10;
	[sflag:s19] =	ssyncadd.s32 $0xFFFFD800  }
0x3f: {  	[hbm4b:s28+s3] =	stream.linear.scatter [tilespmem:s13], [sflag:$0x5], $0x2800, $0x38;
	[tilespmem:$0xA680] =	vst v63  }
0x40: {  	_ =	swait.ge [sflag:s11], $0x2800  }
0x41: {  	[sflag:s11] =	ssyncset.done $0x0  }
0x42: {  	s29 =	sadd.s32 $0xFFFFFF10, s26;
	[sflag:s11] =	ssyncadd.s32 $0xFFFFD800  }
0x43: {  	[tilespmem:s13], [sflag:$0x1] =	stream.indirect.gather [hbm4b:s2+s12], $0x80, s29, s12, $0xb8;
	[tilespmem:$0xA680] =	vst v63  }
0x44: {  	_ =	swait.ge [sflag:s20], $0x2800  }
0x45: {  	[sflag:s20] =	ssyncset.done $0x0  }
0x46: {  	s29 =	sadd.s32 $0x500, s28;
	[sflag:s20] =	ssyncadd.s32 $0xFFFFD800  }
0x47: {  	[hbm4b:s29+s3] =	stream.linear.scatter [tilespmem:s14], [sflag:$0x5], $0x2800, $0x38;
	[tilespmem:$0xA680] =	vst v63  }
0x48: {  	_ =	swait.ge [sflag:s11], $0x2800  }
0x49: {  	[sflag:s11] =	ssyncset.done $0x0  }
0x4a: {  	s29 =	sadd.s32 $0xFFFFFF60, s26;
	[sflag:s11] =	ssyncadd.s32 $0xFFFFD800  }
0x4b: {  	[tilespmem:s14], [sflag:$0x2] =	stream.indirect.gather [hbm4b:s2+s12], $0x80, s29, s12, $0xb8;
	[tilespmem:$0xA680] =	vst v63  }
0x4c: {  	_ =	swait.ge [sflag:s21], $0x2800  }
0x4d: {  	[sflag:s21] =	ssyncset.done $0x0  }
0x4e: {  	s29 =	sadd.s32 $0xA00, s28;
	[sflag:s21] =	ssyncadd.s32 $0xFFFFD800  }
0x4f: {  	[hbm4b:s29+s3] =	stream.linear.scatter [tilespmem:s16], [sflag:$0x5], $0x2800, $0x38;
	[tilespmem:$0xA680] =	vst v63  }
0x50: {  	_ =	swait.ge [sflag:s11], $0x2800  }
0x51: {  	[sflag:s11] =	ssyncset.done $0x0  }
0x52: {  	s29 =	sadd.s32 $0xFFFFFFB0, s26;
	[sflag:s11] =	ssyncadd.s32 $0xFFFFD800  }
0x53: {  	[tilespmem:s16], [sflag:$0x3] =	stream.indirect.gather [hbm4b:s2+s12], $0x80, s29, s12, $0xb8;
	[tilespmem:$0xA680] =	vst v63  }
0x54: {  	_ =	swait.ge [sflag:s22], $0x2800  }
0x55: {  	[sflag:s22] =	ssyncset.done $0x0  }
.Ltmp0:
0x56: {  	s28 =	sadd.s32 $0xF00, s28;
	[sflag:s22] =	ssyncadd.s32 $0xFFFFD800;
	(pc) =	sbr.rel @p0 .LBB2_2-.Ltmp0, $4  }
0x57: {  	[hbm4b:s28+s3] =	stream.linear.scatter [tilespmem:s18], [sflag:$0x5], $0x2800, $0x38;
	[tilespmem:$0xA680] =	vst v63  }
0x58: {  	_ =	swait.ge [sflag:s11], $0x2800  }
0x59: {  	[sflag:s11] =	ssyncset.done $0x0  }
0x5a: {  	s26 =	sadd.s32 $0x140, s26;
	[sflag:s11] =	ssyncadd.s32 $0xFFFFD800  }
0x5b: {  	[tilespmem:s18], [sflag:$0x4] =	stream.indirect.gather [hbm4b:s2+s12], $0x80, s24, s12, $0xb8;
	[tilespmem:$0xA680] =	vst v63  }
0x5c: {  	_ =	swait.ge [sflag:s19], $0x2800  }
0x5d: {  	[sflag:s19] =	ssyncset.done $0x0  }
0x5e: {  	[sflag:s19] =	ssyncadd.s32 $0xFFFFD800  }
0x5f: {  	[hbm4b:s6+s3] =	stream.linear.scatter [tilespmem:s13], [sflag:$0x5], $0x2800, $0x38;
	[tilespmem:$0xA680] =	vst v63  }
0x60: {  	_ =	swait.ge [sflag:s11], $0x2800  }
0x61: {  	[sflag:s11] =	ssyncset.done $0x0  }
0x62: {  	[sflag:s11] =	ssyncadd.s32 $0xFFFFD800  }
0x63: {  	_ =	swait.ge [sflag:s20], $0x2800  }
0x64: {  	[sflag:s20] =	ssyncset.done $0x0  }
0x65: {  	[sflag:s20] =	ssyncadd.s32 $0xFFFFD800  }
0x66: {  	[hbm4b:s7+s3] =	stream.linear.scatter [tilespmem:s14], [sflag:$0x5], $0x2800, $0x38;
	[tilespmem:$0xA680] =	vst v63  }
0x67: {  	_ =	swait.ge [sflag:s11], $0x2800  }
0x68: {  	[sflag:s11] =	ssyncset.done $0x0  }
0x69: {  	[sflag:s11] =	ssyncadd.s32 $0xFFFFD800  }
0x6a: {  	_ =	swait.ge [sflag:s21], $0x2800  }
0x6b: {  	[sflag:s21] =	ssyncset.done $0x0  }
0x6c: {  	[sflag:s21] =	ssyncadd.s32 $0xFFFFD800  }
0x6d: {  	[hbm4b:s8+s3] =	stream.linear.scatter [tilespmem:s16], [sflag:$0x5], $0x2800, $0x38;
	[tilespmem:$0xA680] =	vst v63  }
0x6e: {  	_ =	swait.ge [sflag:s11], $0x2800  }
0x6f: {  	[sflag:s11] =	ssyncset.done $0x0  }
0x70: {  	[sflag:s11] =	ssyncadd.s32 $0xFFFFD800  }
0x71: {  	s23 =	sadd.s32 $0x1, s23;
	_ =	swait.ge [sflag:s22], $0x2800  }
0x72: {  	p0 =	sne.s32 s23, s5;
	[sflag:s22] =	ssyncset.done $0x0  }
.Ltmp1:
0x73: {  	[sflag:s22] =	ssyncadd.s32 $0xFFFFD800;
	(pc) =	sbr.rel @p0 .LBB2_1-.Ltmp1, $4  }
0x74: {  	[hbm4b:s9+s3] =	stream.linear.scatter [tilespmem:s18], [sflag:$0x5], $0x2800, $0x38;
	[tilespmem:$0xA680] =	vst v63  }
0x75: {  	_ =	swait.ge [sflag:s11], $0x2800  }
0x76: {  	[sflag:s11] =	ssyncset.done $0x0  }
0x77: {  	[sflag:s11] =	ssyncadd.s32 $0xFFFFD800  }
0x78: {  	_ =	sfence.sel $0x180000  }
0x79: {  	[bflag:$0x0] =	sbarrier.arrive $0xFFFF  }
0x7a: {  	p0 =	sne.s32 s0, $0x0;
	_ =	strace $0x90000050  }
0x7b: {  	s0 =	sadd.s32 @!p0 $0x100000, s1;
	[bflag:$0x2] =	sbarrier.arrive $0xFFFF  }
0x7c: {  	[sflag:s0] =	ssyncadd.tile.s32 @!p0 $0x1;
	_ =	shalt  }
.Lfunc_end2:
_tile_overlayer_lowered:
.L_overlay_start_2:
0x7d: {  	(tag) =	ssettag $0x2  }
0x7e: {  	s0 =	rddreg [dreg:$0x0];
	s2 =	stileid.u32  }
0x7f: {  	s1 =	rddreg [dreg:$0x1];
	p0 =	sne.s32 s2, $0x0  }
0x80: {  	s3 =	rddreg [dreg:$0x2];
	[bflag:$0x3] =	sbarrier.arrive $0xFFFF;
	s2 =	simm.s32 @!p0 $0x1C05  }
0x81: {  	[timem:s3], [sflag:s2] =	dma.local @!p0 [hbm:s0], s1  }
0x82: {  	s0 =	simm.s32 @!p0 $0x5  }
0x83: {  	_ =	swait.ge @!p0 [sflag:s0], s1  }
0x84: {  	s1 =	ssub.s32 @!p0 $0x0, s1;
	[sflag:s0] =	ssyncset.done @!p0 $0x0  }
0x85: {  	[sflag:s0] =	ssyncadd.s32 @!p0 s1  }
0x86: {  	[bflag:$0x3] =	sbarrier.arrive $0xFFFF  }
0x87: {  	_ =	shalt  }

</sc_bundles>
